<compile_context>
chip_gen: v7x
topology: tpu7x:2x2x1
jax: 0.10.2.dev20260603
libtpu: 0.0.44.dev20260713+nightly
codegen_flags: <defaults>
</compile_context>

<pallas_src>
import functools

import jax
import jax.numpy as jnp
from jax import lax
from jax.experimental import pallas as pl
from jax.experimental.pallas import tpu as pltpu
from jax.experimental.pallas import tpu_sc as plsc

_NC = 2
_NS = 16
_NW = _NC * _NS
_ROW = 128
_K = 8
_TARGET = 1


def _mesh():
    return plsc.VectorSubcoreMesh(
        core_axis_name="c", subcore_axis_name="s",
        num_cores=_NC, num_subcores=_NS)


def _edge_stats_body(n_acc, stripe, chunks, rows_per_worker,
                     src_hbm, dst_hbm, out_do, out_di, out_k,
                     src2d, dst2d, ones_v, mrow, zobuf,
                     acc_do, acc_di, acc_k):
    cid = lax.axis_index("c")
    sid = lax.axis_index("s")
    wid = sid * _NC + cid

    for t in range(_ROW // 16):
        ones_v[pl.ds(t * 16, 16)] = jnp.ones((16,), jnp.float32)

    def _zero(i, carry):
        zobuf[pl.ds(i * 16, 16)] = jnp.zeros((16,), jnp.float32)
        return carry
    lax.fori_loop(0, stripe // 16, _zero, 0)

    off = pl.multiple_of(sid * stripe, 128)
    pltpu.sync_copy(zobuf, acc_do.at[pl.ds(off, stripe)])
    pltpu.sync_copy(zobuf, acc_di.at[pl.ds(off, stripe)])
    pltpu.sync_copy(zobuf, acc_k.at[pl.ds(off, stripe)])
    plsc.subcore_barrier()

    row0 = wid * rows_per_worker

    def _chunk(ci, carry):
        base = pl.multiple_of(row0 + ci * _K, 8)
        pltpu.sync_copy(src_hbm.at[pl.ds(base, _K)], src2d)
        pltpu.sync_copy(dst_hbm.at[pl.ds(base, _K)], dst2d)
        for j in range(_K):
            pltpu.sync_copy(ones_v, acc_do.at[src2d.at[j]], add=True)
            pltpu.sync_copy(ones_v, acc_di.at[dst2d.at[j]], add=True)
            for t in range(_ROW // 16):
                v = dst2d[j, pl.ds(t * 16, 16)]
                mrow[pl.ds(t * 16, 16)] = jnp.where(v == _TARGET, 1.0, 0.0)
            pltpu.sync_copy(mrow, acc_k.at[src2d.at[j]], add=True)
        return carry
    lax.fori_loop(0, chunks, _chunk, 0)
    plsc.subcore_barrier()

    obase = pl.multiple_of(cid * n_acc + off, 128)
    pltpu.sync_copy(acc_do.at[pl.ds(off, stripe)], zobuf)
    pltpu.sync_copy(zobuf, out_do.at[pl.ds(obase, stripe)])
    pltpu.sync_copy(acc_di.at[pl.ds(off, stripe)], zobuf)
    pltpu.sync_copy(zobuf, out_di.at[pl.ds(obase, stripe)])
    pltpu.sync_copy(acc_k.at[pl.ds(off, stripe)], zobuf)
    pltpu.sync_copy(zobuf, out_k.at[pl.ds(obase, stripe)])


def _segsum_body(n_acc, stripe, chunks, rows_per_worker,
                 src_hbm, dst_hbm, c_hbm, out_s1,
                 src2d, dst2d, cvals, zobuf, acc, sem):
    cid = lax.axis_index("c")
    sid = lax.axis_index("s")
    wid = sid * _NC + cid

    def _zero(i, carry):
        zobuf[pl.ds(i * 16, 16)] = jnp.zeros((16,), jnp.float32)
        return carry
    lax.fori_loop(0, stripe // 16, _zero, 0)

    off = pl.multiple_of(sid * stripe, 128)
    pltpu.sync_copy(zobuf, acc.at[pl.ds(off, stripe)])
    plsc.subcore_barrier()

    row0 = wid * rows_per_worker

    def _chunk(ci, carry):
        base = pl.multiple_of(row0 + ci * _K, 8)
        pltpu.sync_copy(src_hbm.at[pl.ds(base, _K)], src2d)
        pltpu.sync_copy(dst_hbm.at[pl.ds(base, _K)], dst2d)
        copies = []
        for j in range(_K):
            copies.append(
                pltpu.async_copy(c_hbm.at[src2d.at[j]], cvals.at[j], sem))
        for h in copies:
            h.wait()
        for j in range(_K):
            pltpu.sync_copy(cvals.at[j], acc.at[dst2d.at[j]], add=True)
        return carry
    lax.fori_loop(0, chunks, _chunk, 0)
    plsc.subcore_barrier()

    obase = pl.multiple_of(cid * n_acc + off, 128)
    pltpu.sync_copy(acc.at[pl.ds(off, stripe)], zobuf)
    pltpu.sync_copy(zobuf, out_s1.at[pl.ds(obase, stripe)])


def kernel(in_feat, edge_index, W0, b0, W1, b1):
    n = in_feat.shape[0]
    e = edge_index.shape[1]

    grain = _NW * _K * _ROW
    e_pad = -(-e // grain) * grain
    nrows = e_pad // _ROW
    rows_per_worker = nrows // _NW
    chunks = rows_per_worker // _K

    stripe = -(-(-(-n // _NS)) // 128) * 128
    n_acc = stripe * _NS
    if n_acc < n + 1:
        stripe += 128
        n_acc = stripe * _NS

    pad = jnp.full((e_pad - e,), n, dtype=jnp.int32)
    src = jnp.concatenate([edge_index[0], pad]).reshape(nrows, _ROW)
    dst = jnp.concatenate([edge_index[1], pad]).reshape(nrows, _ROW)

    stats = functools.partial(
        pl.kernel,
        out_type=[jax.ShapeDtypeStruct((_NC * n_acc,), jnp.float32)] * 3,
        mesh=_mesh(),
        scratch_types=[
            pltpu.VMEM((_K, _ROW), jnp.int32),
            pltpu.VMEM((_K, _ROW), jnp.int32),
            pltpu.VMEM((_ROW,), jnp.float32),
            pltpu.VMEM((_ROW,), jnp.float32),
            pltpu.VMEM((stripe,), jnp.float32),
            pltpu.VMEM_SHARED((n_acc,), jnp.float32),
            pltpu.VMEM_SHARED((n_acc,), jnp.float32),
            pltpu.VMEM_SHARED((n_acc,), jnp.float32),
        ],
    )(functools.partial(_edge_stats_body, n_acc, stripe, chunks,
                        rows_per_worker))
    do2, di2, k2 = stats(src, dst)

    do2 = do2.reshape(_NC, n_acc)
    di2 = di2.reshape(_NC, n_acc)
    k2 = k2.reshape(_NC, n_acc)
    deg_out = jnp.maximum(do2[0, :n] + do2[1, :n], 1.0)
    deg_in = jnp.maximum(di2[0, :n] + di2[1, :n], 1.0)
    k_cnt = k2[0, :n] + k2[1, :n]
    norm_src = lax.rsqrt(deg_out)
    norm_dst = lax.rsqrt(deg_in)

    c = in_feat[:, 0] * norm_src
    c_pad = jnp.concatenate([c, jnp.zeros((n_acc - n,), jnp.float32)])

    segsum = functools.partial(
        pl.kernel,
        out_type=jax.ShapeDtypeStruct((_NC * n_acc,), jnp.float32),
        mesh=_mesh(),
        scratch_types=[
            pltpu.VMEM((_K, _ROW), jnp.int32),
            pltpu.VMEM((_K, _ROW), jnp.int32),
            pltpu.VMEM((_K, _ROW), jnp.float32),
            pltpu.VMEM((stripe,), jnp.float32),
            pltpu.VMEM_SHARED((n_acc,), jnp.float32),
            pltpu.SemaphoreType.DMA,
        ],
    )(functools.partial(_segsum_body, n_acc, stripe, chunks,
                        rows_per_worker))
    s1_2 = segsum(src, dst, c_pad).reshape(_NC, n_acc)
    s1 = s1_2[0, :n] + s1_2[1, :n]

    a = s1 * norm_dst
    z = jax.nn.leaky_relu(a[:, None] * W0[0][None, :] + b0[None, :], 0.01)
    d = (z @ W1[:, 0]) * norm_src
    r = jnp.sum(k_cnt * d)
    out = jax.nn.leaky_relu(norm_dst[_TARGET] * r + b1, 0.01)
    return out

# --- scband reference (transcript-rebuilt; emitter-appended) ---
"""Pipeline reference for scband-dummy-gcn3-3745211482885 (READ-ONLY COPY).

The authoritative reference and input builder live on the scoring server;
editing this copy changes nothing except your own understanding.
"""

import jax, jax.numpy as jnp
import numpy as np

N_NODES = 100000
N_EDGES = 1600000
H1 = 32


def setup_inputs(seed: int = 0) -> dict:
    key = jax.random.key(seed)
    k1, k2, k3, k4, k5, k6 = jax.random.split(key, 6)
    in_feat = jax.random.normal(k1, (N_NODES, 1), dtype=jnp.float32)
    edge_index = jax.random.randint(k2, (2, N_EDGES), 0, N_NODES, dtype=jnp.int32)
    # GraphConv parameters (glorot-ish init), layer0: 1 -> H1, layer1: H1 -> 1
    W0 = jax.random.normal(k3, (1, H1), dtype=jnp.float32) * (1.0 / np.sqrt(1.0))
    b0 = jnp.zeros((H1,), dtype=jnp.float32)
    W1 = jax.random.normal(k4, (H1, 1), dtype=jnp.float32) * (1.0 / np.sqrt(H1))
    b1 = jnp.zeros((1,), dtype=jnp.float32)
    return {"in_feat": in_feat, "edge_index": edge_index, "W0": W0, "b0": b0, "W1": W1, "b1": b1}


def _graph_conv(x, src, dst, norm_src, norm_dst, W, b, n_nodes):
    # DGL GraphConv with norm='both': D_out^{-1/2} applied to src feats,
    # sum-aggregate along edges, D_in^{-1/2} applied to dst, then +bias.
    h = x * norm_src[:, None]
    h = h @ W
    m = jax.ops.segment_sum(h[src], dst, num_segments=n_nodes)
    m = m * norm_dst[:, None]
    return m + b


def reference(in_feat, edge_index, W0, b0, W1, b1):
    src = edge_index[0]
    dst = edge_index[1]
    n_nodes = in_feat.shape[0]
    ones = jnp.ones(src.shape[0], dtype=jnp.float32)
    deg_out = jnp.clip(jax.ops.segment_sum(ones, src, num_segments=n_nodes), 1.0, None)
    deg_in = jnp.clip(jax.ops.segment_sum(ones, dst, num_segments=n_nodes), 1.0, None)
    norm_src = deg_out ** -0.5
    norm_dst = deg_in ** -0.5

    h = _graph_conv(in_feat, src, dst, norm_src, norm_dst, W0, b0, n_nodes)
    h = jax.nn.leaky_relu(h, negative_slope=0.01)
    h = _graph_conv(h, src, dst, norm_src, norm_dst, W1, b1, n_nodes)
    h = jax.nn.leaky_relu(h, negative_slope=0.01)
    return h[1]

if __name__ == "__main__":
    import jax
    _d = setup_inputs()
    print(jax.jit(kernel)(*tuple(_d.values())))

</pallas_src>

<mosaic_0001>
#map = affine_map<(d0, d1) -> (0, 0)>
#map1 = affine_map<(d0, d1) -> (0)>
module attributes {stable_mosaic.version = 14 : i64} {
  func.func @_edge_stats_body(%arg0: i32, %arg1: i32, %arg2: memref<12544x128xi32, #tpu.memory_space<hbm>>, %arg3: memref<12544x128xi32, #tpu.memory_space<hbm>>, %arg4: memref<200704xf32, #tpu.memory_space<hbm>>, %arg5: memref<200704xf32, #tpu.memory_space<hbm>>, %arg6: memref<200704xf32, #tpu.memory_space<hbm>>, %arg7: memref<8x128xi32, #tpu.memory_space<vmem>>, %arg8: memref<8x128xi32, #tpu.memory_space<vmem>>, %arg9: memref<128xf32, #tpu.memory_space<vmem>>, %arg10: memref<128xf32, #tpu.memory_space<vmem>>, %arg11: memref<6272xf32, #tpu.memory_space<vmem>>, %arg12: memref<100352xf32, #tpu.memory_space<vmem_shared>>, %arg13: memref<100352xf32, #tpu.memory_space<vmem_shared>>, %arg14: memref<100352xf32, #tpu.memory_space<vmem_shared>>) attributes {dimension_semantics = [#tpu.dimension_semantics<core_parallel>, #tpu.dimension_semantics<subcore_parallel>], iteration_bounds = array<i64: 2, 16>, scalar_prefetch = 0 : i64, scratch_operands = 8 : i64, tpu.core_type = #tpu.core_type<sc_vector_subcore>, window_params = [{transform_indices = #map}, {transform_indices = #map}, {transform_indices = #map1}, {transform_indices = #map1}, {transform_indices = #map1}]} {
    %mul3A = arith.constant 2 : i32
    %mul3A_0 = arith.muli %arg1, %mul3A : i32
    %add3A = arith.addi %mul3A_0, %arg0 : i32
    %broadcast_in_dim3A = arith.constant 1.000000e+00 : f32
    %broadcast_in_dim3A_1 = vector.broadcast %broadcast_in_dim3A : f32 to vector<16xf32>
    %swap3A = arith.constant 0 : index
    %swap3A_2 = tpu.vector_load %arg9[%swap3A] {strides = array<i32>} : memref<128xf32, #tpu.memory_space<vmem>>, vector<16xf32>,
    %swap3A_3 = vector.shape_cast %swap3A_2 : vector<16xf32> to vector<16xf32>
    %swap3A_4 = vector.shape_cast %broadcast_in_dim3A_1 : vector<16xf32> to vector<16xf32>
    tpu.vector_store %arg9[%swap3A], %swap3A_4 {strides = array<i32>} : memref<128xf32, #tpu.memory_space<vmem>>, vector<16xf32>,
    %broadcast_in_dim3A_5 = arith.constant 1.000000e+00 : f32
    %broadcast_in_dim3A_6 = vector.broadcast %broadcast_in_dim3A_5 : f32 to vector<16xf32>
    %swap3A_7 = arith.constant 16 : index
    %swap3A_8 = tpu.vector_load %arg9[%swap3A_7] {strides = array<i32>} : memref<128xf32, #tpu.memory_space<vmem>>, vector<16xf32>,
    %swap3A_9 = vector.shape_cast %swap3A_8 : vector<16xf32> to vector<16xf32>
    %swap3A_10 = vector.shape_cast %broadcast_in_dim3A_6 : vector<16xf32> to vector<16xf32>
    tpu.vector_store %arg9[%swap3A_7], %swap3A_10 {strides = array<i32>} : memref<128xf32, #tpu.memory_space<vmem>>, vector<16xf32>,
    %broadcast_in_dim3A_11 = arith.constant 1.000000e+00 : f32
    %broadcast_in_dim3A_12 = vector.broadcast %broadcast_in_dim3A_11 : f32 to vector<16xf32>
    %swap3A_13 = arith.constant 32 : index
    %swap3A_14 = tpu.vector_load %arg9[%swap3A_13] {strides = array<i32>} : memref<128xf32, #tpu.memory_space<vmem>>, vector<16xf32>,
    %swap3A_15 = vector.shape_cast %swap3A_14 : vector<16xf32> to vector<16xf32>
    %swap3A_16 = vector.shape_cast %broadcast_in_dim3A_12 : vector<16xf32> to vector<16xf32>
    tpu.vector_store %arg9[%swap3A_13], %swap3A_16 {strides = array<i32>} : memref<128xf32, #tpu.memory_space<vmem>>, vector<16xf32>,
    %broadcast_in_dim3A_17 = arith.constant 1.000000e+00 : f32
    %broadcast_in_dim3A_18 = vector.broadcast %broadcast_in_dim3A_17 : f32 to vector<16xf32>
    %swap3A_19 = arith.constant 48 : index
    %swap3A_20 = tpu.vector_load %arg9[%swap3A_19] {strides = array<i32>} : memref<128xf32, #tpu.memory_space<vmem>>, vector<16xf32>,
    %swap3A_21 = vector.shape_cast %swap3A_20 : vector<16xf32> to vector<16xf32>
    %swap3A_22 = vector.shape_cast %broadcast_in_dim3A_18 : vector<16xf32> to vector<16xf32>
    tpu.vector_store %arg9[%swap3A_19], %swap3A_22 {strides = array<i32>} : memref<128xf32, #tpu.memory_space<vmem>>, vector<16xf32>,
    %broadcast_in_dim3A_23 = arith.constant 1.000000e+00 : f32
    %broadcast_in_dim3A_24 = vector.broadcast %broadcast_in_dim3A_23 : f32 to vector<16xf32>
    %swap3A_25 = arith.constant 64 : index
    %swap3A_26 = tpu.vector_load %arg9[%swap3A_25] {strides = array<i32>} : memref<128xf32, #tpu.memory_space<vmem>>, vector<16xf32>,
    %swap3A_27 = vector.shape_cast %swap3A_26 : vector<16xf32> to vector<16xf32>
    %swap3A_28 = vector.shape_cast %broadcast_in_dim3A_24 : vector<16xf32> to vector<16xf32>
    tpu.vector_store %arg9[%swap3A_25], %swap3A_28 {strides = array<i32>} : memref<128xf32, #tpu.memory_space<vmem>>, vector<16xf32>,
    %broadcast_in_dim3A_29 = arith.constant 1.000000e+00 : f32
    %broadcast_in_dim3A_30 = vector.broadcast %broadcast_in_dim3A_29 : f32 to vector<16xf32>
    %swap3A_31 = arith.constant 80 : index
    %swap3A_32 = tpu.vector_load %arg9[%swap3A_31] {strides = array<i32>} : memref<128xf32, #tpu.memory_space<vmem>>, vector<16xf32>,
    %swap3A_33 = vector.shape_cast %swap3A_32 : vector<16xf32> to vector<16xf32>
    %swap3A_34 = vector.shape_cast %broadcast_in_dim3A_30 : vector<16xf32> to vector<16xf32>
    tpu.vector_store %arg9[%swap3A_31], %swap3A_34 {strides = array<i32>} : memref<128xf32, #tpu.memory_space<vmem>>, vector<16xf32>,
    %broadcast_in_dim3A_35 = arith.constant 1.000000e+00 : f32
    %broadcast_in_dim3A_36 = vector.broadcast %broadcast_in_dim3A_35 : f32 to vector<16xf32>
    %swap3A_37 = arith.constant 96 : index
    %swap3A_38 = tpu.vector_load %arg9[%swap3A_37] {strides = array<i32>} : memref<128xf32, #tpu.memory_space<vmem>>, vector<16xf32>,
    %swap3A_39 = vector.shape_cast %swap3A_38 : vector<16xf32> to vector<16xf32>
    %swap3A_40 = vector.shape_cast %broadcast_in_dim3A_36 : vector<16xf32> to vector<16xf32>
    tpu.vector_store %arg9[%swap3A_37], %swap3A_40 {strides = array<i32>} : memref<128xf32, #tpu.memory_space<vmem>>, vector<16xf32>,
    %broadcast_in_dim3A_41 = arith.constant 1.000000e+00 : f32
    %broadcast_in_dim3A_42 = vector.broadcast %broadcast_in_dim3A_41 : f32 to vector<16xf32>
    %swap3A_43 = arith.constant 112 : index
    %swap3A_44 = tpu.vector_load %arg9[%swap3A_43] {strides = array<i32>} : memref<128xf32, #tpu.memory_space<vmem>>, vector<16xf32>,
    %swap3A_45 = vector.shape_cast %swap3A_44 : vector<16xf32> to vector<16xf32>
    %swap3A_46 = vector.shape_cast %broadcast_in_dim3A_42 : vector<16xf32> to vector<16xf32>
    tpu.vector_store %arg9[%swap3A_43], %swap3A_46 {strides = array<i32>} : memref<128xf32, #tpu.memory_space<vmem>>, vector<16xf32>,
    %scan3A = arith.constant 0 : i32
    %scan3A_47 = arith.constant 0 : i32
    %scan3A_48 = arith.constant 392 : i32
    %scan3A_49 = arith.addi %scan3A_47, %scan3A_48 : i32
    %scan3A_50 = arith.constant 1 : i32
    scf.for %scan3A_67 = %scan3A_47 to %scan3A_49 step %scan3A_50  : i32 {
      %broadcast_in_dim3A_68 = arith.constant 0.000000e+00 : f32
      %broadcast_in_dim3A_69 = vector.broadcast %broadcast_in_dim3A_68 : f32 to vector<16xf32>
      %mul3A_70 = arith.constant 16 : i32
      %mul3A_71 = arith.muli %scan3A_67, %mul3A_70 : i32
      %swap3A_72 = arith.index_cast %mul3A_71 : i32 to index
      %swap3A_73 = tpu.vector_load %arg11[%swap3A_72] {strides = array<i32>} : memref<6272xf32, #tpu.memory_space<vmem>>, vector<16xf32>,
      %swap3A_74 = vector.shape_cast %swap3A_73 : vector<16xf32> to vector<16xf32>
      %swap3A_75 = vector.shape_cast %broadcast_in_dim3A_69 : vector<16xf32> to vector<16xf32>
      tpu.vector_store %arg11[%swap3A_72], %swap3A_75 {strides = array<i32>} : memref<6272xf32, #tpu.memory_space<vmem>>, vector<16xf32>,
    }
    %scan3A_51 = arith.constant 392 : i32
    %mul3A_52 = arith.constant 6272 : i32
    %mul3A_53 = arith.muli %arg1, %mul3A_52 : i32
    %multiple_of3A = tpu.assume_multiple %mul3A_53, 128 : i32
    "tpu.region"() ({
      %run_scoped3A = tpu.sem_alloc : memref<!tpu.dma_semaphore, #tpu.memory_space<semaphore_mem>>
      %dma_start3A = tpu.memref_slice %arg12[%multiple_of3A] : memref<100352xf32, #tpu.memory_space<vmem_shared>> -> memref<6272xf32, #tpu.memory_space<vmem_shared>>
      %dma_start3A_67 = tpu.memref_slice %arg12[%multiple_of3A] : memref<100352xf32, #tpu.memory_space<vmem_shared>> -> memref<6272xf32, #tpu.memory_space<vmem_shared>>
      tpu.enqueue_dma source(%arg11 : memref<6272xf32, #tpu.memory_space<vmem>>) target(%dma_start3A_67 : memref<6272xf32, #tpu.memory_space<vmem_shared>>) target_semaphore(%run_scoped3A : memref<!tpu.dma_semaphore, #tpu.memory_space<semaphore_mem>>)
      %dma_wait3A = tpu.memref_slice %arg12[%multiple_of3A] : memref<100352xf32, #tpu.memory_space<vmem_shared>> -> memref<6272xf32, #tpu.memory_space<vmem_shared>>
      %dma_wait3A_68 = tpu.memref_slice %arg12[%multiple_of3A] : memref<100352xf32, #tpu.memory_space<vmem_shared>> -> memref<6272xf32, #tpu.memory_space<vmem_shared>>
      tpu.wait_dma2 semaphore(%run_scoped3A : memref<!tpu.dma_semaphore, #tpu.memory_space<semaphore_mem>>) src(%arg11 : memref<6272xf32, #tpu.memory_space<vmem>>) dst(%dma_wait3A_68 : memref<6272xf32, #tpu.memory_space<vmem_shared>>)
      tpu.yield
    }) : () -> ()
    "tpu.region"() ({
      %run_scoped3A = tpu.sem_alloc : memref<!tpu.dma_semaphore, #tpu.memory_space<semaphore_mem>>
      %dma_start3A = tpu.memref_slice %arg13[%multiple_of3A] : memref<100352xf32, #tpu.memory_space<vmem_shared>> -> memref<6272xf32, #tpu.memory_space<vmem_shared>>
      %dma_start3A_67 = tpu.memref_slice %arg13[%multiple_of3A] : memref<100352xf32, #tpu.memory_space<vmem_shared>> -> memref<6272xf32, #tpu.memory_space<vmem_shared>>
      tpu.enqueue_dma source(%arg11 : memref<6272xf32, #tpu.memory_space<vmem>>) target(%dma_start3A_67 : memref<6272xf32, #tpu.memory_space<vmem_shared>>) target_semaphore(%run_scoped3A : memref<!tpu.dma_semaphore, #tpu.memory_space<semaphore_mem>>)
      %dma_wait3A = tpu.memref_slice %arg13[%multiple_of3A] : memref<100352xf32, #tpu.memory_space<vmem_shared>> -> memref<6272xf32, #tpu.memory_space<vmem_shared>>
      %dma_wait3A_68 = tpu.memref_slice %arg13[%multiple_of3A] : memref<100352xf32, #tpu.memory_space<vmem_shared>> -> memref<6272xf32, #tpu.memory_space<vmem_shared>>
      tpu.wait_dma2 semaphore(%run_scoped3A : memref<!tpu.dma_semaphore, #tpu.memory_space<semaphore_mem>>) src(%arg11 : memref<6272xf32, #tpu.memory_space<vmem>>) dst(%dma_wait3A_68 : memref<6272xf32, #tpu.memory_space<vmem_shared>>)
      tpu.yield
    }) : () -> ()
    "tpu.region"() ({
      %run_scoped3A = tpu.sem_alloc : memref<!tpu.dma_semaphore, #tpu.memory_space<semaphore_mem>>
      %dma_start3A = tpu.memref_slice %arg14[%multiple_of3A] : memref<100352xf32, #tpu.memory_space<vmem_shared>> -> memref<6272xf32, #tpu.memory_space<vmem_shared>>
      %dma_start3A_67 = tpu.memref_slice %arg14[%multiple_of3A] : memref<100352xf32, #tpu.memory_space<vmem_shared>> -> memref<6272xf32, #tpu.memory_space<vmem_shared>>
      tpu.enqueue_dma source(%arg11 : memref<6272xf32, #tpu.memory_space<vmem>>) target(%dma_start3A_67 : memref<6272xf32, #tpu.memory_space<vmem_shared>>) target_semaphore(%run_scoped3A : memref<!tpu.dma_semaphore, #tpu.memory_space<semaphore_mem>>)
      %dma_wait3A = tpu.memref_slice %arg14[%multiple_of3A] : memref<100352xf32, #tpu.memory_space<vmem_shared>> -> memref<6272xf32, #tpu.memory_space<vmem_shared>>
      %dma_wait3A_68 = tpu.memref_slice %arg14[%multiple_of3A] : memref<100352xf32, #tpu.memory_space<vmem_shared>> -> memref<6272xf32, #tpu.memory_space<vmem_shared>>
      tpu.wait_dma2 semaphore(%run_scoped3A : memref<!tpu.dma_semaphore, #tpu.memory_space<semaphore_mem>>) src(%arg11 : memref<6272xf32, #tpu.memory_space<vmem>>) dst(%dma_wait3A_68 : memref<6272xf32, #tpu.memory_space<vmem_shared>>)
      tpu.yield
    }) : () -> ()
    %barrier3A = arith.constant 0 : index
    tpu.barrier barrier_id(%barrier3A)
    %mul3A_54 = arith.constant 392 : i32
    %mul3A_55 = arith.muli %add3A, %mul3A_54 : i32
    %scan3A_56 = arith.constant 0 : i32
    %scan3A_57 = arith.constant 0 : i32
    %scan3A_58 = arith.constant 49 : i32
    %scan3A_59 = arith.addi %scan3A_57, %scan3A_58 : i32
    %scan3A_60 = arith.constant 1 : i32
    scf.for %scan3A_67 = %scan3A_57 to %scan3A_59 step %scan3A_60  : i32 {
      %mul3A_68 = arith.constant 8 : i32
      %mul3A_69 = arith.muli %scan3A_67, %mul3A_68 : i32
      %add3A_70 = arith.addi %mul3A_55, %mul3A_69 : i32
      %multiple_of3A_71 = tpu.assume_multiple %add3A_70, 8 : i32
      "tpu.region"() ({
        %run_scoped3A_1179 = tpu.sem_alloc : memref<!tpu.dma_semaphore, #tpu.memory_space<semaphore_mem>>
        %dma_start3A = arith.constant 0 : i32
        %dma_start3A_1180 = tpu.memref_slice %arg2[%multiple_of3A_71, %dma_start3A] : memref<12544x128xi32, #tpu.memory_space<hbm>> -> memref<8x128xi32, #tpu.memory_space<hbm>>
        %dma_start3A_1181 = arith.constant 0 : i32
        %dma_start3A_1182 = tpu.memref_slice %arg2[%multiple_of3A_71, %dma_start3A_1181] : memref<12544x128xi32, #tpu.memory_space<hbm>> -> memref<8x128xi32, #tpu.memory_space<hbm>>
        tpu.enqueue_dma source(%dma_start3A_1182 : memref<8x128xi32, #tpu.memory_space<hbm>>) target(%arg7 : memref<8x128xi32, #tpu.memory_space<vmem>>) target_semaphore(%run_scoped3A_1179 : memref<!tpu.dma_semaphore, #tpu.memory_space<semaphore_mem>>)
        %dma_wait3A = arith.constant 0 : i32
        %dma_wait3A_1183 = tpu.memref_slice %arg2[%multiple_of3A_71, %dma_wait3A] : memref<12544x128xi32, #tpu.memory_space<hbm>> -> memref<8x128xi32, #tpu.memory_space<hbm>>
        %dma_wait3A_1184 = arith.constant 0 : i32
        %dma_wait3A_1185 = tpu.memref_slice %arg2[%multiple_of3A_71, %dma_wait3A_1184] : memref<12544x128xi32, #tpu.memory_space<hbm>> -> memref<8x128xi32, #tpu.memory_space<hbm>>
        tpu.wait_dma2 semaphore(%run_scoped3A_1179 : memref<!tpu.dma_semaphore, #tpu.memory_space<semaphore_mem>>) src(%dma_wait3A_1185 : memref<8x128xi32, #tpu.memory_space<hbm>>) dst(%arg7 : memref<8x128xi32, #tpu.memory_space<vmem>>)
        tpu.yield
      }) : () -> ()
      "tpu.region"() ({
        %run_scoped3A_1179 = tpu.sem_alloc : memref<!tpu.dma_semaphore, #tpu.memory_space<semaphore_mem>>
        %dma_start3A = arith.constant 0 : i32
        %dma_start3A_1180 = tpu.memref_slice %arg3[%multiple_of3A_71, %dma_start3A] : memref<12544x128xi32, #tpu.memory_space<hbm>> -> memref<8x128xi32, #tpu.memory_space<hbm>>
        %dma_start3A_1181 = arith.constant 0 : i32
        %dma_start3A_1182 = tpu.memref_slice %arg3[%multiple_of3A_71, %dma_start3A_1181] : memref<12544x128xi32, #tpu.memory_space<hbm>> -> memref<8x128xi32, #tpu.memory_space<hbm>>
        tpu.enqueue_dma source(%dma_start3A_1182 : memref<8x128xi32, #tpu.memory_space<hbm>>) target(%arg8 : memref<8x128xi32, #tpu.memory_space<vmem>>) target_semaphore(%run_scoped3A_1179 : memref<!tpu.dma_semaphore, #tpu.memory_space<semaphore_mem>>)
        %dma_wait3A = arith.constant 0 : i32
        %dma_wait3A_1183 = tpu.memref_slice %arg3[%multiple_of3A_71, %dma_wait3A] : memref<12544x128xi32, #tpu.memory_space<hbm>> -> memref<8x128xi32, #tpu.memory_space<hbm>>
        %dma_wait3A_1184 = arith.constant 0 : i32
        %dma_wait3A_1185 = tpu.memref_slice %arg3[%multiple_of3A_71, %dma_wait3A_1184] : memref<12544x128xi32, #tpu.memory_space<hbm>> -> memref<8x128xi32, #tpu.memory_space<hbm>>
        tpu.wait_dma2 semaphore(%run_scoped3A_1179 : memref<!tpu.dma_semaphore, #tpu.memory_space<semaphore_mem>>) src(%dma_wait3A_1185 : memref<8x128xi32, #tpu.memory_space<hbm>>) dst(%arg8 : memref<8x128xi32, #tpu.memory_space<vmem>>)
        tpu.yield
      }) : () -> ()
      %run_scoped3A = arith.constant 0 : i32
      "tpu.region"() ({
        %run_scoped3A_1179 = tpu.sem_alloc : memref<!tpu.dma_semaphore, #tpu.memory_space<semaphore_mem>>
        %dma_start3A = arith.constant 0 : i32
        %dma_start3A_1180 = tpu.memref_slice %arg7[%run_scoped3A, %dma_start3A] : memref<8x128xi32, #tpu.memory_space<vmem>> -> memref<1x128xi32, #tpu.memory_space<vmem>>
        %dma_start3A_1181 = tpu.memref_squeeze %dma_start3A_1180 : memref<1x128xi32, #tpu.memory_space<vmem>> -> memref<128xi32, #tpu.memory_space<vmem>>
        %dma_start3A_1182 = arith.constant 0 : i32
        %dma_start3A_1183 = tpu.memref_slice %arg12[%dma_start3A_1182] : memref<100352xf32, #tpu.memory_space<vmem_shared>> -> memref<100352xf32, #tpu.memory_space<vmem_shared>>
        tpu.enqueue_indirect_dma source(%arg9 : memref<128xf32, #tpu.memory_space<vmem>>) target(%dma_start3A_1183 : memref<100352xf32, #tpu.memory_space<vmem_shared>>) offsets(%dma_start3A_1181 : memref<128xi32, #tpu.memory_space<vmem>>) semaphore(%run_scoped3A_1179 : memref<!tpu.dma_semaphore, #tpu.memory_space<semaphore_mem>>) {add = true}
        %dma_wait3A = arith.constant 0 : i32
        %dma_wait3A_1184 = tpu.memref_slice %arg7[%run_scoped3A, %dma_wait3A] : memref<8x128xi32, #tpu.memory_space<vmem>> -> memref<1x128xi32, #tpu.memory_space<vmem>>
        %dma_wait3A_1185 = tpu.memref_squeeze %dma_wait3A_1184 : memref<1x128xi32, #tpu.memory_space<vmem>> -> memref<128xi32, #tpu.memory_space<vmem>>
        %dma_wait3A_1186 = arith.constant 0 : i32
        %dma_wait3A_1187 = tpu.memref_slice %arg12[%dma_wait3A_1186] : memref<100352xf32, #tpu.memory_space<vmem_shared>> -> memref<100352xf32, #tpu.memory_space<vmem_shared>>
        tpu.wait_indirect_dma semaphore(%run_scoped3A_1179 : memref<!tpu.dma_semaphore, #tpu.memory_space<semaphore_mem>>) src(%arg9 : memref<128xf32, #tpu.memory_space<vmem>>) dst(%dma_wait3A_1187 : memref<100352xf32, #tpu.memory_space<vmem_shared>>)
        tpu.yield
      }) : () -> ()
      %run_scoped3A_72 = arith.constant 0 : i32
      "tpu.region"() ({
        %run_scoped3A_1179 = tpu.sem_alloc : memref<!tpu.dma_semaphore, #tpu.memory_space<semaphore_mem>>
        %dma_start3A = arith.constant 0 : i32
        %dma_start3A_1180 = tpu.memref_slice %arg8[%run_scoped3A_72, %dma_start3A] : memref<8x128xi32, #tpu.memory_space<vmem>> -> memref<1x128xi32, #tpu.memory_space<vmem>>
        %dma_start3A_1181 = tpu.memref_squeeze %dma_start3A_1180 : memref<1x128xi32, #tpu.memory_space<vmem>> -> memref<128xi32, #tpu.memory_space<vmem>>
        %dma_start3A_1182 = arith.constant 0 : i32
        %dma_start3A_1183 = tpu.memref_slice %arg13[%dma_start3A_1182] : memref<100352xf32, #tpu.memory_space<vmem_shared>> -> memref<100352xf32, #tpu.memory_space<vmem_shared>>
        tpu.enqueue_indirect_dma source(%arg9 : memref<128xf32, #tpu.memory_space<vmem>>) target(%dma_start3A_1183 : memref<100352xf32, #tpu.memory_space<vmem_shared>>) offsets(%dma_start3A_1181 : memref<128xi32, #tpu.memory_space<vmem>>) semaphore(%run_scoped3A_1179 : memref<!tpu.dma_semaphore, #tpu.memory_space<semaphore_mem>>) {add = true}
        %dma_wait3A = arith.constant 0 : i32
        %dma_wait3A_1184 = tpu.memref_slice %arg8[%run_scoped3A_72, %dma_wait3A] : memref<8x128xi32, #tpu.memory_space<vmem>> -> memref<1x128xi32, #tpu.memory_space<vmem>>
        %dma_wait3A_1185 = tpu.memref_squeeze %dma_wait3A_1184 : memref<1x128xi32, #tpu.memory_space<vmem>> -> memref<128xi32, #tpu.memory_space<vmem>>
        %dma_wait3A_1186 = arith.constant 0 : i32
        %dma_wait3A_1187 = tpu.memref_slice %arg13[%dma_wait3A_1186] : memref<100352xf32, #tpu.memory_space<vmem_shared>> -> memref<100352xf32, #tpu.memory_space<vmem_shared>>
        tpu.wait_indirect_dma semaphore(%run_scoped3A_1179 : memref<!tpu.dma_semaphore, #tpu.memory_space<semaphore_mem>>) src(%arg9 : memref<128xf32, #tpu.memory_space<vmem>>) dst(%dma_wait3A_1187 : memref<100352xf32, #tpu.memory_space<vmem_shared>>)
        tpu.yield
      }) : () -> ()
      %get3A = arith.constant 0 : i32
      %get3A_73 = arith.index_cast %get3A : i32 to index
      %get3A_74 = arith.constant 0 : index
      %get3A_75 = tpu.vector_load %arg8[%get3A_73, %get3A_74] {strides = array<i32>} : memref<8x128xi32, #tpu.memory_space<vmem>>, vector<1x16xi32>,
      %get3A_76 = vector.shape_cast %get3A_75 : vector<1x16xi32> to vector<16xi32>
      %eq3A = arith.constant 1 : i32
      %eq3A_77 = vector.broadcast %eq3A : i32 to vector<16xi32>
      %eq3A_78 = arith.cmpi eq, %get3A_76, %eq3A_77 : vector<16xi32>
      %jit3A = arith.constant 1.000000e+00 : f32
      %jit3A_79 = arith.constant 0.000000e+00 : f32
      %broadcast_in_dim3A_80 = vector.broadcast %jit3A : f32 to vector<16xf32>
      %broadcast_in_dim3A_81 = vector.broadcast %jit3A_79 : f32 to vector<16xf32>
      %select_n3A = arith.select %eq3A_78, %broadcast_in_dim3A_80, %broadcast_in_dim3A_81 : vector<16xi1>, vector<16xf32>
      %swap3A_82 = arith.constant 0 : index
      %swap3A_83 = tpu.vector_load %arg10[%swap3A_82] {strides = array<i32>} : memref<128xf32, #tpu.memory_space<vmem>>, vector<16xf32>,
      %swap3A_84 = vector.shape_cast %swap3A_83 : vector<16xf32> to vector<16xf32>
      %swap3A_85 = vector.shape_cast %select_n3A : vector<16xf32> to vector<16xf32>
      tpu.vector_store %arg10[%swap3A_82], %swap3A_85 {strides = array<i32>} : memref<128xf32, #tpu.memory_space<vmem>>, vector<16xf32>,
      %get3A_86 = arith.constant 0 : i32
      %get3A_87 = arith.index_cast %get3A_86 : i32 to index
      %get3A_88 = arith.constant 16 : index
      %get3A_89 = tpu.vector_load %arg8[%get3A_87, %get3A_88] {strides = array<i32>} : memref<8x128xi32, #tpu.memory_space<vmem>>, vector<1x16xi32>,
      %get3A_90 = vector.shape_cast %get3A_89 : vector<1x16xi32> to vector<16xi32>
      %eq3A_91 = arith.constant 1 : i32
      %eq3A_92 = vector.broadcast %eq3A_91 : i32 to vector<16xi32>
      %eq3A_93 = arith.cmpi eq, %get3A_90, %eq3A_92 : vector<16xi32>
      %jit3A_94 = arith.constant 1.000000e+00 : f32
      %jit3A_95 = arith.constant 0.000000e+00 : f32
      %broadcast_in_dim3A_96 = vector.broadcast %jit3A_94 : f32 to vector<16xf32>
      %broadcast_in_dim3A_97 = vector.broadcast %jit3A_95 : f32 to vector<16xf32>
      %select_n3A_98 = arith.select %eq3A_93, %broadcast_in_dim3A_96, %broadcast_in_dim3A_97 : vector<16xi1>, vector<16xf32>
      %swap3A_99 = arith.constant 16 : index
      %swap3A_100 = tpu.vector_load %arg10[%swap3A_99] {strides = array<i32>} : memref<128xf32, #tpu.memory_space<vmem>>, vector<16xf32>,
      %swap3A_101 = vector.shape_cast %swap3A_100 : vector<16xf32> to vector<16xf32>
      %swap3A_102 = vector.shape_cast %select_n3A_98 : vector<16xf32> to vector<16xf32>
      tpu.vector_store %arg10[%swap3A_99], %swap3A_102 {strides = array<i32>} : memref<128xf32, #tpu.memory_space<vmem>>, vector<16xf32>,
      %get3A_103 = arith.constant 0 : i32
      %get3A_104 = arith.index_cast %get3A_103 : i32 to index
      %get3A_105 = arith.constant 32 : index
      %get3A_106 = tpu.vector_load %arg8[%get3A_104, %get3A_105] {strides = array<i32>} : memref<8x128xi32, #tpu.memory_space<vmem>>, vector<1x16xi32>,
      %get3A_107 = vector.shape_cast %get3A_106 : vector<1x16xi32> to vector<16xi32>
      %eq3A_108 = arith.constant 1 : i32
      %eq3A_109 = vector.broadcast %eq3A_108 : i32 to vector<16xi32>
      %eq3A_110 = arith.cmpi eq, %get3A_107, %eq3A_109 : vector<16xi32>
      %jit3A_111 = arith.constant 1.000000e+00 : f32
      %jit3A_112 = arith.constant 0.000000e+00 : f32
      %broadcast_in_dim3A_113 = vector.broadcast %jit3A_111 : f32 to vector<16xf32>
      %broadcast_in_dim3A_114 = vector.broadcast %jit3A_112 : f32 to vector<16xf32>
      %select_n3A_115 = arith.select %eq3A_110, %broadcast_in_dim3A_113, %broadcast_in_dim3A_114 : vector<16xi1>, vector<16xf32>
      %swap3A_116 = arith.constant 32 : index
      %swap3A_117 = tpu.vector_load %arg10[%swap3A_116] {strides = array<i32>} : memref<128xf32, #tpu.memory_space<vmem>>, vector<16xf32>,
      %swap3A_118 = vector.shape_cast %swap3A_117 : vector<16xf32> to vector<16xf32>
      %swap3A_119 = vector.shape_cast %select_n3A_115 : vector<16xf32> to vector<16xf32>
      tpu.vector_store %arg10[%swap3A_116], %swap3A_119 {strides = array<i32>} : memref<128xf32, #tpu.memory_space<vmem>>, vector<16xf32>,
      %get3A_120 = arith.constant 0 : i32
      %get3A_121 = arith.index_cast %get3A_120 : i32 to index
      %get3A_122 = arith.constant 48 : index
      %get3A_123 = tpu.vector_load %arg8[%get3A_121, %get3A_122] {strides = array<i32>} : memref<8x128xi32, #tpu.memory_space<vmem>>, vector<1x16xi32>,
      %get3A_124 = vector.shape_cast %get3A_123 : vector<1x16xi32> to vector<16xi32>
      %eq3A_125 = arith.constant 1 : i32
      %eq3A_126 = vector.broadcast %eq3A_125 : i32 to vector<16xi32>
      %eq3A_127 = arith.cmpi eq, %get3A_124, %eq3A_126 : vector<16xi32>
      %jit3A_128 = arith.constant 1.000000e+00 : f32
      %jit3A_129 = arith.constant 0.000000e+00 : f32
      %broadcast_in_dim3A_130 = vector.broadcast %jit3A_128 : f32 to vector<16xf32>
      %broadcast_in_dim3A_131 = vector.broadcast %jit3A_129 : f32 to vector<16xf32>
      %select_n3A_132 = arith.select %eq3A_127, %broadcast_in_dim3A_130, %broadcast_in_dim3A_131 : vector<16xi1>, vector<16xf32>
      %swap3A_133 = arith.constant 48 : index
      %swap3A_134 = tpu.vector_load %arg10[%swap3A_133] {strides = array<i32>} : memref<128xf32, #tpu.memory_space<vmem>>, vector<16xf32>,
      %swap3A_135 = vector.shape_cast %swap3A_134 : vector<16xf32> to vector<16xf32>
      %swap3A_136 = vector.shape_cast %select_n3A_132 : vector<16xf32> to vector<16xf32>
      tpu.vector_store %arg10[%swap3A_133], %swap3A_136 {strides = array<i32>} : memref<128xf32, #tpu.memory_space<vmem>>, vector<16xf32>,
      %get3A_137 = arith.constant 0 : i32
      %get3A_138 = arith.index_cast %get3A_137 : i32 to index
      %get3A_139 = arith.constant 64 : index
      %get3A_140 = tpu.vector_load %arg8[%get3A_138, %get3A_139] {strides = array<i32>} : memref<8x128xi32, #tpu.memory_space<vmem>>, vector<1x16xi32>,
      %get3A_141 = vector.shape_cast %get3A_140 : vector<1x16xi32> to vector<16xi32>
      %eq3A_142 = arith.constant 1 : i32
      %eq3A_143 = vector.broadcast %eq3A_142 : i32 to vector<16xi32>
      %eq3A_144 = arith.cmpi eq, %get3A_141, %eq3A_143 : vector<16xi32>
      %jit3A_145 = arith.constant 1.000000e+00 : f32
      %jit3A_146 = arith.constant 0.000000e+00 : f32
      %broadcast_in_dim3A_147 = vector.broadcast %jit3A_145 : f32 to vector<16xf32>
      %broadcast_in_dim3A_148 = vector.broadcast %jit3A_146 : f32 to vector<16xf32>
      %select_n3A_149 = arith.select %eq3A_144, %broadcast_in_dim3A_147, %broadcast_in_dim3A_148 : vector<16xi1>, vector<16xf32>
      %swap3A_150 = arith.constant 64 : index
      %swap3A_151 = tpu.vector_load %arg10[%swap3A_150] {strides = array<i32>} : memref<128xf32, #tpu.memory_space<vmem>>, vector<16xf32>,
      %swap3A_152 = vector.shape_cast %swap3A_151 : vector<16xf32> to vector<16xf32>
      %swap3A_153 = vector.shape_cast %select_n3A_149 : vector<16xf32> to vector<16xf32>
      tpu.vector_store %arg10[%swap3A_150], %swap3A_153 {strides = array<i32>} : memref<128xf32, #tpu.memory_space<vmem>>, vector<16xf32>,
      %get3A_154 = arith.constant 0 : i32
      %get3A_155 = arith.index_cast %get3A_154 : i32 to index
      %get3A_156 = arith.constant 80 : index
      %get3A_157 = tpu.vector_load %arg8[%get3A_155, %get3A_156] {strides = array<i32>} : memref<8x128xi32, #tpu.memory_space<vmem>>, vector<1x16xi32>,
      %get3A_158 = vector.shape_cast %get3A_157 : vector<1x16xi32> to vector<16xi32>
      %eq3A_159 = arith.constant 1 : i32
      %eq3A_160 = vector.broadcast %eq3A_159 : i32 to vector<16xi32>
      %eq3A_161 = arith.cmpi eq, %get3A_158, %eq3A_160 : vector<16xi32>
      %jit3A_162 = arith.constant 1.000000e+00 : f32
      %jit3A_163 = arith.constant 0.000000e+00 : f32
      %broadcast_in_dim3A_164 = vector.broadcast %jit3A_162 : f32 to vector<16xf32>
      %broadcast_in_dim3A_165 = vector.broadcast %jit3A_163 : f32 to vector<16xf32>
      %select_n3A_166 = arith.select %eq3A_161, %broadcast_in_dim3A_164, %broadcast_in_dim3A_165 : vector<16xi1>, vector<16xf32>
      %swap3A_167 = arith.constant 80 : index
      %swap3A_168 = tpu.vector_load %arg10[%swap3A_167] {strides = array<i32>} : memref<128xf32, #tpu.memory_space<vmem>>, vector<16xf32>,
      %swap3A_169 = vector.shape_cast %swap3A_168 : vector<16xf32> to vector<16xf32>
      %swap3A_170 = vector.shape_cast %select_n3A_166 : vector<16xf32> to vector<16xf32>
      tpu.vector_store %arg10[%swap3A_167], %swap3A_170 {strides = array<i32>} : memref<128xf32, #tpu.memory_space<vmem>>, vector<16xf32>,
      %get3A_171 = arith.constant 0 : i32
      %get3A_172 = arith.index_cast %get3A_171 : i32 to index
      %get3A_173 = arith.constant 96 : index
      %get3A_174 = tpu.vector_load %arg8[%get3A_172, %get3A_173] {strides = array<i32>} : memref<8x128xi32, #tpu.memory_space<vmem>>, vector<1x16xi32>,
      %get3A_175 = vector.shape_cast %get3A_174 : vector<1x16xi32> to vector<16xi32>
      %eq3A_176 = arith.constant 1 : i32
      %eq3A_177 = vector.broadcast %eq3A_176 : i32 to vector<16xi32>
      %eq3A_178 = arith.cmpi eq, %get3A_175, %eq3A_177 : vector<16xi32>
      %jit3A_179 = arith.constant 1.000000e+00 : f32
      %jit3A_180 = arith.constant 0.000000e+00 : f32
      %broadcast_in_dim3A_181 = vector.broadcast %jit3A_179 : f32 to vector<16xf32>
      %broadcast_in_dim3A_182 = vector.broadcast %jit3A_180 : f32 to vector<16xf32>
      %select_n3A_183 = arith.select %eq3A_178, %broadcast_in_dim3A_181, %broadcast_in_dim3A_182 : vector<16xi1>, vector<16xf32>
      %swap3A_184 = arith.constant 96 : index
      %swap3A_185 = tpu.vector_load %arg10[%swap3A_184] {strides = array<i32>} : memref<128xf32, #tpu.memory_space<vmem>>, vector<16xf32>,
      %swap3A_186 = vector.shape_cast %swap3A_185 : vector<16xf32> to vector<16xf32>
      %swap3A_187 = vector.shape_cast %select_n3A_183 : vector<16xf32> to vector<16xf32>
      tpu.vector_store %arg10[%swap3A_184], %swap3A_187 {strides = array<i32>} : memref<128xf32, #tpu.memory_space<vmem>>, vector<16xf32>,
      %get3A_188 = arith.constant 0 : i32
      %get3A_189 = arith.index_cast %get3A_188 : i32 to index
      %get3A_190 = arith.constant 112 : index
      %get3A_191 = tpu.vector_load %arg8[%get3A_189, %get3A_190] {strides = array<i32>} : memref<8x128xi32, #tpu.memory_space<vmem>>, vector<1x16xi32>,
      %get3A_192 = vector.shape_cast %get3A_191 : vector<1x16xi32> to vector<16xi32>
      %eq3A_193 = arith.constant 1 : i32
      %eq3A_194 = vector.broadcast %eq3A_193 : i32 to vector<16xi32>
      %eq3A_195 = arith.cmpi eq, %get3A_192, %eq3A_194 : vector<16xi32>
      %jit3A_196 = arith.constant 1.000000e+00 : f32
      %jit3A_197 = arith.constant 0.000000e+00 : f32
      %broadcast_in_dim3A_198 = vector.broadcast %jit3A_196 : f32 to vector<16xf32>
      %broadcast_in_dim3A_199 = vector.broadcast %jit3A_197 : f32 to vector<16xf32>
      %select_n3A_200 = arith.select %eq3A_195, %broadcast_in_dim3A_198, %broadcast_in_dim3A_199 : vector<16xi1>, vector<16xf32>
      %swap3A_201 = arith.constant 112 : index
      %swap3A_202 = tpu.vector_load %arg10[%swap3A_201] {strides = array<i32>} : memref<128xf32, #tpu.memory_space<vmem>>, vector<16xf32>,
      %swap3A_203 = vector.shape_cast %swap3A_202 : vector<16xf32> to vector<16xf32>
      %swap3A_204 = vector.shape_cast %select_n3A_200 : vector<16xf32> to vector<16xf32>
      tpu.vector_store %arg10[%swap3A_201], %swap3A_204 {strides = array<i32>} : memref<128xf32, #tpu.memory_space<vmem>>, vector<16xf32>,
      %run_scoped3A_205 = arith.constant 0 : i32
      "tpu.region"() ({
        %run_scoped3A_1179 = tpu.sem_alloc : memref<!tpu.dma_semaphore, #tpu.memory_space<semaphore_mem>>
        %dma_start3A = arith.constant 0 : i32
        %dma_start3A_1180 = tpu.memref_slice %arg7[%run_scoped3A_205, %dma_start3A] : memref<8x128xi32, #tpu.memory_space<vmem>> -> memref<1x128xi32, #tpu.memory_space<vmem>>
        %dma_start3A_1181 = tpu.memref_squeeze %dma_start3A_1180 : memref<1x128xi32, #tpu.memory_space<vmem>> -> memref<128xi32, #tpu.memory_space<vmem>>
        %dma_start3A_1182 = arith.constant 0 : i32
        %dma_start3A_1183 = tpu.memref_slice %arg14[%dma_start3A_1182] : memref<100352xf32, #tpu.memory_space<vmem_shared>> -> memref<100352xf32, #tpu.memory_space<vmem_shared>>
        tpu.enqueue_indirect_dma source(%arg10 : memref<128xf32, #tpu.memory_space<vmem>>) target(%dma_start3A_1183 : memref<100352xf32, #tpu.memory_space<vmem_shared>>) offsets(%dma_start3A_1181 : memref<128xi32, #tpu.memory_space<vmem>>) semaphore(%run_scoped3A_1179 : memref<!tpu.dma_semaphore, #tpu.memory_space<semaphore_mem>>) {add = true}
        %dma_wait3A = arith.constant 0 : i32
        %dma_wait3A_1184 = tpu.memref_slice %arg7[%run_scoped3A_205, %dma_wait3A] : memref<8x128xi32, #tpu.memory_space<vmem>> -> memref<1x128xi32, #tpu.memory_space<vmem>>
        %dma_wait3A_1185 = tpu.memref_squeeze %dma_wait3A_1184 : memref<1x128xi32, #tpu.memory_space<vmem>> -> memref<128xi32, #tpu.memory_space<vmem>>
        %dma_wait3A_1186 = arith.constant 0 : i32
        %dma_wait3A_1187 = tpu.memref_slice %arg14[%dma_wait3A_1186] : memref<100352xf32, #tpu.memory_space<vmem_shared>> -> memref<100352xf32, #tpu.memory_space<vmem_shared>>
        tpu.wait_indirect_dma semaphore(%run_scoped3A_1179 : memref<!tpu.dma_semaphore, #tpu.memory_space<semaphore_mem>>) src(%arg10 : memref<128xf32, #tpu.memory_space<vmem>>) dst(%dma_wait3A_1187 : memref<100352xf32, #tpu.memory_space<vmem_shared>>)
        tpu.yield
      }) : () -> ()
      %run_scoped3A_206 = arith.constant 1 : i32
      "tpu.region"() ({
        %run_scoped3A_1179 = tpu.sem_alloc : memref<!tpu.dma_semaphore, #tpu.memory_space<semaphore_mem>>
        %dma_start3A = arith.constant 0 : i32
        %dma_start3A_1180 = tpu.memref_slice %arg7[%run_scoped3A_206, %dma_start3A] : memref<8x128xi32, #tpu.memory_space<vmem>> -> memref<1x128xi32, #tpu.memory_space<vmem>>
        %dma_start3A_1181 = tpu.memref_squeeze %dma_start3A_1180 : memref<1x128xi32, #tpu.memory_space<vmem>> -> memref<128xi32, #tpu.memory_space<vmem>>
        %dma_start3A_1182 = arith.constant 0 : i32
        %dma_start3A_1183 = tpu.memref_slice %arg12[%dma_start3A_1182] : memref<100352xf32, #tpu.memory_space<vmem_shared>> -> memref<100352xf32, #tpu.memory_space<vmem_shared>>
        tpu.enqueue_indirect_dma source(%arg9 : memref<128xf32, #tpu.memory_space<vmem>>) target(%dma_start3A_1183 : memref<100352xf32, #tpu.memory_space<vmem_shared>>) offsets(%dma_start3A_1181 : memref<128xi32, #tpu.memory_space<vmem>>) semaphore(%run_scoped3A_1179 : memref<!tpu.dma_semaphore, #tpu.memory_space<semaphore_mem>>) {add = true}
        %dma_wait3A = arith.constant 0 : i32
        %dma_wait3A_1184 = tpu.memref_slice %arg7[%run_scoped3A_206, %dma_wait3A] : memref<8x128xi32, #tpu.memory_space<vmem>> -> memref<1x128xi32, #tpu.memory_space<vmem>>
        %dma_wait3A_1185 = tpu.memref_squeeze %dma_wait3A_1184 : memref<1x128xi32, #tpu.memory_space<vmem>> -> memref<128xi32, #tpu.memory_space<vmem>>
        %dma_wait3A_1186 = arith.constant 0 : i32
        %dma_wait3A_1187 = tpu.memref_slice %arg12[%dma_wait3A_1186] : memref<100352xf32, #tpu.memory_space<vmem_shared>> -> memref<100352xf32, #tpu.memory_space<vmem_shared>>
        tpu.wait_indirect_dma semaphore(%run_scoped3A_1179 : memref<!tpu.dma_semaphore, #tpu.memory_space<semaphore_mem>>) src(%arg9 : memref<128xf32, #tpu.memory_space<vmem>>) dst(%dma_wait3A_1187 : memref<100352xf32, #tpu.memory_space<vmem_shared>>)
        tpu.yield
      }) : () -> ()
      %run_scoped3A_207 = arith.constant 1 : i32
      "tpu.region"() ({
        %run_scoped3A_1179 = tpu.sem_alloc : memref<!tpu.dma_semaphore, #tpu.memory_space<semaphore_mem>>
        %dma_start3A = arith.constant 0 : i32
        %dma_start3A_1180 = tpu.memref_slice %arg8[%run_scoped3A_207, %dma_start3A] : memref<8x128xi32, #tpu.memory_space<vmem>> -> memref<1x128xi32, #tpu.memory_space<vmem>>
        %dma_start3A_1181 = tpu.memref_squeeze %dma_start3A_1180 : memref<1x128xi32, #tpu.memory_space<vmem>> -> memref<128xi32, #tpu.memory_space<vmem>>
        %dma_start3A_1182 = arith.constant 0 : i32
        %dma_start3A_1183 = tpu.memref_slice %arg13[%dma_start3A_1182] : memref<100352xf32, #tpu.memory_space<vmem_shared>> -> memref<100352xf32, #tpu.memory_space<vmem_shared>>
        tpu.enqueue_indirect_dma source(%arg9 : memref<128xf32, #tpu.memory_space<vmem>>) target(%dma_start3A_1183 : memref<100352xf32, #tpu.memory_space<vmem_shared>>) offsets(%dma_start3A_1181 : memref<128xi32, #tpu.memory_space<vmem>>) semaphore(%run_scoped3A_1179 : memref<!tpu.dma_semaphore, #tpu.memory_space<semaphore_mem>>) {add = true}
        %dma_wait3A = arith.constant 0 : i32
        %dma_wait3A_1184 = tpu.memref_slice %arg8[%run_scoped3A_207, %dma_wait3A] : memref<8x128xi32, #tpu.memory_space<vmem>> -> memref<1x128xi32, #tpu.memory_space<vmem>>
        %dma_wait3A_1185 = tpu.memref_squeeze %dma_wait3A_1184 : memref<1x128xi32, #tpu.memory_space<vmem>> -> memref<128xi32, #tpu.memory_space<vmem>>
        %dma_wait3A_1186 = arith.constant 0 : i32
        %dma_wait3A_1187 = tpu.memref_slice %arg13[%dma_wait3A_1186] : memref<100352xf32, #tpu.memory_space<vmem_shared>> -> memref<100352xf32, #tpu.memory_space<vmem_shared>>
        tpu.wait_indirect_dma semaphore(%run_scoped3A_1179 : memref<!tpu.dma_semaphore, #tpu.memory_space<semaphore_mem>>) src(%arg9 : memref<128xf32, #tpu.memory_space<vmem>>) dst(%dma_wait3A_1187 : memref<100352xf32, #tpu.memory_space<vmem_shared>>)
        tpu.yield
      }) : () -> ()
      %get3A_208 = arith.constant 1 : i32
      %get3A_209 = arith.index_cast %get3A_208 : i32 to index
      %get3A_210 = arith.constant 0 : index
      %get3A_211 = tpu.vector_load %arg8[%get3A_209, %get3A_210] {strides = array<i32>} : memref<8x128xi32, #tpu.memory_space<vmem>>, vector<1x16xi32>,
      %get3A_212 = vector.shape_cast %get3A_211 : vector<1x16xi32> to vector<16xi32>
      %eq3A_213 = arith.constant 1 : i32
      %eq3A_214 = vector.broadcast %eq3A_213 : i32 to vector<16xi32>
      %eq3A_215 = arith.cmpi eq, %get3A_212, %eq3A_214 : vector<16xi32>
      %jit3A_216 = arith.constant 1.000000e+00 : f32
      %jit3A_217 = arith.constant 0.000000e+00 : f32
      %broadcast_in_dim3A_218 = vector.broadcast %jit3A_216 : f32 to vector<16xf32>
      %broadcast_in_dim3A_219 = vector.broadcast %jit3A_217 : f32 to vector<16xf32>
      %select_n3A_220 = arith.select %eq3A_215, %broadcast_in_dim3A_218, %broadcast_in_dim3A_219 : vector<16xi1>, vector<16xf32>
      %swap3A_221 = arith.constant 0 : index
      %swap3A_222 = tpu.vector_load %arg10[%swap3A_221] {strides = array<i32>} : memref<128xf32, #tpu.memory_space<vmem>>, vector<16xf32>,
      %swap3A_223 = vector.shape_cast %swap3A_222 : vector<16xf32> to vector<16xf32>
      %swap3A_224 = vector.shape_cast %select_n3A_220 : vector<16xf32> to vector<16xf32>
      tpu.vector_store %arg10[%swap3A_221], %swap3A_224 {strides = array<i32>} : memref<128xf32, #tpu.memory_space<vmem>>, vector<16xf32>,
      %get3A_225 = arith.constant 1 : i32
      %get3A_226 = arith.index_cast %get3A_225 : i32 to index
      %get3A_227 = arith.constant 16 : index
      %get3A_228 = tpu.vector_load %arg8[%get3A_226, %get3A_227] {strides = array<i32>} : memref<8x128xi32, #tpu.memory_space<vmem>>, vector<1x16xi32>,
      %get3A_229 = vector.shape_cast %get3A_228 : vector<1x16xi32> to vector<16xi32>
      %eq3A_230 = arith.constant 1 : i32
      %eq3A_231 = vector.broadcast %eq3A_230 : i32 to vector<16xi32>
      %eq3A_232 = arith.cmpi eq, %get3A_229, %eq3A_231 : vector<16xi32>
      %jit3A_233 = arith.constant 1.000000e+00 : f32
      %jit3A_234 = arith.constant 0.000000e+00 : f32
      %broadcast_in_dim3A_235 = vector.broadcast %jit3A_233 : f32 to vector<16xf32>
      %broadcast_in_dim3A_236 = vector.broadcast %jit3A_234 : f32 to vector<16xf32>
      %select_n3A_237 = arith.select %eq3A_232, %broadcast_in_dim3A_235, %broadcast_in_dim3A_236 : vector<16xi1>, vector<16xf32>
      %swap3A_238 = arith.constant 16 : index
      %swap3A_239 = tpu.vector_load %arg10[%swap3A_238] {strides = array<i32>} : memref<128xf32, #tpu.memory_space<vmem>>, vector<16xf32>,
      %swap3A_240 = vector.shape_cast %swap3A_239 : vector<16xf32> to vector<16xf32>
      %swap3A_241 = vector.shape_cast %select_n3A_237 : vector<16xf32> to vector<16xf32>
      tpu.vector_store %arg10[%swap3A_238], %swap3A_241 {strides = array<i32>} : memref<128xf32, #tpu.memory_space<vmem>>, vector<16xf32>,
      %get3A_242 = arith.constant 1 : i32
      %get3A_243 = arith.index_cast %get3A_242 : i32 to index
      %get3A_244 = arith.constant 32 : index
      %get3A_245 = tpu.vector_load %arg8[%get3A_243, %get3A_244] {strides = array<i32>} : memref<8x128xi32, #tpu.memory_space<vmem>>, vector<1x16xi32>,
      %get3A_246 = vector.shape_cast %get3A_245 : vector<1x16xi32> to vector<16xi32>
      %eq3A_247 = arith.constant 1 : i32
      %eq3A_248 = vector.broadcast %eq3A_247 : i32 to vector<16xi32>
      %eq3A_249 = arith.cmpi eq, %get3A_246, %eq3A_248 : vector<16xi32>
      %jit3A_250 = arith.constant 1.000000e+00 : f32
      %jit3A_251 = arith.constant 0.000000e+00 : f32
      %broadcast_in_dim3A_252 = vector.broadcast %jit3A_250 : f32 to vector<16xf32>
      %broadcast_in_dim3A_253 = vector.broadcast %jit3A_251 : f32 to vector<16xf32>
      %select_n3A_254 = arith.select %eq3A_249, %broadcast_in_dim3A_252, %broadcast_in_dim3A_253 : vector<16xi1>, vector<16xf32>
      %swap3A_255 = arith.constant 32 : index
      %swap3A_256 = tpu.vector_load %arg10[%swap3A_255] {strides = array<i32>} : memref<128xf32, #tpu.memory_space<vmem>>, vector<16xf32>,
      %swap3A_257 = vector.shape_cast %swap3A_256 : vector<16xf32> to vector<16xf32>
      %swap3A_258 = vector.shape_cast %select_n3A_254 : vector<16xf32> to vector<16xf32>
      tpu.vector_store %arg10[%swap3A_255], %swap3A_258 {strides = array<i32>} : memref<128xf32, #tpu.memory_space<vmem>>, vector<16xf32>,
      %get3A_259 = arith.constant 1 : i32
      %get3A_260 = arith.index_cast %get3A_259 : i32 to index
      %get3A_261 = arith.constant 48 : index
      %get3A_262 = tpu.vector_load %arg8[%get3A_260, %get3A_261] {strides = array<i32>} : memref<8x128xi32, #tpu.memory_space<vmem>>, vector<1x16xi32>,
      %get3A_263 = vector.shape_cast %get3A_262 : vector<1x16xi32> to vector<16xi32>
      %eq3A_264 = arith.constant 1 : i32
      %eq3A_265 = vector.broadcast %eq3A_264 : i32 to vector<16xi32>
      %eq3A_266 = arith.cmpi eq, %get3A_263, %eq3A_265 : vector<16xi32>
      %jit3A_267 = arith.constant 1.000000e+00 : f32
      %jit3A_268 = arith.constant 0.000000e+00 : f32
      %broadcast_in_dim3A_269 = vector.broadcast %jit3A_267 : f32 to vector<16xf32>
      %broadcast_in_dim3A_270 = vector.broadcast %jit3A_268 : f32 to vector<16xf32>
      %select_n3A_271 = arith.select %eq3A_266, %broadcast_in_dim3A_269, %broadcast_in_dim3A_270 : vector<16xi1>, vector<16xf32>
      %swap3A_272 = arith.constant 48 : index
      %swap3A_273 = tpu.vector_load %arg10[%swap3A_272] {strides = array<i32>} : memref<128xf32, #tpu.memory_space<vmem>>, vector<16xf32>,
      %swap3A_274 = vector.shape_cast %swap3A_273 : vector<16xf32> to vector<16xf32>
      %swap3A_275 = vector.shape_cast %select_n3A_271 : vector<16xf32> to vector<16xf32>
      tpu.vector_store %arg10[%swap3A_272], %swap3A_275 {strides = array<i32>} : memref<128xf32, #tpu.memory_space<vmem>>, vector<16xf32>,
      %get3A_276 = arith.constant 1 : i32
      %get3A_277 = arith.index_cast %get3A_276 : i32 to index
      %get3A_278 = arith.constant 64 : index
      %get3A_279 = tpu.vector_load %arg8[%get3A_277, %get3A_278] {strides = array<i32>} : memref<8x128xi32, #tpu.memory_space<vmem>>, vector<1x16xi32>,
      %get3A_280 = vector.shape_cast %get3A_279 : vector<1x16xi32> to vector<16xi32>
      %eq3A_281 = arith.constant 1 : i32
      %eq3A_282 = vector.broadcast %eq3A_281 : i32 to vector<16xi32>
      %eq3A_283 = arith.cmpi eq, %get3A_280, %eq3A_282 : vector<16xi32>
      %jit3A_284 = arith.constant 1.000000e+00 : f32
      %jit3A_285 = arith.constant 0.000000e+00 : f32
      %broadcast_in_dim3A_286 = vector.broadcast %jit3A_284 : f32 to vector<16xf32>
      %broadcast_in_dim3A_287 = vector.broadcast %jit3A_285 : f32 to vector<16xf32>
      %select_n3A_288 = arith.select %eq3A_283, %broadcast_in_dim3A_286, %broadcast_in_dim3A_287 : vector<16xi1>, vector<16xf32>
      %swap3A_289 = arith.constant 64 : index
      %swap3A_290 = tpu.vector_load %arg10[%swap3A_289] {strides = array<i32>} : memref<128xf32, #tpu.memory_space<vmem>>, vector<16xf32>,
      %swap3A_291 = vector.shape_cast %swap3A_290 : vector<16xf32> to vector<16xf32>
      %swap3A_292 = vector.shape_cast %select_n3A_288 : vector<16xf32> to vector<16xf32>
      tpu.vector_store %arg10[%swap3A_289], %swap3A_292 {strides = array<i32>} : memref<128xf32, #tpu.memory_space<vmem>>, vector<16xf32>,
      %get3A_293 = arith.constant 1 : i32
      %get3A_294 = arith.index_cast %get3A_293 : i32 to index
      %get3A_295 = arith.constant 80 : index
      %get3A_296 = tpu.vector_load %arg8[%get3A_294, %get3A_295] {strides = array<i32>} : memref<8x128xi32, #tpu.memory_space<vmem>>, vector<1x16xi32>,
      %get3A_297 = vector.shape_cast %get3A_296 : vector<1x16xi32> to vector<16xi32>
      %eq3A_298 = arith.constant 1 : i32
      %eq3A_299 = vector.broadcast %eq3A_298 : i32 to vector<16xi32>
      %eq3A_300 = arith.cmpi eq, %get3A_297, %eq3A_299 : vector<16xi32>
      %jit3A_301 = arith.constant 1.000000e+00 : f32
      %jit3A_302 = arith.constant 0.000000e+00 : f32
      %broadcast_in_dim3A_303 = vector.broadcast %jit3A_301 : f32 to vector<16xf32>
      %broadcast_in_dim3A_304 = vector.broadcast %jit3A_302 : f32 to vector<16xf32>
      %select_n3A_305 = arith.select %eq3A_300, %broadcast_in_dim3A_303, %broadcast_in_dim3A_304 : vector<16xi1>, vector<16xf32>
      %swap3A_306 = arith.constant 80 : index
      %swap3A_307 = tpu.vector_load %arg10[%swap3A_306] {strides = array<i32>} : memref<128xf32, #tpu.memory_space<vmem>>, vector<16xf32>,
      %swap3A_308 = vector.shape_cast %swap3A_307 : vector<16xf32> to vector<16xf32>
      %swap3A_309 = vector.shape_cast %select_n3A_305 : vector<16xf32> to vector<16xf32>
      tpu.vector_store %arg10[%swap3A_306], %swap3A_309 {strides = array<i32>} : memref<128xf32, #tpu.memory_space<vmem>>, vector<16xf32>,
      %get3A_310 = arith.constant 1 : i32
      %get3A_311 = arith.index_cast %get3A_310 : i32 to index
      %get3A_312 = arith.constant 96 : index
      %get3A_313 = tpu.vector_load %arg8[%get3A_311, %get3A_312] {strides = array<i32>} : memref<8x128xi32, #tpu.memory_space<vmem>>, vector<1x16xi32>,
      %get3A_314 = vector.shape_cast %get3A_313 : vector<1x16xi32> to vector<16xi32>
      %eq3A_315 = arith.constant 1 : i32
      %eq3A_316 = vector.broadcast %eq3A_315 : i32 to vector<16xi32>
      %eq3A_317 = arith.cmpi eq, %get3A_314, %eq3A_316 : vector<16xi32>
      %jit3A_318 = arith.constant 1.000000e+00 : f32
      %jit3A_319 = arith.constant 0.000000e+00 : f32
      %broadcast_in_dim3A_320 = vector.broadcast %jit3A_318 : f32 to vector<16xf32>
      %broadcast_in_dim3A_321 = vector.broadcast %jit3A_319 : f32 to vector<16xf32>
      %select_n3A_322 = arith.select %eq3A_317, %broadcast_in_dim3A_320, %broadcast_in_dim3A_321 : vector<16xi1>, vector<16xf32>
      %swap3A_323 = arith.constant 96 : index
      %swap3A_324 = tpu.vector_load %arg10[%swap3A_323] {strides = array<i32>} : memref<128xf32, #tpu.memory_space<vmem>>, vector<16xf32>,
      %swap3A_325 = vector.shape_cast %swap3A_324 : vector<16xf32> to vector<16xf32>
      %swap3A_326 = vector.shape_cast %select_n3A_322 : vector<16xf32> to vector<16xf32>
      tpu.vector_store %arg10[%swap3A_323], %swap3A_326 {strides = array<i32>} : memref<128xf32, #tpu.memory_space<vmem>>, vector<16xf32>,
      %get3A_327 = arith.constant 1 : i32
      %get3A_328 = arith.index_cast %get3A_327 : i32 to index
      %get3A_329 = arith.constant 112 : index
      %get3A_330 = tpu.vector_load %arg8[%get3A_328, %get3A_329] {strides = array<i32>} : memref<8x128xi32, #tpu.memory_space<vmem>>, vector<1x16xi32>,
      %get3A_331 = vector.shape_cast %get3A_330 : vector<1x16xi32> to vector<16xi32>
      %eq3A_332 = arith.constant 1 : i32
      %eq3A_333 = vector.broadcast %eq3A_332 : i32 to vector<16xi32>
      %eq3A_334 = arith.cmpi eq, %get3A_331, %eq3A_333 : vector<16xi32>
      %jit3A_335 = arith.constant 1.000000e+00 : f32
      %jit3A_336 = arith.constant 0.000000e+00 : f32
      %broadcast_in_dim3A_337 = vector.broadcast %jit3A_335 : f32 to vector<16xf32>
      %broadcast_in_dim3A_338 = vector.broadcast %jit3A_336 : f32 to vector<16xf32>
      %select_n3A_339 = arith.select %eq3A_334, %broadcast_in_dim3A_337, %broadcast_in_dim3A_338 : vector<16xi1>, vector<16xf32>
      %swap3A_340 = arith.constant 112 : index
      %swap3A_341 = tpu.vector_load %arg10[%swap3A_340] {strides = array<i32>} : memref<128xf32, #tpu.memory_space<vmem>>, vector<16xf32>,
      %swap3A_342 = vector.shape_cast %swap3A_341 : vector<16xf32> to vector<16xf32>
      %swap3A_343 = vector.shape_cast %select_n3A_339 : vector<16xf32> to vector<16xf32>
      tpu.vector_store %arg10[%swap3A_340], %swap3A_343 {strides = array<i32>} : memref<128xf32, #tpu.memory_space<vmem>>, vector<16xf32>,
      %run_scoped3A_344 = arith.constant 1 : i32
      "tpu.region"() ({
        %run_scoped3A_1179 = tpu.sem_alloc : memref<!tpu.dma_semaphore, #tpu.memory_space<semaphore_mem>>
        %dma_start3A = arith.constant 0 : i32
        %dma_start3A_1180 = tpu.memref_slice %arg7[%run_scoped3A_344, %dma_start3A] : memref<8x128xi32, #tpu.memory_space<vmem>> -> memref<1x128xi32, #tpu.memory_space<vmem>>
        %dma_start3A_1181 = tpu.memref_squeeze %dma_start3A_1180 : memref<1x128xi32, #tpu.memory_space<vmem>> -> memref<128xi32, #tpu.memory_space<vmem>>
        %dma_start3A_1182 = arith.constant 0 : i32
        %dma_start3A_1183 = tpu.memref_slice %arg14[%dma_start3A_1182] : memref<100352xf32, #tpu.memory_space<vmem_shared>> -> memref<100352xf32, #tpu.memory_space<vmem_shared>>
        tpu.enqueue_indirect_dma source(%arg10 : memref<128xf32, #tpu.memory_space<vmem>>) target(%dma_start3A_1183 : memref<100352xf32, #tpu.memory_space<vmem_shared>>) offsets(%dma_start3A_1181 : memref<128xi32, #tpu.memory_space<vmem>>) semaphore(%run_scoped3A_1179 : memref<!tpu.dma_semaphore, #tpu.memory_space<semaphore_mem>>) {add = true}
        %dma_wait3A = arith.constant 0 : i32
        %dma_wait3A_1184 = tpu.memref_slice %arg7[%run_scoped3A_344, %dma_wait3A] : memref<8x128xi32, #tpu.memory_space<vmem>> -> memref<1x128xi32, #tpu.memory_space<vmem>>
        %dma_wait3A_1185 = tpu.memref_squeeze %dma_wait3A_1184 : memref<1x128xi32, #tpu.memory_space<vmem>> -> memref<128xi32, #tpu.memory_space<vmem>>
        %dma_wait3A_1186 = arith.constant 0 : i32
        %dma_wait3A_1187 = tpu.memref_slice %arg14[%dma_wait3A_1186] : memref<100352xf32, #tpu.memory_space<vmem_shared>> -> memref<100352xf32, #tpu.memory_space<vmem_shared>>
        tpu.wait_indirect_dma semaphore(%run_scoped3A_1179 : memref<!tpu.dma_semaphore, #tpu.memory_space<semaphore_mem>>) src(%arg10 : memref<128xf32, #tpu.memory_space<vmem>>) dst(%dma_wait3A_1187 : memref<100352xf32, #tpu.memory_space<vmem_shared>>)
        tpu.yield
      }) : () -> ()
      %run_scoped3A_345 = arith.constant 2 : i32
      "tpu.region"() ({
        %run_scoped3A_1179 = tpu.sem_alloc : memref<!tpu.dma_semaphore, #tpu.memory_space<semaphore_mem>>
        %dma_start3A = arith.constant 0 : i32
        %dma_start3A_1180 = tpu.memref_slice %arg7[%run_scoped3A_345, %dma_start3A] : memref<8x128xi32, #tpu.memory_space<vmem>> -> memref<1x128xi32, #tpu.memory_space<vmem>>
        %dma_start3A_1181 = tpu.memref_squeeze %dma_start3A_1180 : memref<1x128xi32, #tpu.memory_space<vmem>> -> memref<128xi32, #tpu.memory_space<vmem>>
        %dma_start3A_1182 = arith.constant 0 : i32
        %dma_start3A_1183 = tpu.memref_slice %arg12[%dma_start3A_1182] : memref<100352xf32, #tpu.memory_space<vmem_shared>> -> memref<100352xf32, #tpu.memory_space<vmem_shared>>
        tpu.enqueue_indirect_dma source(%arg9 : memref<128xf32, #tpu.memory_space<vmem>>) target(%dma_start3A_1183 : memref<100352xf32, #tpu.memory_space<vmem_shared>>) offsets(%dma_start3A_1181 : memref<128xi32, #tpu.memory_space<vmem>>) semaphore(%run_scoped3A_1179 : memref<!tpu.dma_semaphore, #tpu.memory_space<semaphore_mem>>) {add = true}
        %dma_wait3A = arith.constant 0 : i32
        %dma_wait3A_1184 = tpu.memref_slice %arg7[%run_scoped3A_345, %dma_wait3A] : memref<8x128xi32, #tpu.memory_space<vmem>> -> memref<1x128xi32, #tpu.memory_space<vmem>>
        %dma_wait3A_1185 = tpu.memref_squeeze %dma_wait3A_1184 : memref<1x128xi32, #tpu.memory_space<vmem>> -> memref<128xi32, #tpu.memory_space<vmem>>
        %dma_wait3A_1186 = arith.constant 0 : i32
        %dma_wait3A_1187 = tpu.memref_slice %arg12[%dma_wait3A_1186] : memref<100352xf32, #tpu.memory_space<vmem_shared>> -> memref<100352xf32, #tpu.memory_space<vmem_shared>>
        tpu.wait_indirect_dma semaphore(%run_scoped3A_1179 : memref<!tpu.dma_semaphore, #tpu.memory_space<semaphore_mem>>) src(%arg9 : memref<128xf32, #tpu.memory_space<vmem>>) dst(%dma_wait3A_1187 : memref<100352xf32, #tpu.memory_space<vmem_shared>>)
        tpu.yield
      }) : () -> ()
      %run_scoped3A_346 = arith.constant 2 : i32
      "tpu.region"() ({
        %run_scoped3A_1179 = tpu.sem_alloc : memref<!tpu.dma_semaphore, #tpu.memory_space<semaphore_mem>>
        %dma_start3A = arith.constant 0 : i32
        %dma_start3A_1180 = tpu.memref_slice %arg8[%run_scoped3A_346, %dma_start3A] : memref<8x128xi32, #tpu.memory_space<vmem>> -> memref<1x128xi32, #tpu.memory_space<vmem>>
        %dma_start3A_1181 = tpu.memref_squeeze %dma_start3A_1180 : memref<1x128xi32, #tpu.memory_space<vmem>> -> memref<128xi32, #tpu.memory_space<vmem>>
        %dma_start3A_1182 = arith.constant 0 : i32
        %dma_start3A_1183 = tpu.memref_slice %arg13[%dma_start3A_1182] : memref<100352xf32, #tpu.memory_space<vmem_shared>> -> memref<100352xf32, #tpu.memory_space<vmem_shared>>
        tpu.enqueue_indirect_dma source(%arg9 : memref<128xf32, #tpu.memory_space<vmem>>) target(%dma_start3A_1183 : memref<100352xf32, #tpu.memory_space<vmem_shared>>) offsets(%dma_start3A_1181 : memref<128xi32, #tpu.memory_space<vmem>>) semaphore(%run_scoped3A_1179 : memref<!tpu.dma_semaphore, #tpu.memory_space<semaphore_mem>>) {add = true}
        %dma_wait3A = arith.constant 0 : i32
        %dma_wait3A_1184 = tpu.memref_slice %arg8[%run_scoped3A_346, %dma_wait3A] : memref<8x128xi32, #tpu.memory_space<vmem>> -> memref<1x128xi32, #tpu.memory_space<vmem>>
        %dma_wait3A_1185 = tpu.memref_squeeze %dma_wait3A_1184 : memref<1x128xi32, #tpu.memory_space<vmem>> -> memref<128xi32, #tpu.memory_space<vmem>>
        %dma_wait3A_1186 = arith.constant 0 : i32
        %dma_wait3A_1187 = tpu.memref_slice %arg13[%dma_wait3A_1186] : memref<100352xf32, #tpu.memory_space<vmem_shared>> -> memref<100352xf32, #tpu.memory_space<vmem_shared>>
        tpu.wait_indirect_dma semaphore(%run_scoped3A_1179 : memref<!tpu.dma_semaphore, #tpu.memory_space<semaphore_mem>>) src(%arg9 : memref<128xf32, #tpu.memory_space<vmem>>) dst(%dma_wait3A_1187 : memref<100352xf32, #tpu.memory_space<vmem_shared>>)
        tpu.yield
      }) : () -> ()
      %get3A_347 = arith.constant 2 : i32
      %get3A_348 = arith.index_cast %get3A_347 : i32 to index
      %get3A_349 = arith.constant 0 : index
      %get3A_350 = tpu.vector_load %arg8[%get3A_348, %get3A_349] {strides = array<i32>} : memref<8x128xi32, #tpu.memory_space<vmem>>, vector<1x16xi32>,
      %get3A_351 = vector.shape_cast %get3A_350 : vector<1x16xi32> to vector<16xi32>
      %eq3A_352 = arith.constant 1 : i32
      %eq3A_353 = vector.broadcast %eq3A_352 : i32 to vector<16xi32>
      %eq3A_354 = arith.cmpi eq, %get3A_351, %eq3A_353 : vector<16xi32>
      %jit3A_355 = arith.constant 1.000000e+00 : f32
      %jit3A_356 = arith.constant 0.000000e+00 : f32
      %broadcast_in_dim3A_357 = vector.broadcast %jit3A_355 : f32 to vector<16xf32>
      %broadcast_in_dim3A_358 = vector.broadcast %jit3A_356 : f32 to vector<16xf32>
      %select_n3A_359 = arith.select %eq3A_354, %broadcast_in_dim3A_357, %broadcast_in_dim3A_358 : vector<16xi1>, vector<16xf32>
      %swap3A_360 = arith.constant 0 : index
      %swap3A_361 = tpu.vector_load %arg10[%swap3A_360] {strides = array<i32>} : memref<128xf32, #tpu.memory_space<vmem>>, vector<16xf32>,
      %swap3A_362 = vector.shape_cast %swap3A_361 : vector<16xf32> to vector<16xf32>
      %swap3A_363 = vector.shape_cast %select_n3A_359 : vector<16xf32> to vector<16xf32>
      tpu.vector_store %arg10[%swap3A_360], %swap3A_363 {strides = array<i32>} : memref<128xf32, #tpu.memory_space<vmem>>, vector<16xf32>,
      %get3A_364 = arith.constant 2 : i32
      %get3A_365 = arith.index_cast %get3A_364 : i32 to index
      %get3A_366 = arith.constant 16 : index
      %get3A_367 = tpu.vector_load %arg8[%get3A_365, %get3A_366] {strides = array<i32>} : memref<8x128xi32, #tpu.memory_space<vmem>>, vector<1x16xi32>,
      %get3A_368 = vector.shape_cast %get3A_367 : vector<1x16xi32> to vector<16xi32>
      %eq3A_369 = arith.constant 1 : i32
      %eq3A_370 = vector.broadcast %eq3A_369 : i32 to vector<16xi32>
      %eq3A_371 = arith.cmpi eq, %get3A_368, %eq3A_370 : vector<16xi32>
      %jit3A_372 = arith.constant 1.000000e+00 : f32
      %jit3A_373 = arith.constant 0.000000e+00 : f32
      %broadcast_in_dim3A_374 = vector.broadcast %jit3A_372 : f32 to vector<16xf32>
      %broadcast_in_dim3A_375 = vector.broadcast %jit3A_373 : f32 to vector<16xf32>
      %select_n3A_376 = arith.select %eq3A_371, %broadcast_in_dim3A_374, %broadcast_in_dim3A_375 : vector<16xi1>, vector<16xf32>
      %swap3A_377 = arith.constant 16 : index
      %swap3A_378 = tpu.vector_load %arg10[%swap3A_377] {strides = array<i32>} : memref<128xf32, #tpu.memory_space<vmem>>, vector<16xf32>,
      %swap3A_379 = vector.shape_cast %swap3A_378 : vector<16xf32> to vector<16xf32>
      %swap3A_380 = vector.shape_cast %select_n3A_376 : vector<16xf32> to vector<16xf32>
      tpu.vector_store %arg10[%swap3A_377], %swap3A_380 {strides = array<i32>} : memref<128xf32, #tpu.memory_space<vmem>>, vector<16xf32>,
      %get3A_381 = arith.constant 2 : i32
      %get3A_382 = arith.index_cast %get3A_381 : i32 to index
      %get3A_383 = arith.constant 32 : index
      %get3A_384 = tpu.vector_load %arg8[%get3A_382, %get3A_383] {strides = array<i32>} : memref<8x128xi32, #tpu.memory_space<vmem>>, vector<1x16xi32>,
      %get3A_385 = vector.shape_cast %get3A_384 : vector<1x16xi32> to vector<16xi32>
      %eq3A_386 = arith.constant 1 : i32
      %eq3A_387 = vector.broadcast %eq3A_386 : i32 to vector<16xi32>
      %eq3A_388 = arith.cmpi eq, %get3A_385, %eq3A_387 : vector<16xi32>
      %jit3A_389 = arith.constant 1.000000e+00 : f32
      %jit3A_390 = arith.constant 0.000000e+00 : f32
      %broadcast_in_dim3A_391 = vector.broadcast %jit3A_389 : f32 to vector<16xf32>
      %broadcast_in_dim3A_392 = vector.broadcast %jit3A_390 : f32 to vector<16xf32>
      %select_n3A_393 = arith.select %eq3A_388, %broadcast_in_dim3A_391, %broadcast_in_dim3A_392 : vector<16xi1>, vector<16xf32>
      %swap3A_394 = arith.constant 32 : index
      %swap3A_395 = tpu.vector_load %arg10[%swap3A_394] {strides = array<i32>} : memref<128xf32, #tpu.memory_space<vmem>>, vector<16xf32>,
      %swap3A_396 = vector.shape_cast %swap3A_395 : vector<16xf32> to vector<16xf32>
      %swap3A_397 = vector.shape_cast %select_n3A_393 : vector<16xf32> to vector<16xf32>
      tpu.vector_store %arg10[%swap3A_394], %swap3A_397 {strides = array<i32>} : memref<128xf32, #tpu.memory_space<vmem>>, vector<16xf32>,
      %get3A_398 = arith.constant 2 : i32
      %get3A_399 = arith.index_cast %get3A_398 : i32 to index
      %get3A_400 = arith.constant 48 : index
      %get3A_401 = tpu.vector_load %arg8[%get3A_399, %get3A_400] {strides = array<i32>} : memref<8x128xi32, #tpu.memory_space<vmem>>, vector<1x16xi32>,
      %get3A_402 = vector.shape_cast %get3A_401 : vector<1x16xi32> to vector<16xi32>
      %eq3A_403 = arith.constant 1 : i32
      %eq3A_404 = vector.broadcast %eq3A_403 : i32 to vector<16xi32>
      %eq3A_405 = arith.cmpi eq, %get3A_402, %eq3A_404 : vector<16xi32>
      %jit3A_406 = arith.constant 1.000000e+00 : f32
      %jit3A_407 = arith.constant 0.000000e+00 : f32
      %broadcast_in_dim3A_408 = vector.broadcast %jit3A_406 : f32 to vector<16xf32>
      %broadcast_in_dim3A_409 = vector.broadcast %jit3A_407 : f32 to vector<16xf32>
      %select_n3A_410 = arith.select %eq3A_405, %broadcast_in_dim3A_408, %broadcast_in_dim3A_409 : vector<16xi1>, vector<16xf32>
      %swap3A_411 = arith.constant 48 : index
      %swap3A_412 = tpu.vector_load %arg10[%swap3A_411] {strides = array<i32>} : memref<128xf32, #tpu.memory_space<vmem>>, vector<16xf32>,
      %swap3A_413 = vector.shape_cast %swap3A_412 : vector<16xf32> to vector<16xf32>
      %swap3A_414 = vector.shape_cast %select_n3A_410 : vector<16xf32> to vector<16xf32>
      tpu.vector_store %arg10[%swap3A_411], %swap3A_414 {strides = array<i32>} : memref<128xf32, #tpu.memory_space<vmem>>, vector<16xf32>,
      %get3A_415 = arith.constant 2 : i32
      %get3A_416 = arith.index_cast %get3A_415 : i32 to index
      %get3A_417 = arith.constant 64 : index
      %get3A_418 = tpu.vector_load %arg8[%get3A_416, %get3A_417] {strides = array<i32>} : memref<8x128xi32, #tpu.memory_space<vmem>>, vector<1x16xi32>,
      %get3A_419 = vector.shape_cast %get3A_418 : vector<1x16xi32> to vector<16xi32>
      %eq3A_420 = arith.constant 1 : i32
      %eq3A_421 = vector.broadcast %eq3A_420 : i32 to vector<16xi32>
      %eq3A_422 = arith.cmpi eq, %get3A_419, %eq3A_421 : vector<16xi32>
      %jit3A_423 = arith.constant 1.000000e+00 : f32
      %jit3A_424 = arith.constant 0.000000e+00 : f32
      %broadcast_in_dim3A_425 = vector.broadcast %jit3A_423 : f32 to vector<16xf32>
      %broadcast_in_dim3A_426 = vector.broadcast %jit3A_424 : f32 to vector<16xf32>
      %select_n3A_427 = arith.select %eq3A_422, %broadcast_in_dim3A_425, %broadcast_in_dim3A_426 : vector<16xi1>, vector<16xf32>
      %swap3A_428 = arith.constant 64 : index
      %swap3A_429 = tpu.vector_load %arg10[%swap3A_428] {strides = array<i32>} : memref<128xf32, #tpu.memory_space<vmem>>, vector<16xf32>,
      %swap3A_430 = vector.shape_cast %swap3A_429 : vector<16xf32> to vector<16xf32>
      %swap3A_431 = vector.shape_cast %select_n3A_427 : vector<16xf32> to vector<16xf32>
      tpu.vector_store %arg10[%swap3A_428], %swap3A_431 {strides = array<i32>} : memref<128xf32, #tpu.memory_space<vmem>>, vector<16xf32>,
      %get3A_432 = arith.constant 2 : i32
      %get3A_433 = arith.index_cast %get3A_432 : i32 to index
      %get3A_434 = arith.constant 80 : index
      %get3A_435 = tpu.vector_load %arg8[%get3A_433, %get3A_434] {strides = array<i32>} : memref<8x128xi32, #tpu.memory_space<vmem>>, vector<1x16xi32>,
      %get3A_436 = vector.shape_cast %get3A_435 : vector<1x16xi32> to vector<16xi32>
      %eq3A_437 = arith.constant 1 : i32
      %eq3A_438 = vector.broadcast %eq3A_437 : i32 to vector<16xi32>
      %eq3A_439 = arith.cmpi eq, %get3A_436, %eq3A_438 : vector<16xi32>
      %jit3A_440 = arith.constant 1.000000e+00 : f32
      %jit3A_441 = arith.constant 0.000000e+00 : f32
      %broadcast_in_dim3A_442 = vector.broadcast %jit3A_440 : f32 to vector<16xf32>
      %broadcast_in_dim3A_443 = vector.broadcast %jit3A_441 : f32 to vector<16xf32>
      %select_n3A_444 = arith.select %eq3A_439, %broadcast_in_dim3A_442, %broadcast_in_dim3A_443 : vector<16xi1>, vector<16xf32>
      %swap3A_445 = arith.constant 80 : index
      %swap3A_446 = tpu.vector_load %arg10[%swap3A_445] {strides = array<i32>} : memref<128xf32, #tpu.memory_space<vmem>>, vector<16xf32>,
      %swap3A_447 = vector.shape_cast %swap3A_446 : vector<16xf32> to vector<16xf32>
      %swap3A_448 = vector.shape_cast %select_n3A_444 : vector<16xf32> to vector<16xf32>
      tpu.vector_store %arg10[%swap3A_445], %swap3A_448 {strides = array<i32>} : memref<128xf32, #tpu.memory_space<vmem>>, vector<16xf32>,
      %get3A_449 = arith.constant 2 : i32
      %get3A_450 = arith.index_cast %get3A_449 : i32 to index
      %get3A_451 = arith.constant 96 : index
      %get3A_452 = tpu.vector_load %arg8[%get3A_450, %get3A_451] {strides = array<i32>} : memref<8x128xi32, #tpu.memory_space<vmem>>, vector<1x16xi32>,
      %get3A_453 = vector.shape_cast %get3A_452 : vector<1x16xi32> to vector<16xi32>
      %eq3A_454 = arith.constant 1 : i32
      %eq3A_455 = vector.broadcast %eq3A_454 : i32 to vector<16xi32>
      %eq3A_456 = arith.cmpi eq, %get3A_453, %eq3A_455 : vector<16xi32>
      %jit3A_457 = arith.constant 1.000000e+00 : f32
      %jit3A_458 = arith.constant 0.000000e+00 : f32
      %broadcast_in_dim3A_459 = vector.broadcast %jit3A_457 : f32 to vector<16xf32>
      %broadcast_in_dim3A_460 = vector.broadcast %jit3A_458 : f32 to vector<16xf32>
      %select_n3A_461 = arith.select %eq3A_456, %broadcast_in_dim3A_459, %broadcast_in_dim3A_460 : vector<16xi1>, vector<16xf32>
      %swap3A_462 = arith.constant 96 : index
      %swap3A_463 = tpu.vector_load %arg10[%swap3A_462] {strides = array<i32>} : memref<128xf32, #tpu.memory_space<vmem>>, vector<16xf32>,
      %swap3A_464 = vector.shape_cast %swap3A_463 : vector<16xf32> to vector<16xf32>
      %swap3A_465 = vector.shape_cast %select_n3A_461 : vector<16xf32> to vector<16xf32>
      tpu.vector_store %arg10[%swap3A_462], %swap3A_465 {strides = array<i32>} : memref<128xf32, #tpu.memory_space<vmem>>, vector<16xf32>,
      %get3A_466 = arith.constant 2 : i32
      %get3A_467 = arith.index_cast %get3A_466 : i32 to index
      %get3A_468 = arith.constant 112 : index
      %get3A_469 = tpu.vector_load %arg8[%get3A_467, %get3A_468] {strides = array<i32>} : memref<8x128xi32, #tpu.memory_space<vmem>>, vector<1x16xi32>,
      %get3A_470 = vector.shape_cast %get3A_469 : vector<1x16xi32> to vector<16xi32>
      %eq3A_471 = arith.constant 1 : i32
      %eq3A_472 = vector.broadcast %eq3A_471 : i32 to vector<16xi32>
      %eq3A_473 = arith.cmpi eq, %get3A_470, %eq3A_472 : vector<16xi32>
      %jit3A_474 = arith.constant 1.000000e+00 : f32
      %jit3A_475 = arith.constant 0.000000e+00 : f32
      %broadcast_in_dim3A_476 = vector.broadcast %jit3A_474 : f32 to vector<16xf32>
      %broadcast_in_dim3A_477 = vector.broadcast %jit3A_475 : f32 to vector<16xf32>
      %select_n3A_478 = arith.select %eq3A_473, %broadcast_in_dim3A_476, %broadcast_in_dim3A_477 : vector<16xi1>, vector<16xf32>
      %swap3A_479 = arith.constant 112 : index
      %swap3A_480 = tpu.vector_load %arg10[%swap3A_479] {strides = array<i32>} : memref<128xf32, #tpu.memory_space<vmem>>, vector<16xf32>,
      %swap3A_481 = vector.shape_cast %swap3A_480 : vector<16xf32> to vector<16xf32>
      %swap3A_482 = vector.shape_cast %select_n3A_478 : vector<16xf32> to vector<16xf32>
      tpu.vector_store %arg10[%swap3A_479], %swap3A_482 {strides = array<i32>} : memref<128xf32, #tpu.memory_space<vmem>>, vector<16xf32>,
      %run_scoped3A_483 = arith.constant 2 : i32
      "tpu.region"() ({
        %run_scoped3A_1179 = tpu.sem_alloc : memref<!tpu.dma_semaphore, #tpu.memory_space<semaphore_mem>>
        %dma_start3A = arith.constant 0 : i32
        %dma_start3A_1180 = tpu.memref_slice %arg7[%run_scoped3A_483, %dma_start3A] : memref<8x128xi32, #tpu.memory_space<vmem>> -> memref<1x128xi32, #tpu.memory_space<vmem>>
        %dma_start3A_1181 = tpu.memref_squeeze %dma_start3A_1180 : memref<1x128xi32, #tpu.memory_space<vmem>> -> memref<128xi32, #tpu.memory_space<vmem>>
        %dma_start3A_1182 = arith.constant 0 : i32
        %dma_start3A_1183 = tpu.memref_slice %arg14[%dma_start3A_1182] : memref<100352xf32, #tpu.memory_space<vmem_shared>> -> memref<100352xf32, #tpu.memory_space<vmem_shared>>
        tpu.enqueue_indirect_dma source(%arg10 : memref<128xf32, #tpu.memory_space<vmem>>) target(%dma_start3A_1183 : memref<100352xf32, #tpu.memory_space<vmem_shared>>) offsets(%dma_start3A_1181 : memref<128xi32, #tpu.memory_space<vmem>>) semaphore(%run_scoped3A_1179 : memref<!tpu.dma_semaphore, #tpu.memory_space<semaphore_mem>>) {add = true}
        %dma_wait3A = arith.constant 0 : i32
        %dma_wait3A_1184 = tpu.memref_slice %arg7[%run_scoped3A_483, %dma_wait3A] : memref<8x128xi32, #tpu.memory_space<vmem>> -> memref<1x128xi32, #tpu.memory_space<vmem>>
        %dma_wait3A_1185 = tpu.memref_squeeze %dma_wait3A_1184 : memref<1x128xi32, #tpu.memory_space<vmem>> -> memref<128xi32, #tpu.memory_space<vmem>>
        %dma_wait3A_1186 = arith.constant 0 : i32
        %dma_wait3A_1187 = tpu.memref_slice %arg14[%dma_wait3A_1186] : memref<100352xf32, #tpu.memory_space<vmem_shared>> -> memref<100352xf32, #tpu.memory_space<vmem_shared>>
        tpu.wait_indirect_dma semaphore(%run_scoped3A_1179 : memref<!tpu.dma_semaphore, #tpu.memory_space<semaphore_mem>>) src(%arg10 : memref<128xf32, #tpu.memory_space<vmem>>) dst(%dma_wait3A_1187 : memref<100352xf32, #tpu.memory_space<vmem_shared>>)
        tpu.yield
      }) : () -> ()
      %run_scoped3A_484 = arith.constant 3 : i32
      "tpu.region"() ({
        %run_scoped3A_1179 = tpu.sem_alloc : memref<!tpu.dma_semaphore, #tpu.memory_space<semaphore_mem>>
        %dma_start3A = arith.constant 0 : i32
        %dma_start3A_1180 = tpu.memref_slice %arg7[%run_scoped3A_484, %dma_start3A] : memref<8x128xi32, #tpu.memory_space<vmem>> -> memref<1x128xi32, #tpu.memory_space<vmem>>
        %dma_start3A_1181 = tpu.memref_squeeze %dma_start3A_1180 : memref<1x128xi32, #tpu.memory_space<vmem>> -> memref<128xi32, #tpu.memory_space<vmem>>
        %dma_start3A_1182 = arith.constant 0 : i32
        %dma_start3A_1183 = tpu.memref_slice %arg12[%dma_start3A_1182] : memref<100352xf32, #tpu.memory_space<vmem_shared>> -> memref<100352xf32, #tpu.memory_space<vmem_shared>>
        tpu.enqueue_indirect_dma source(%arg9 : memref<128xf32, #tpu.memory_space<vmem>>) target(%dma_start3A_1183 : memref<100352xf32, #tpu.memory_space<vmem_shared>>) offsets(%dma_start3A_1181 : memref<128xi32, #tpu.memory_space<vmem>>) semaphore(%run_scoped3A_1179 : memref<!tpu.dma_semaphore, #tpu.memory_space<semaphore_mem>>) {add = true}
        %dma_wait3A = arith.constant 0 : i32
        %dma_wait3A_1184 = tpu.memref_slice %arg7[%run_scoped3A_484, %dma_wait3A] : memref<8x128xi32, #tpu.memory_space<vmem>> -> memref<1x128xi32, #tpu.memory_space<vmem>>
        %dma_wait3A_1185 = tpu.memref_squeeze %dma_wait3A_1184 : memref<1x128xi32, #tpu.memory_space<vmem>> -> memref<128xi32, #tpu.memory_space<vmem>>
        %dma_wait3A_1186 = arith.constant 0 : i32
        %dma_wait3A_1187 = tpu.memref_slice %arg12[%dma_wait3A_1186] : memref<100352xf32, #tpu.memory_space<vmem_shared>> -> memref<100352xf32, #tpu.memory_space<vmem_shared>>
        tpu.wait_indirect_dma semaphore(%run_scoped3A_1179 : memref<!tpu.dma_semaphore, #tpu.memory_space<semaphore_mem>>) src(%arg9 : memref<128xf32, #tpu.memory_space<vmem>>) dst(%dma_wait3A_1187 : memref<100352xf32, #tpu.memory_space<vmem_shared>>)
        tpu.yield
      }) : () -> ()
      %run_scoped3A_485 = arith.constant 3 : i32
      "tpu.region"() ({
        %run_scoped3A_1179 = tpu.sem_alloc : memref<!tpu.dma_semaphore, #tpu.memory_space<semaphore_mem>>
        %dma_start3A = arith.constant 0 : i32
        %dma_start3A_1180 = tpu.memref_slice %arg8[%run_scoped3A_485, %dma_start3A] : memref<8x128xi32, #tpu.memory_space<vmem>> -> memref<1x128xi32, #tpu.memory_space<vmem>>
        %dma_start3A_1181 = tpu.memref_squeeze %dma_start3A_1180 : memref<1x128xi32, #tpu.memory_space<vmem>> -> memref<128xi32, #tpu.memory_space<vmem>>
        %dma_start3A_1182 = arith.constant 0 : i32
        %dma_start3A_1183 = tpu.memref_slice %arg13[%dma_start3A_1182] : memref<100352xf32, #tpu.memory_space<vmem_shared>> -> memref<100352xf32, #tpu.memory_space<vmem_shared>>
        tpu.enqueue_indirect_dma source(%arg9 : memref<128xf32, #tpu.memory_space<vmem>>) target(%dma_start3A_1183 : memref<100352xf32, #tpu.memory_space<vmem_shared>>) offsets(%dma_start3A_1181 : memref<128xi32, #tpu.memory_space<vmem>>) semaphore(%run_scoped3A_1179 : memref<!tpu.dma_semaphore, #tpu.memory_space<semaphore_mem>>) {add = true}
        %dma_wait3A = arith.constant 0 : i32
        %dma_wait3A_1184 = tpu.memref_slice %arg8[%run_scoped3A_485, %dma_wait3A] : memref<8x128xi32, #tpu.memory_space<vmem>> -> memref<1x128xi32, #tpu.memory_space<vmem>>
        %dma_wait3A_1185 = tpu.memref_squeeze %dma_wait3A_1184 : memref<1x128xi32, #tpu.memory_space<vmem>> -> memref<128xi32, #tpu.memory_space<vmem>>
        %dma_wait3A_1186 = arith.constant 0 : i32
        %dma_wait3A_1187 = tpu.memref_slice %arg13[%dma_wait3A_1186] : memref<100352xf32, #tpu.memory_space<vmem_shared>> -> memref<100352xf32, #tpu.memory_space<vmem_shared>>
        tpu.wait_indirect_dma semaphore(%run_scoped3A_1179 : memref<!tpu.dma_semaphore, #tpu.memory_space<semaphore_mem>>) src(%arg9 : memref<128xf32, #tpu.memory_space<vmem>>) dst(%dma_wait3A_1187 : memref<100352xf32, #tpu.memory_space<vmem_shared>>)
        tpu.yield
      }) : () -> ()
      %get3A_486 = arith.constant 3 : i32
      %get3A_487 = arith.index_cast %get3A_486 : i32 to index
      %get3A_488 = arith.constant 0 : index
      %get3A_489 = tpu.vector_load %arg8[%get3A_487, %get3A_488] {strides = array<i32>} : memref<8x128xi32, #tpu.memory_space<vmem>>, vector<1x16xi32>,
      %get3A_490 = vector.shape_cast %get3A_489 : vector<1x16xi32> to vector<16xi32>
      %eq3A_491 = arith.constant 1 : i32
      %eq3A_492 = vector.broadcast %eq3A_491 : i32 to vector<16xi32>
      %eq3A_493 = arith.cmpi eq, %get3A_490, %eq3A_492 : vector<16xi32>
      %jit3A_494 = arith.constant 1.000000e+00 : f32
      %jit3A_495 = arith.constant 0.000000e+00 : f32
      %broadcast_in_dim3A_496 = vector.broadcast %jit3A_494 : f32 to vector<16xf32>
      %broadcast_in_dim3A_497 = vector.broadcast %jit3A_495 : f32 to vector<16xf32>
      %select_n3A_498 = arith.select %eq3A_493, %broadcast_in_dim3A_496, %broadcast_in_dim3A_497 : vector<16xi1>, vector<16xf32>
      %swap3A_499 = arith.constant 0 : index
      %swap3A_500 = tpu.vector_load %arg10[%swap3A_499] {strides = array<i32>} : memref<128xf32, #tpu.memory_space<vmem>>, vector<16xf32>,
      %swap3A_501 = vector.shape_cast %swap3A_500 : vector<16xf32> to vector<16xf32>
      %swap3A_502 = vector.shape_cast %select_n3A_498 : vector<16xf32> to vector<16xf32>
      tpu.vector_store %arg10[%swap3A_499], %swap3A_502 {strides = array<i32>} : memref<128xf32, #tpu.memory_space<vmem>>, vector<16xf32>,
      %get3A_503 = arith.constant 3 : i32
      %get3A_504 = arith.index_cast %get3A_503 : i32 to index
      %get3A_505 = arith.constant 16 : index
      %get3A_506 = tpu.vector_load %arg8[%get3A_504, %get3A_505] {strides = array<i32>} : memref<8x128xi32, #tpu.memory_space<vmem>>, vector<1x16xi32>,
      %get3A_507 = vector.shape_cast %get3A_506 : vector<1x16xi32> to vector<16xi32>
      %eq3A_508 = arith.constant 1 : i32
      %eq3A_509 = vector.broadcast %eq3A_508 : i32 to vector<16xi32>
      %eq3A_510 = arith.cmpi eq, %get3A_507, %eq3A_509 : vector<16xi32>
      %jit3A_511 = arith.constant 1.000000e+00 : f32
      %jit3A_512 = arith.constant 0.000000e+00 : f32
      %broadcast_in_dim3A_513 = vector.broadcast %jit3A_511 : f32 to vector<16xf32>
      %broadcast_in_dim3A_514 = vector.broadcast %jit3A_512 : f32 to vector<16xf32>
      %select_n3A_515 = arith.select %eq3A_510, %broadcast_in_dim3A_513, %broadcast_in_dim3A_514 : vector<16xi1>, vector<16xf32>
      %swap3A_516 = arith.constant 16 : index
      %swap3A_517 = tpu.vector_load %arg10[%swap3A_516] {strides = array<i32>} : memref<128xf32, #tpu.memory_space<vmem>>, vector<16xf32>,
      %swap3A_518 = vector.shape_cast %swap3A_517 : vector<16xf32> to vector<16xf32>
      %swap3A_519 = vector.shape_cast %select_n3A_515 : vector<16xf32> to vector<16xf32>
      tpu.vector_store %arg10[%swap3A_516], %swap3A_519 {strides = array<i32>} : memref<128xf32, #tpu.memory_space<vmem>>, vector<16xf32>,
      %get3A_520 = arith.constant 3 : i32
      %get3A_521 = arith.index_cast %get3A_520 : i32 to index
      %get3A_522 = arith.constant 32 : index
      %get3A_523 = tpu.vector_load %arg8[%get3A_521, %get3A_522] {strides = array<i32>} : memref<8x128xi32, #tpu.memory_space<vmem>>, vector<1x16xi32>,
      %get3A_524 = vector.shape_cast %get3A_523 : vector<1x16xi32> to vector<16xi32>
      %eq3A_525 = arith.constant 1 : i32
      %eq3A_526 = vector.broadcast %eq3A_525 : i32 to vector<16xi32>
      %eq3A_527 = arith.cmpi eq, %get3A_524, %eq3A_526 : vector<16xi32>
      %jit3A_528 = arith.constant 1.000000e+00 : f32
      %jit3A_529 = arith.constant 0.000000e+00 : f32
      %broadcast_in_dim3A_530 = vector.broadcast %jit3A_528 : f32 to vector<16xf32>
      %broadcast_in_dim3A_531 = vector.broadcast %jit3A_529 : f32 to vector<16xf32>
      %select_n3A_532 = arith.select %eq3A_527, %broadcast_in_dim3A_530, %broadcast_in_dim3A_531 : vector<16xi1>, vector<16xf32>
      %swap3A_533 = arith.constant 32 : index
      %swap3A_534 = tpu.vector_load %arg10[%swap3A_533] {strides = array<i32>} : memref<128xf32, #tpu.memory_space<vmem>>, vector<16xf32>,
      %swap3A_535 = vector.shape_cast %swap3A_534 : vector<16xf32> to vector<16xf32>
      %swap3A_536 = vector.shape_cast %select_n3A_532 : vector<16xf32> to vector<16xf32>
      tpu.vector_store %arg10[%swap3A_533], %swap3A_536 {strides = array<i32>} : memref<128xf32, #tpu.memory_space<vmem>>, vector<16xf32>,
      %get3A_537 = arith.constant 3 : i32
      %get3A_538 = arith.index_cast %get3A_537 : i32 to index
      %get3A_539 = arith.constant 48 : index
      %get3A_540 = tpu.vector_load %arg8[%get3A_538, %get3A_539] {strides = array<i32>} : memref<8x128xi32, #tpu.memory_space<vmem>>, vector<1x16xi32>,
      %get3A_541 = vector.shape_cast %get3A_540 : vector<1x16xi32> to vector<16xi32>
      %eq3A_542 = arith.constant 1 : i32
      %eq3A_543 = vector.broadcast %eq3A_542 : i32 to vector<16xi32>
      %eq3A_544 = arith.cmpi eq, %get3A_541, %eq3A_543 : vector<16xi32>
      %jit3A_545 = arith.constant 1.000000e+00 : f32
      %jit3A_546 = arith.constant 0.000000e+00 : f32
      %broadcast_in_dim3A_547 = vector.broadcast %jit3A_545 : f32 to vector<16xf32>
      %broadcast_in_dim3A_548 = vector.broadcast %jit3A_546 : f32 to vector<16xf32>
      %select_n3A_549 = arith.select %eq3A_544, %broadcast_in_dim3A_547, %broadcast_in_dim3A_548 : vector<16xi1>, vector<16xf32>
      %swap3A_550 = arith.constant 48 : index
      %swap3A_551 = tpu.vector_load %arg10[%swap3A_550] {strides = array<i32>} : memref<128xf32, #tpu.memory_space<vmem>>, vector<16xf32>,
      %swap3A_552 = vector.shape_cast %swap3A_551 : vector<16xf32> to vector<16xf32>
      %swap3A_553 = vector.shape_cast %select_n3A_549 : vector<16xf32> to vector<16xf32>
      tpu.vector_store %arg10[%swap3A_550], %swap3A_553 {strides = array<i32>} : memref<128xf32, #tpu.memory_space<vmem>>, vector<16xf32>,
      %get3A_554 = arith.constant 3 : i32
      %get3A_555 = arith.index_cast %get3A_554 : i32 to index
      %get3A_556 = arith.constant 64 : index
      %get3A_557 = tpu.vector_load %arg8[%get3A_555, %get3A_556] {strides = array<i32>} : memref<8x128xi32, #tpu.memory_space<vmem>>, vector<1x16xi32>,
      %get3A_558 = vector.shape_cast %get3A_557 : vector<1x16xi32> to vector<16xi32>
      %eq3A_559 = arith.constant 1 : i32
      %eq3A_560 = vector.broadcast %eq3A_559 : i32 to vector<16xi32>
      %eq3A_561 = arith.cmpi eq, %get3A_558, %eq3A_560 : vector<16xi32>
      %jit3A_562 = arith.constant 1.000000e+00 : f32
      %jit3A_563 = arith.constant 0.000000e+00 : f32
      %broadcast_in_dim3A_564 = vector.broadcast %jit3A_562 : f32 to vector<16xf32>
      %broadcast_in_dim3A_565 = vector.broadcast %jit3A_563 : f32 to vector<16xf32>
      %select_n3A_566 = arith.select %eq3A_561, %broadcast_in_dim3A_564, %broadcast_in_dim3A_565 : vector<16xi1>, vector<16xf32>
      %swap3A_567 = arith.constant 64 : index
      %swap3A_568 = tpu.vector_load %arg10[%swap3A_567] {strides = array<i32>} : memref<128xf32, #tpu.memory_space<vmem>>, vector<16xf32>,
      %swap3A_569 = vector.shape_cast %swap3A_568 : vector<16xf32> to vector<16xf32>
      %swap3A_570 = vector.shape_cast %select_n3A_566 : vector<16xf32> to vector<16xf32>
      tpu.vector_store %arg10[%swap3A_567], %swap3A_570 {strides = array<i32>} : memref<128xf32, #tpu.memory_space<vmem>>, vector<16xf32>,
      %get3A_571 = arith.constant 3 : i32
      %get3A_572 = arith.index_cast %get3A_571 : i32 to index
      %get3A_573 = arith.constant 80 : index
      %get3A_574 = tpu.vector_load %arg8[%get3A_572, %get3A_573] {strides = array<i32>} : memref<8x128xi32, #tpu.memory_space<vmem>>, vector<1x16xi32>,
      %get3A_575 = vector.shape_cast %get3A_574 : vector<1x16xi32> to vector<16xi32>
      %eq3A_576 = arith.constant 1 : i32
      %eq3A_577 = vector.broadcast %eq3A_576 : i32 to vector<16xi32>
      %eq3A_578 = arith.cmpi eq, %get3A_575, %eq3A_577 : vector<16xi32>
      %jit3A_579 = arith.constant 1.000000e+00 : f32
      %jit3A_580 = arith.constant 0.000000e+00 : f32
      %broadcast_in_dim3A_581 = vector.broadcast %jit3A_579 : f32 to vector<16xf32>
      %broadcast_in_dim3A_582 = vector.broadcast %jit3A_580 : f32 to vector<16xf32>
      %select_n3A_583 = arith.select %eq3A_578, %broadcast_in_dim3A_581, %broadcast_in_dim3A_582 : vector<16xi1>, vector<16xf32>
      %swap3A_584 = arith.constant 80 : index
      %swap3A_585 = tpu.vector_load %arg10[%swap3A_584] {strides = array<i32>} : memref<128xf32, #tpu.memory_space<vmem>>, vector<16xf32>,
      %swap3A_586 = vector.shape_cast %swap3A_585 : vector<16xf32> to vector<16xf32>
      %swap3A_587 = vector.shape_cast %select_n3A_583 : vector<16xf32> to vector<16xf32>
      tpu.vector_store %arg10[%swap3A_584], %swap3A_587 {strides = array<i32>} : memref<128xf32, #tpu.memory_space<vmem>>, vector<16xf32>,
      %get3A_588 = arith.constant 3 : i32
      %get3A_589 = arith.index_cast %get3A_588 : i32 to index
      %get3A_590 = arith.constant 96 : index
      %get3A_591 = tpu.vector_load %arg8[%get3A_589, %get3A_590] {strides = array<i32>} : memref<8x128xi32, #tpu.memory_space<vmem>>, vector<1x16xi32>,
      %get3A_592 = vector.shape_cast %get3A_591 : vector<1x16xi32> to vector<16xi32>
      %eq3A_593 = arith.constant 1 : i32
      %eq3A_594 = vector.broadcast %eq3A_593 : i32 to vector<16xi32>
      %eq3A_595 = arith.cmpi eq, %get3A_592, %eq3A_594 : vector<16xi32>
      %jit3A_596 = arith.constant 1.000000e+00 : f32
      %jit3A_597 = arith.constant 0.000000e+00 : f32
      %broadcast_in_dim3A_598 = vector.broadcast %jit3A_596 : f32 to vector<16xf32>
      %broadcast_in_dim3A_599 = vector.broadcast %jit3A_597 : f32 to vector<16xf32>
      %select_n3A_600 = arith.select %eq3A_595, %broadcast_in_dim3A_598, %broadcast_in_dim3A_599 : vector<16xi1>, vector<16xf32>
      %swap3A_601 = arith.constant 96 : index
      %swap3A_602 = tpu.vector_load %arg10[%swap3A_601] {strides = array<i32>} : memref<128xf32, #tpu.memory_space<vmem>>, vector<16xf32>,
      %swap3A_603 = vector.shape_cast %swap3A_602 : vector<16xf32> to vector<16xf32>
      %swap3A_604 = vector.shape_cast %select_n3A_600 : vector<16xf32> to vector<16xf32>
      tpu.vector_store %arg10[%swap3A_601], %swap3A_604 {strides = array<i32>} : memref<128xf32, #tpu.memory_space<vmem>>, vector<16xf32>,
      %get3A_605 = arith.constant 3 : i32
      %get3A_606 = arith.index_cast %get3A_605 : i32 to index
      %get3A_607 = arith.constant 112 : index
      %get3A_608 = tpu.vector_load %arg8[%get3A_606, %get3A_607] {strides = array<i32>} : memref<8x128xi32, #tpu.memory_space<vmem>>, vector<1x16xi32>,
      %get3A_609 = vector.shape_cast %get3A_608 : vector<1x16xi32> to vector<16xi32>
      %eq3A_610 = arith.constant 1 : i32
      %eq3A_611 = vector.broadcast %eq3A_610 : i32 to vector<16xi32>
      %eq3A_612 = arith.cmpi eq, %get3A_609, %eq3A_611 : vector<16xi32>
      %jit3A_613 = arith.constant 1.000000e+00 : f32
      %jit3A_614 = arith.constant 0.000000e+00 : f32
      %broadcast_in_dim3A_615 = vector.broadcast %jit3A_613 : f32 to vector<16xf32>
      %broadcast_in_dim3A_616 = vector.broadcast %jit3A_614 : f32 to vector<16xf32>
      %select_n3A_617 = arith.select %eq3A_612, %broadcast_in_dim3A_615, %broadcast_in_dim3A_616 : vector<16xi1>, vector<16xf32>
      %swap3A_618 = arith.constant 112 : index
      %swap3A_619 = tpu.vector_load %arg10[%swap3A_618] {strides = array<i32>} : memref<128xf32, #tpu.memory_space<vmem>>, vector<16xf32>,
      %swap3A_620 = vector.shape_cast %swap3A_619 : vector<16xf32> to vector<16xf32>
      %swap3A_621 = vector.shape_cast %select_n3A_617 : vector<16xf32> to vector<16xf32>
      tpu.vector_store %arg10[%swap3A_618], %swap3A_621 {strides = array<i32>} : memref<128xf32, #tpu.memory_space<vmem>>, vector<16xf32>,
      %run_scoped3A_622 = arith.constant 3 : i32
      "tpu.region"() ({
        %run_scoped3A_1179 = tpu.sem_alloc : memref<!tpu.dma_semaphore, #tpu.memory_space<semaphore_mem>>
        %dma_start3A = arith.constant 0 : i32
        %dma_start3A_1180 = tpu.memref_slice %arg7[%run_scoped3A_622, %dma_start3A] : memref<8x128xi32, #tpu.memory_space<vmem>> -> memref<1x128xi32, #tpu.memory_space<vmem>>
        %dma_start3A_1181 = tpu.memref_squeeze %dma_start3A_1180 : memref<1x128xi32, #tpu.memory_space<vmem>> -> memref<128xi32, #tpu.memory_space<vmem>>
        %dma_start3A_1182 = arith.constant 0 : i32
        %dma_start3A_1183 = tpu.memref_slice %arg14[%dma_start3A_1182] : memref<100352xf32, #tpu.memory_space<vmem_shared>> -> memref<100352xf32, #tpu.memory_space<vmem_shared>>
        tpu.enqueue_indirect_dma source(%arg10 : memref<128xf32, #tpu.memory_space<vmem>>) target(%dma_start3A_1183 : memref<100352xf32, #tpu.memory_space<vmem_shared>>) offsets(%dma_start3A_1181 : memref<128xi32, #tpu.memory_space<vmem>>) semaphore(%run_scoped3A_1179 : memref<!tpu.dma_semaphore, #tpu.memory_space<semaphore_mem>>) {add = true}
        %dma_wait3A = arith.constant 0 : i32
        %dma_wait3A_1184 = tpu.memref_slice %arg7[%run_scoped3A_622, %dma_wait3A] : memref<8x128xi32, #tpu.memory_space<vmem>> -> memref<1x128xi32, #tpu.memory_space<vmem>>
        %dma_wait3A_1185 = tpu.memref_squeeze %dma_wait3A_1184 : memref<1x128xi32, #tpu.memory_space<vmem>> -> memref<128xi32, #tpu.memory_space<vmem>>
        %dma_wait3A_1186 = arith.constant 0 : i32
        %dma_wait3A_1187 = tpu.memref_slice %arg14[%dma_wait3A_1186] : memref<100352xf32, #tpu.memory_space<vmem_shared>> -> memref<100352xf32, #tpu.memory_space<vmem_shared>>
        tpu.wait_indirect_dma semaphore(%run_scoped3A_1179 : memref<!tpu.dma_semaphore, #tpu.memory_space<semaphore_mem>>) src(%arg10 : memref<128xf32, #tpu.memory_space<vmem>>) dst(%dma_wait3A_1187 : memref<100352xf32, #tpu.memory_space<vmem_shared>>)
        tpu.yield
      }) : () -> ()
      %run_scoped3A_623 = arith.constant 4 : i32
      "tpu.region"() ({
        %run_scoped3A_1179 = tpu.sem_alloc : memref<!tpu.dma_semaphore, #tpu.memory_space<semaphore_mem>>
        %dma_start3A = arith.constant 0 : i32
        %dma_start3A_1180 = tpu.memref_slice %arg7[%run_scoped3A_623, %dma_start3A] : memref<8x128xi32, #tpu.memory_space<vmem>> -> memref<1x128xi32, #tpu.memory_space<vmem>>
        %dma_start3A_1181 = tpu.memref_squeeze %dma_start3A_1180 : memref<1x128xi32, #tpu.memory_space<vmem>> -> memref<128xi32, #tpu.memory_space<vmem>>
        %dma_start3A_1182 = arith.constant 0 : i32
        %dma_start3A_1183 = tpu.memref_slice %arg12[%dma_start3A_1182] : memref<100352xf32, #tpu.memory_space<vmem_shared>> -> memref<100352xf32, #tpu.memory_space<vmem_shared>>
        tpu.enqueue_indirect_dma source(%arg9 : memref<128xf32, #tpu.memory_space<vmem>>) target(%dma_start3A_1183 : memref<100352xf32, #tpu.memory_space<vmem_shared>>) offsets(%dma_start3A_1181 : memref<128xi32, #tpu.memory_space<vmem>>) semaphore(%run_scoped3A_1179 : memref<!tpu.dma_semaphore, #tpu.memory_space<semaphore_mem>>) {add = true}
        %dma_wait3A = arith.constant 0 : i32
        %dma_wait3A_1184 = tpu.memref_slice %arg7[%run_scoped3A_623, %dma_wait3A] : memref<8x128xi32, #tpu.memory_space<vmem>> -> memref<1x128xi32, #tpu.memory_space<vmem>>
        %dma_wait3A_1185 = tpu.memref_squeeze %dma_wait3A_1184 : memref<1x128xi32, #tpu.memory_space<vmem>> -> memref<128xi32, #tpu.memory_space<vmem>>
        %dma_wait3A_1186 = arith.constant 0 : i32
        %dma_wait3A_1187 = tpu.memref_slice %arg12[%dma_wait3A_1186] : memref<100352xf32, #tpu.memory_space<vmem_shared>> -> memref<100352xf32, #tpu.memory_space<vmem_shared>>
        tpu.wait_indirect_dma semaphore(%run_scoped3A_1179 : memref<!tpu.dma_semaphore, #tpu.memory_space<semaphore_mem>>) src(%arg9 : memref<128xf32, #tpu.memory_space<vmem>>) dst(%dma_wait3A_1187 : memref<100352xf32, #tpu.memory_space<vmem_shared>>)
        tpu.yield
      }) : () -> ()
      %run_scoped3A_624 = arith.constant 4 : i32
      "tpu.region"() ({
        %run_scoped3A_1179 = tpu.sem_alloc : memref<!tpu.dma_semaphore, #tpu.memory_space<semaphore_mem>>
        %dma_start3A = arith.constant 0 : i32
        %dma_start3A_1180 = tpu.memref_slice %arg8[%run_scoped3A_624, %dma_start3A] : memref<8x128xi32, #tpu.memory_space<vmem>> -> memref<1x128xi32, #tpu.memory_space<vmem>>
        %dma_start3A_1181 = tpu.memref_squeeze %dma_start3A_1180 : memref<1x128xi32, #tpu.memory_space<vmem>> -> memref<128xi32, #tpu.memory_space<vmem>>
        %dma_start3A_1182 = arith.constant 0 : i32
        %dma_start3A_1183 = tpu.memref_slice %arg13[%dma_start3A_1182] : memref<100352xf32, #tpu.memory_space<vmem_shared>> -> memref<100352xf32, #tpu.memory_space<vmem_shared>>
        tpu.enqueue_indirect_dma source(%arg9 : memref<128xf32, #tpu.memory_space<vmem>>) target(%dma_start3A_1183 : memref<100352xf32, #tpu.memory_space<vmem_shared>>) offsets(%dma_start3A_1181 : memref<128xi32, #tpu.memory_space<vmem>>) semaphore(%run_scoped3A_1179 : memref<!tpu.dma_semaphore, #tpu.memory_space<semaphore_mem>>) {add = true}
        %dma_wait3A = arith.constant 0 : i32
        %dma_wait3A_1184 = tpu.memref_slice %arg8[%run_scoped3A_624, %dma_wait3A] : memref<8x128xi32, #tpu.memory_space<vmem>> -> memref<1x128xi32, #tpu.memory_space<vmem>>
        %dma_wait3A_1185 = tpu.memref_squeeze %dma_wait3A_1184 : memref<1x128xi32, #tpu.memory_space<vmem>> -> memref<128xi32, #tpu.memory_space<vmem>>
        %dma_wait3A_1186 = arith.constant 0 : i32
        %dma_wait3A_1187 = tpu.memref_slice %arg13[%dma_wait3A_1186] : memref<100352xf32, #tpu.memory_space<vmem_shared>> -> memref<100352xf32, #tpu.memory_space<vmem_shared>>
        tpu.wait_indirect_dma semaphore(%run_scoped3A_1179 : memref<!tpu.dma_semaphore, #tpu.memory_space<semaphore_mem>>) src(%arg9 : memref<128xf32, #tpu.memory_space<vmem>>) dst(%dma_wait3A_1187 : memref<100352xf32, #tpu.memory_space<vmem_shared>>)
        tpu.yield
      }) : () -> ()
      %get3A_625 = arith.constant 4 : i32
      %get3A_626 = arith.index_cast %get3A_625 : i32 to index
      %get3A_627 = arith.constant 0 : index
      %get3A_628 = tpu.vector_load %arg8[%get3A_626, %get3A_627] {strides = array<i32>} : memref<8x128xi32, #tpu.memory_space<vmem>>, vector<1x16xi32>,
      %get3A_629 = vector.shape_cast %get3A_628 : vector<1x16xi32> to vector<16xi32>
      %eq3A_630 = arith.constant 1 : i32
      %eq3A_631 = vector.broadcast %eq3A_630 : i32 to vector<16xi32>
      %eq3A_632 = arith.cmpi eq, %get3A_629, %eq3A_631 : vector<16xi32>
      %jit3A_633 = arith.constant 1.000000e+00 : f32
      %jit3A_634 = arith.constant 0.000000e+00 : f32
      %broadcast_in_dim3A_635 = vector.broadcast %jit3A_633 : f32 to vector<16xf32>
      %broadcast_in_dim3A_636 = vector.broadcast %jit3A_634 : f32 to vector<16xf32>
      %select_n3A_637 = arith.select %eq3A_632, %broadcast_in_dim3A_635, %broadcast_in_dim3A_636 : vector<16xi1>, vector<16xf32>
      %swap3A_638 = arith.constant 0 : index
      %swap3A_639 = tpu.vector_load %arg10[%swap3A_638] {strides = array<i32>} : memref<128xf32, #tpu.memory_space<vmem>>, vector<16xf32>,
      %swap3A_640 = vector.shape_cast %swap3A_639 : vector<16xf32> to vector<16xf32>
      %swap3A_641 = vector.shape_cast %select_n3A_637 : vector<16xf32> to vector<16xf32>
      tpu.vector_store %arg10[%swap3A_638], %swap3A_641 {strides = array<i32>} : memref<128xf32, #tpu.memory_space<vmem>>, vector<16xf32>,
      %get3A_642 = arith.constant 4 : i32
      %get3A_643 = arith.index_cast %get3A_642 : i32 to index
      %get3A_644 = arith.constant 16 : index
      %get3A_645 = tpu.vector_load %arg8[%get3A_643, %get3A_644] {strides = array<i32>} : memref<8x128xi32, #tpu.memory_space<vmem>>, vector<1x16xi32>,
      %get3A_646 = vector.shape_cast %get3A_645 : vector<1x16xi32> to vector<16xi32>
      %eq3A_647 = arith.constant 1 : i32
      %eq3A_648 = vector.broadcast %eq3A_647 : i32 to vector<16xi32>
      %eq3A_649 = arith.cmpi eq, %get3A_646, %eq3A_648 : vector<16xi32>
      %jit3A_650 = arith.constant 1.000000e+00 : f32
      %jit3A_651 = arith.constant 0.000000e+00 : f32
      %broadcast_in_dim3A_652 = vector.broadcast %jit3A_650 : f32 to vector<16xf32>
      %broadcast_in_dim3A_653 = vector.broadcast %jit3A_651 : f32 to vector<16xf32>
      %select_n3A_654 = arith.select %eq3A_649, %broadcast_in_dim3A_652, %broadcast_in_dim3A_653 : vector<16xi1>, vector<16xf32>
      %swap3A_655 = arith.constant 16 : index
      %swap3A_656 = tpu.vector_load %arg10[%swap3A_655] {strides = array<i32>} : memref<128xf32, #tpu.memory_space<vmem>>, vector<16xf32>,
      %swap3A_657 = vector.shape_cast %swap3A_656 : vector<16xf32> to vector<16xf32>
      %swap3A_658 = vector.shape_cast %select_n3A_654 : vector<16xf32> to vector<16xf32>
      tpu.vector_store %arg10[%swap3A_655], %swap3A_658 {strides = array<i32>} : memref<128xf32, #tpu.memory_space<vmem>>, vector<16xf32>,
      %get3A_659 = arith.constant 4 : i32
      %get3A_660 = arith.index_cast %get3A_659 : i32 to index
      %get3A_661 = arith.constant 32 : index
      %get3A_662 = tpu.vector_load %arg8[%get3A_660, %get3A_661] {strides = array<i32>} : memref<8x128xi32, #tpu.memory_space<vmem>>, vector<1x16xi32>,
      %get3A_663 = vector.shape_cast %get3A_662 : vector<1x16xi32> to vector<16xi32>
      %eq3A_664 = arith.constant 1 : i32
      %eq3A_665 = vector.broadcast %eq3A_664 : i32 to vector<16xi32>
      %eq3A_666 = arith.cmpi eq, %get3A_663, %eq3A_665 : vector<16xi32>
      %jit3A_667 = arith.constant 1.000000e+00 : f32
      %jit3A_668 = arith.constant 0.000000e+00 : f32
      %broadcast_in_dim3A_669 = vector.broadcast %jit3A_667 : f32 to vector<16xf32>
      %broadcast_in_dim3A_670 = vector.broadcast %jit3A_668 : f32 to vector<16xf32>
      %select_n3A_671 = arith.select %eq3A_666, %broadcast_in_dim3A_669, %broadcast_in_dim3A_670 : vector<16xi1>, vector<16xf32>
      %swap3A_672 = arith.constant 32 : index
      %swap3A_673 = tpu.vector_load %arg10[%swap3A_672] {strides = array<i32>} : memref<128xf32, #tpu.memory_space<vmem>>, vector<16xf32>,
      %swap3A_674 = vector.shape_cast %swap3A_673 : vector<16xf32> to vector<16xf32>
      %swap3A_675 = vector.shape_cast %select_n3A_671 : vector<16xf32> to vector<16xf32>
      tpu.vector_store %arg10[%swap3A_672], %swap3A_675 {strides = array<i32>} : memref<128xf32, #tpu.memory_space<vmem>>, vector<16xf32>,
      %get3A_676 = arith.constant 4 : i32
      %get3A_677 = arith.index_cast %get3A_676 : i32 to index
      %get3A_678 = arith.constant 48 : index
      %get3A_679 = tpu.vector_load %arg8[%get3A_677, %get3A_678] {strides = array<i32>} : memref<8x128xi32, #tpu.memory_space<vmem>>, vector<1x16xi32>,
      %get3A_680 = vector.shape_cast %get3A_679 : vector<1x16xi32> to vector<16xi32>
      %eq3A_681 = arith.constant 1 : i32
      %eq3A_682 = vector.broadcast %eq3A_681 : i32 to vector<16xi32>
      %eq3A_683 = arith.cmpi eq, %get3A_680, %eq3A_682 : vector<16xi32>
      %jit3A_684 = arith.constant 1.000000e+00 : f32
      %jit3A_685 = arith.constant 0.000000e+00 : f32
      %broadcast_in_dim3A_686 = vector.broadcast %jit3A_684 : f32 to vector<16xf32>
      %broadcast_in_dim3A_687 = vector.broadcast %jit3A_685 : f32 to vector<16xf32>
      %select_n3A_688 = arith.select %eq3A_683, %broadcast_in_dim3A_686, %broadcast_in_dim3A_687 : vector<16xi1>, vector<16xf32>
      %swap3A_689 = arith.constant 48 : index
      %swap3A_690 = tpu.vector_load %arg10[%swap3A_689] {strides = array<i32>} : memref<128xf32, #tpu.memory_space<vmem>>, vector<16xf32>,
      %swap3A_691 = vector.shape_cast %swap3A_690 : vector<16xf32> to vector<16xf32>
      %swap3A_692 = vector.shape_cast %select_n3A_688 : vector<16xf32> to vector<16xf32>
      tpu.vector_store %arg10[%swap3A_689], %swap3A_692 {strides = array<i32>} : memref<128xf32, #tpu.memory_space<vmem>>, vector<16xf32>,
      %get3A_693 = arith.constant 4 : i32
      %get3A_694 = arith.index_cast %get3A_693 : i32 to index
      %get3A_695 = arith.constant 64 : index
      %get3A_696 = tpu.vector_load %arg8[%get3A_694, %get3A_695] {strides = array<i32>} : memref<8x128xi32, #tpu.memory_space<vmem>>, vector<1x16xi32>,
      %get3A_697 = vector.shape_cast %get3A_696 : vector<1x16xi32> to vector<16xi32>
      %eq3A_698 = arith.constant 1 : i32
      %eq3A_699 = vector.broadcast %eq3A_698 : i32 to vector<16xi32>
      %eq3A_700 = arith.cmpi eq, %get3A_697, %eq3A_699 : vector<16xi32>
      %jit3A_701 = arith.constant 1.000000e+00 : f32
      %jit3A_702 = arith.constant 0.000000e+00 : f32
      %broadcast_in_dim3A_703 = vector.broadcast %jit3A_701 : f32 to vector<16xf32>
      %broadcast_in_dim3A_704 = vector.broadcast %jit3A_702 : f32 to vector<16xf32>
      %select_n3A_705 = arith.select %eq3A_700, %broadcast_in_dim3A_703, %broadcast_in_dim3A_704 : vector<16xi1>, vector<16xf32>
      %swap3A_706 = arith.constant 64 : index
      %swap3A_707 = tpu.vector_load %arg10[%swap3A_706] {strides = array<i32>} : memref<128xf32, #tpu.memory_space<vmem>>, vector<16xf32>,
      %swap3A_708 = vector.shape_cast %swap3A_707 : vector<16xf32> to vector<16xf32>
      %swap3A_709 = vector.shape_cast %select_n3A_705 : vector<16xf32> to vector<16xf32>
      tpu.vector_store %arg10[%swap3A_706], %swap3A_709 {strides = array<i32>} : memref<128xf32, #tpu.memory_space<vmem>>, vector<16xf32>,
      %get3A_710 = arith.constant 4 : i32
      %get3A_711 = arith.index_cast %get3A_710 : i32 to index
      %get3A_712 = arith.constant 80 : index
      %get3A_713 = tpu.vector_load %arg8[%get3A_711, %get3A_712] {strides = array<i32>} : memref<8x128xi32, #tpu.memory_space<vmem>>, vector<1x16xi32>,
      %get3A_714 = vector.shape_cast %get3A_713 : vector<1x16xi32> to vector<16xi32>
      %eq3A_715 = arith.constant 1 : i32
      %eq3A_716 = vector.broadcast %eq3A_715 : i32 to vector<16xi32>
      %eq3A_717 = arith.cmpi eq, %get3A_714, %eq3A_716 : vector<16xi32>
      %jit3A_718 = arith.constant 1.000000e+00 : f32
      %jit3A_719 = arith.constant 0.000000e+00 : f32
      %broadcast_in_dim3A_720 = vector.broadcast %jit3A_718 : f32 to vector<16xf32>
      %broadcast_in_dim3A_721 = vector.broadcast %jit3A_719 : f32 to vector<16xf32>
      %select_n3A_722 = arith.select %eq3A_717, %broadcast_in_dim3A_720, %broadcast_in_dim3A_721 : vector<16xi1>, vector<16xf32>
      %swap3A_723 = arith.constant 80 : index
      %swap3A_724 = tpu.vector_load %arg10[%swap3A_723] {strides = array<i32>} : memref<128xf32, #tpu.memory_space<vmem>>, vector<16xf32>,
      %swap3A_725 = vector.shape_cast %swap3A_724 : vector<16xf32> to vector<16xf32>
      %swap3A_726 = vector.shape_cast %select_n3A_722 : vector<16xf32> to vector<16xf32>
      tpu.vector_store %arg10[%swap3A_723], %swap3A_726 {strides = array<i32>} : memref<128xf32, #tpu.memory_space<vmem>>, vector<16xf32>,
      %get3A_727 = arith.constant 4 : i32
      %get3A_728 = arith.index_cast %get3A_727 : i32 to index
      %get3A_729 = arith.constant 96 : index
      %get3A_730 = tpu.vector_load %arg8[%get3A_728, %get3A_729] {strides = array<i32>} : memref<8x128xi32, #tpu.memory_space<vmem>>, vector<1x16xi32>,
      %get3A_731 = vector.shape_cast %get3A_730 : vector<1x16xi32> to vector<16xi32>
      %eq3A_732 = arith.constant 1 : i32
      %eq3A_733 = vector.broadcast %eq3A_732 : i32 to vector<16xi32>
      %eq3A_734 = arith.cmpi eq, %get3A_731, %eq3A_733 : vector<16xi32>
      %jit3A_735 = arith.constant 1.000000e+00 : f32
      %jit3A_736 = arith.constant 0.000000e+00 : f32
      %broadcast_in_dim3A_737 = vector.broadcast %jit3A_735 : f32 to vector<16xf32>
      %broadcast_in_dim3A_738 = vector.broadcast %jit3A_736 : f32 to vector<16xf32>
      %select_n3A_739 = arith.select %eq3A_734, %broadcast_in_dim3A_737, %broadcast_in_dim3A_738 : vector<16xi1>, vector<16xf32>
      %swap3A_740 = arith.constant 96 : index
      %swap3A_741 = tpu.vector_load %arg10[%swap3A_740] {strides = array<i32>} : memref<128xf32, #tpu.memory_space<vmem>>, vector<16xf32>,
      %swap3A_742 = vector.shape_cast %swap3A_741 : vector<16xf32> to vector<16xf32>
      %swap3A_743 = vector.shape_cast %select_n3A_739 : vector<16xf32> to vector<16xf32>
      tpu.vector_store %arg10[%swap3A_740], %swap3A_743 {strides = array<i32>} : memref<128xf32, #tpu.memory_space<vmem>>, vector<16xf32>,
      %get3A_744 = arith.constant 4 : i32
      %get3A_745 = arith.index_cast %get3A_744 : i32 to index
      %get3A_746 = arith.constant 112 : index
      %get3A_747 = tpu.vector_load %arg8[%get3A_745, %get3A_746] {strides = array<i32>} : memref<8x128xi32, #tpu.memory_space<vmem>>, vector<1x16xi32>,
      %get3A_748 = vector.shape_cast %get3A_747 : vector<1x16xi32> to vector<16xi32>
      %eq3A_749 = arith.constant 1 : i32
      %eq3A_750 = vector.broadcast %eq3A_749 : i32 to vector<16xi32>
      %eq3A_751 = arith.cmpi eq, %get3A_748, %eq3A_750 : vector<16xi32>
      %jit3A_752 = arith.constant 1.000000e+00 : f32
      %jit3A_753 = arith.constant 0.000000e+00 : f32
      %broadcast_in_dim3A_754 = vector.broadcast %jit3A_752 : f32 to vector<16xf32>
      %broadcast_in_dim3A_755 = vector.broadcast %jit3A_753 : f32 to vector<16xf32>
      %select_n3A_756 = arith.select %eq3A_751, %broadcast_in_dim3A_754, %broadcast_in_dim3A_755 : vector<16xi1>, vector<16xf32>
      %swap3A_757 = arith.constant 112 : index
      %swap3A_758 = tpu.vector_load %arg10[%swap3A_757] {strides = array<i32>} : memref<128xf32, #tpu.memory_space<vmem>>, vector<16xf32>,
      %swap3A_759 = vector.shape_cast %swap3A_758 : vector<16xf32> to vector<16xf32>
      %swap3A_760 = vector.shape_cast %select_n3A_756 : vector<16xf32> to vector<16xf32>
      tpu.vector_store %arg10[%swap3A_757], %swap3A_760 {strides = array<i32>} : memref<128xf32, #tpu.memory_space<vmem>>, vector<16xf32>,
      %run_scoped3A_761 = arith.constant 4 : i32
      "tpu.region"() ({
        %run_scoped3A_1179 = tpu.sem_alloc : memref<!tpu.dma_semaphore, #tpu.memory_space<semaphore_mem>>
        %dma_start3A = arith.constant 0 : i32
        %dma_start3A_1180 = tpu.memref_slice %arg7[%run_scoped3A_761, %dma_start3A] : memref<8x128xi32, #tpu.memory_space<vmem>> -> memref<1x128xi32, #tpu.memory_space<vmem>>
        %dma_start3A_1181 = tpu.memref_squeeze %dma_start3A_1180 : memref<1x128xi32, #tpu.memory_space<vmem>> -> memref<128xi32, #tpu.memory_space<vmem>>
        %dma_start3A_1182 = arith.constant 0 : i32
        %dma_start3A_1183 = tpu.memref_slice %arg14[%dma_start3A_1182] : memref<100352xf32, #tpu.memory_space<vmem_shared>> -> memref<100352xf32, #tpu.memory_space<vmem_shared>>
        tpu.enqueue_indirect_dma source(%arg10 : memref<128xf32, #tpu.memory_space<vmem>>) target(%dma_start3A_1183 : memref<100352xf32, #tpu.memory_space<vmem_shared>>) offsets(%dma_start3A_1181 : memref<128xi32, #tpu.memory_space<vmem>>) semaphore(%run_scoped3A_1179 : memref<!tpu.dma_semaphore, #tpu.memory_space<semaphore_mem>>) {add = true}
        %dma_wait3A = arith.constant 0 : i32
        %dma_wait3A_1184 = tpu.memref_slice %arg7[%run_scoped3A_761, %dma_wait3A] : memref<8x128xi32, #tpu.memory_space<vmem>> -> memref<1x128xi32, #tpu.memory_space<vmem>>
        %dma_wait3A_1185 = tpu.memref_squeeze %dma_wait3A_1184 : memref<1x128xi32, #tpu.memory_space<vmem>> -> memref<128xi32, #tpu.memory_space<vmem>>
        %dma_wait3A_1186 = arith.constant 0 : i32
        %dma_wait3A_1187 = tpu.memref_slice %arg14[%dma_wait3A_1186] : memref<100352xf32, #tpu.memory_space<vmem_shared>> -> memref<100352xf32, #tpu.memory_space<vmem_shared>>
        tpu.wait_indirect_dma semaphore(%run_scoped3A_1179 : memref<!tpu.dma_semaphore, #tpu.memory_space<semaphore_mem>>) src(%arg10 : memref<128xf32, #tpu.memory_space<vmem>>) dst(%dma_wait3A_1187 : memref<100352xf32, #tpu.memory_space<vmem_shared>>)
        tpu.yield
      }) : () -> ()
      %run_scoped3A_762 = arith.constant 5 : i32
      "tpu.region"() ({
        %run_scoped3A_1179 = tpu.sem_alloc : memref<!tpu.dma_semaphore, #tpu.memory_space<semaphore_mem>>
        %dma_start3A = arith.constant 0 : i32
        %dma_start3A_1180 = tpu.memref_slice %arg7[%run_scoped3A_762, %dma_start3A] : memref<8x128xi32, #tpu.memory_space<vmem>> -> memref<1x128xi32, #tpu.memory_space<vmem>>
        %dma_start3A_1181 = tpu.memref_squeeze %dma_start3A_1180 : memref<1x128xi32, #tpu.memory_space<vmem>> -> memref<128xi32, #tpu.memory_space<vmem>>
        %dma_start3A_1182 = arith.constant 0 : i32
        %dma_start3A_1183 = tpu.memref_slice %arg12[%dma_start3A_1182] : memref<100352xf32, #tpu.memory_space<vmem_shared>> -> memref<100352xf32, #tpu.memory_space<vmem_shared>>
        tpu.enqueue_indirect_dma source(%arg9 : memref<128xf32, #tpu.memory_space<vmem>>) target(%dma_start3A_1183 : memref<100352xf32, #tpu.memory_space<vmem_shared>>) offsets(%dma_start3A_1181 : memref<128xi32, #tpu.memory_space<vmem>>) semaphore(%run_scoped3A_1179 : memref<!tpu.dma_semaphore, #tpu.memory_space<semaphore_mem>>) {add = true}
        %dma_wait3A = arith.constant 0 : i32
        %dma_wait3A_1184 = tpu.memref_slice %arg7[%run_scoped3A_762, %dma_wait3A] : memref<8x128xi32, #tpu.memory_space<vmem>> -> memref<1x128xi32, #tpu.memory_space<vmem>>
        %dma_wait3A_1185 = tpu.memref_squeeze %dma_wait3A_1184 : memref<1x128xi32, #tpu.memory_space<vmem>> -> memref<128xi32, #tpu.memory_space<vmem>>
        %dma_wait3A_1186 = arith.constant 0 : i32
        %dma_wait3A_1187 = tpu.memref_slice %arg12[%dma_wait3A_1186] : memref<100352xf32, #tpu.memory_space<vmem_shared>> -> memref<100352xf32, #tpu.memory_space<vmem_shared>>
        tpu.wait_indirect_dma semaphore(%run_scoped3A_1179 : memref<!tpu.dma_semaphore, #tpu.memory_space<semaphore_mem>>) src(%arg9 : memref<128xf32, #tpu.memory_space<vmem>>) dst(%dma_wait3A_1187 : memref<100352xf32, #tpu.memory_space<vmem_shared>>)
        tpu.yield
      }) : () -> ()
      %run_scoped3A_763 = arith.constant 5 : i32
      "tpu.region"() ({
        %run_scoped3A_1179 = tpu.sem_alloc : memref<!tpu.dma_semaphore, #tpu.memory_space<semaphore_mem>>
        %dma_start3A = arith.constant 0 : i32
        %dma_start3A_1180 = tpu.memref_slice %arg8[%run_scoped3A_763, %dma_start3A] : memref<8x128xi32, #tpu.memory_space<vmem>> -> memref<1x128xi32, #tpu.memory_space<vmem>>
        %dma_start3A_1181 = tpu.memref_squeeze %dma_start3A_1180 : memref<1x128xi32, #tpu.memory_space<vmem>> -> memref<128xi32, #tpu.memory_space<vmem>>
        %dma_start3A_1182 = arith.constant 0 : i32
        %dma_start3A_1183 = tpu.memref_slice %arg13[%dma_start3A_1182] : memref<100352xf32, #tpu.memory_space<vmem_shared>> -> memref<100352xf32, #tpu.memory_space<vmem_shared>>
        tpu.enqueue_indirect_dma source(%arg9 : memref<128xf32, #tpu.memory_space<vmem>>) target(%dma_start3A_1183 : memref<100352xf32, #tpu.memory_space<vmem_shared>>) offsets(%dma_start3A_1181 : memref<128xi32, #tpu.memory_space<vmem>>) semaphore(%run_scoped3A_1179 : memref<!tpu.dma_semaphore, #tpu.memory_space<semaphore_mem>>) {add = true}
        %dma_wait3A = arith.constant 0 : i32
        %dma_wait3A_1184 = tpu.memref_slice %arg8[%run_scoped3A_763, %dma_wait3A] : memref<8x128xi32, #tpu.memory_space<vmem>> -> memref<1x128xi32, #tpu.memory_space<vmem>>
        %dma_wait3A_1185 = tpu.memref_squeeze %dma_wait3A_1184 : memref<1x128xi32, #tpu.memory_space<vmem>> -> memref<128xi32, #tpu.memory_space<vmem>>
        %dma_wait3A_1186 = arith.constant 0 : i32
        %dma_wait3A_1187 = tpu.memref_slice %arg13[%dma_wait3A_1186] : memref<100352xf32, #tpu.memory_space<vmem_shared>> -> memref<100352xf32, #tpu.memory_space<vmem_shared>>
        tpu.wait_indirect_dma semaphore(%run_scoped3A_1179 : memref<!tpu.dma_semaphore, #tpu.memory_space<semaphore_mem>>) src(%arg9 : memref<128xf32, #tpu.memory_space<vmem>>) dst(%dma_wait3A_1187 : memref<100352xf32, #tpu.memory_space<vmem_shared>>)
        tpu.yield
      }) : () -> ()
      %get3A_764 = arith.constant 5 : i32
      %get3A_765 = arith.index_cast %get3A_764 : i32 to index
      %get3A_766 = arith.constant 0 : index
      %get3A_767 = tpu.vector_load %arg8[%get3A_765, %get3A_766] {strides = array<i32>} : memref<8x128xi32, #tpu.memory_space<vmem>>, vector<1x16xi32>,
      %get3A_768 = vector.shape_cast %get3A_767 : vector<1x16xi32> to vector<16xi32>
      %eq3A_769 = arith.constant 1 : i32
      %eq3A_770 = vector.broadcast %eq3A_769 : i32 to vector<16xi32>
      %eq3A_771 = arith.cmpi eq, %get3A_768, %eq3A_770 : vector<16xi32>
      %jit3A_772 = arith.constant 1.000000e+00 : f32
      %jit3A_773 = arith.constant 0.000000e+00 : f32
      %broadcast_in_dim3A_774 = vector.broadcast %jit3A_772 : f32 to vector<16xf32>
      %broadcast_in_dim3A_775 = vector.broadcast %jit3A_773 : f32 to vector<16xf32>
      %select_n3A_776 = arith.select %eq3A_771, %broadcast_in_dim3A_774, %broadcast_in_dim3A_775 : vector<16xi1>, vector<16xf32>
      %swap3A_777 = arith.constant 0 : index
      %swap3A_778 = tpu.vector_load %arg10[%swap3A_777] {strides = array<i32>} : memref<128xf32, #tpu.memory_space<vmem>>, vector<16xf32>,
      %swap3A_779 = vector.shape_cast %swap3A_778 : vector<16xf32> to vector<16xf32>
      %swap3A_780 = vector.shape_cast %select_n3A_776 : vector<16xf32> to vector<16xf32>
      tpu.vector_store %arg10[%swap3A_777], %swap3A_780 {strides = array<i32>} : memref<128xf32, #tpu.memory_space<vmem>>, vector<16xf32>,
      %get3A_781 = arith.constant 5 : i32
      %get3A_782 = arith.index_cast %get3A_781 : i32 to index
      %get3A_783 = arith.constant 16 : index
      %get3A_784 = tpu.vector_load %arg8[%get3A_782, %get3A_783] {strides = array<i32>} : memref<8x128xi32, #tpu.memory_space<vmem>>, vector<1x16xi32>,
      %get3A_785 = vector.shape_cast %get3A_784 : vector<1x16xi32> to vector<16xi32>
      %eq3A_786 = arith.constant 1 : i32
      %eq3A_787 = vector.broadcast %eq3A_786 : i32 to vector<16xi32>
      %eq3A_788 = arith.cmpi eq, %get3A_785, %eq3A_787 : vector<16xi32>
      %jit3A_789 = arith.constant 1.000000e+00 : f32
      %jit3A_790 = arith.constant 0.000000e+00 : f32
      %broadcast_in_dim3A_791 = vector.broadcast %jit3A_789 : f32 to vector<16xf32>
      %broadcast_in_dim3A_792 = vector.broadcast %jit3A_790 : f32 to vector<16xf32>
      %select_n3A_793 = arith.select %eq3A_788, %broadcast_in_dim3A_791, %broadcast_in_dim3A_792 : vector<16xi1>, vector<16xf32>
      %swap3A_794 = arith.constant 16 : index
      %swap3A_795 = tpu.vector_load %arg10[%swap3A_794] {strides = array<i32>} : memref<128xf32, #tpu.memory_space<vmem>>, vector<16xf32>,
      %swap3A_796 = vector.shape_cast %swap3A_795 : vector<16xf32> to vector<16xf32>
      %swap3A_797 = vector.shape_cast %select_n3A_793 : vector<16xf32> to vector<16xf32>
      tpu.vector_store %arg10[%swap3A_794], %swap3A_797 {strides = array<i32>} : memref<128xf32, #tpu.memory_space<vmem>>, vector<16xf32>,
      %get3A_798 = arith.constant 5 : i32
      %get3A_799 = arith.index_cast %get3A_798 : i32 to index
      %get3A_800 = arith.constant 32 : index
      %get3A_801 = tpu.vector_load %arg8[%get3A_799, %get3A_800] {strides = array<i32>} : memref<8x128xi32, #tpu.memory_space<vmem>>, vector<1x16xi32>,
      %get3A_802 = vector.shape_cast %get3A_801 : vector<1x16xi32> to vector<16xi32>
      %eq3A_803 = arith.constant 1 : i32
      %eq3A_804 = vector.broadcast %eq3A_803 : i32 to vector<16xi32>
      %eq3A_805 = arith.cmpi eq, %get3A_802, %eq3A_804 : vector<16xi32>
      %jit3A_806 = arith.constant 1.000000e+00 : f32
      %jit3A_807 = arith.constant 0.000000e+00 : f32
      %broadcast_in_dim3A_808 = vector.broadcast %jit3A_806 : f32 to vector<16xf32>
      %broadcast_in_dim3A_809 = vector.broadcast %jit3A_807 : f32 to vector<16xf32>
      %select_n3A_810 = arith.select %eq3A_805, %broadcast_in_dim3A_808, %broadcast_in_dim3A_809 : vector<16xi1>, vector<16xf32>
      %swap3A_811 = arith.constant 32 : index
      %swap3A_812 = tpu.vector_load %arg10[%swap3A_811] {strides = array<i32>} : memref<128xf32, #tpu.memory_space<vmem>>, vector<16xf32>,
      %swap3A_813 = vector.shape_cast %swap3A_812 : vector<16xf32> to vector<16xf32>
      %swap3A_814 = vector.shape_cast %select_n3A_810 : vector<16xf32> to vector<16xf32>
      tpu.vector_store %arg10[%swap3A_811], %swap3A_814 {strides = array<i32>} : memref<128xf32, #tpu.memory_space<vmem>>, vector<16xf32>,
      %get3A_815 = arith.constant 5 : i32
      %get3A_816 = arith.index_cast %get3A_815 : i32 to index
      %get3A_817 = arith.constant 48 : index
      %get3A_818 = tpu.vector_load %arg8[%get3A_816, %get3A_817] {strides = array<i32>} : memref<8x128xi32, #tpu.memory_space<vmem>>, vector<1x16xi32>,
      %get3A_819 = vector.shape_cast %get3A_818 : vector<1x16xi32> to vector<16xi32>
      %eq3A_820 = arith.constant 1 : i32
      %eq3A_821 = vector.broadcast %eq3A_820 : i32 to vector<16xi32>
      %eq3A_822 = arith.cmpi eq, %get3A_819, %eq3A_821 : vector<16xi32>
      %jit3A_823 = arith.constant 1.000000e+00 : f32
      %jit3A_824 = arith.constant 0.000000e+00 : f32
      %broadcast_in_dim3A_825 = vector.broadcast %jit3A_823 : f32 to vector<16xf32>
      %broadcast_in_dim3A_826 = vector.broadcast %jit3A_824 : f32 to vector<16xf32>
      %select_n3A_827 = arith.select %eq3A_822, %broadcast_in_dim3A_825, %broadcast_in_dim3A_826 : vector<16xi1>, vector<16xf32>
      %swap3A_828 = arith.constant 48 : index
      %swap3A_829 = tpu.vector_load %arg10[%swap3A_828] {strides = array<i32>} : memref<128xf32, #tpu.memory_space<vmem>>, vector<16xf32>,
      %swap3A_830 = vector.shape_cast %swap3A_829 : vector<16xf32> to vector<16xf32>
      %swap3A_831 = vector.shape_cast %select_n3A_827 : vector<16xf32> to vector<16xf32>
      tpu.vector_store %arg10[%swap3A_828], %swap3A_831 {strides = array<i32>} : memref<128xf32, #tpu.memory_space<vmem>>, vector<16xf32>,
      %get3A_832 = arith.constant 5 : i32
      %get3A_833 = arith.index_cast %get3A_832 : i32 to index
      %get3A_834 = arith.constant 64 : index
      %get3A_835 = tpu.vector_load %arg8[%get3A_833, %get3A_834] {strides = array<i32>} : memref<8x128xi32, #tpu.memory_space<vmem>>, vector<1x16xi32>,
      %get3A_836 = vector.shape_cast %get3A_835 : vector<1x16xi32> to vector<16xi32>
      %eq3A_837 = arith.constant 1 : i32
      %eq3A_838 = vector.broadcast %eq3A_837 : i32 to vector<16xi32>
      %eq3A_839 = arith.cmpi eq, %get3A_836, %eq3A_838 : vector<16xi32>
      %jit3A_840 = arith.constant 1.000000e+00 : f32
      %jit3A_841 = arith.constant 0.000000e+00 : f32
      %broadcast_in_dim3A_842 = vector.broadcast %jit3A_840 : f32 to vector<16xf32>
      %broadcast_in_dim3A_843 = vector.broadcast %jit3A_841 : f32 to vector<16xf32>
      %select_n3A_844 = arith.select %eq3A_839, %broadcast_in_dim3A_842, %broadcast_in_dim3A_843 : vector<16xi1>, vector<16xf32>
      %swap3A_845 = arith.constant 64 : index
      %swap3A_846 = tpu.vector_load %arg10[%swap3A_845] {strides = array<i32>} : memref<128xf32, #tpu.memory_space<vmem>>, vector<16xf32>,
      %swap3A_847 = vector.shape_cast %swap3A_846 : vector<16xf32> to vector<16xf32>
      %swap3A_848 = vector.shape_cast %select_n3A_844 : vector<16xf32> to vector<16xf32>
      tpu.vector_store %arg10[%swap3A_845], %swap3A_848 {strides = array<i32>} : memref<128xf32, #tpu.memory_space<vmem>>, vector<16xf32>,
      %get3A_849 = arith.constant 5 : i32
      %get3A_850 = arith.index_cast %get3A_849 : i32 to index
      %get3A_851 = arith.constant 80 : index
      %get3A_852 = tpu.vector_load %arg8[%get3A_850, %get3A_851] {strides = array<i32>} : memref<8x128xi32, #tpu.memory_space<vmem>>, vector<1x16xi32>,
      %get3A_853 = vector.shape_cast %get3A_852 : vector<1x16xi32> to vector<16xi32>
      %eq3A_854 = arith.constant 1 : i32
      %eq3A_855 = vector.broadcast %eq3A_854 : i32 to vector<16xi32>
      %eq3A_856 = arith.cmpi eq, %get3A_853, %eq3A_855 : vector<16xi32>
      %jit3A_857 = arith.constant 1.000000e+00 : f32
      %jit3A_858 = arith.constant 0.000000e+00 : f32
      %broadcast_in_dim3A_859 = vector.broadcast %jit3A_857 : f32 to vector<16xf32>
      %broadcast_in_dim3A_860 = vector.broadcast %jit3A_858 : f32 to vector<16xf32>
      %select_n3A_861 = arith.select %eq3A_856, %broadcast_in_dim3A_859, %broadcast_in_dim3A_860 : vector<16xi1>, vector<16xf32>
      %swap3A_862 = arith.constant 80 : index
      %swap3A_863 = tpu.vector_load %arg10[%swap3A_862] {strides = array<i32>} : memref<128xf32, #tpu.memory_space<vmem>>, vector<16xf32>,
      %swap3A_864 = vector.shape_cast %swap3A_863 : vector<16xf32> to vector<16xf32>
      %swap3A_865 = vector.shape_cast %select_n3A_861 : vector<16xf32> to vector<16xf32>
      tpu.vector_store %arg10[%swap3A_862], %swap3A_865 {strides = array<i32>} : memref<128xf32, #tpu.memory_space<vmem>>, vector<16xf32>,
      %get3A_866 = arith.constant 5 : i32
      %get3A_867 = arith.index_cast %get3A_866 : i32 to index
      %get3A_868 = arith.constant 96 : index
      %get3A_869 = tpu.vector_load %arg8[%get3A_867, %get3A_868] {strides = array<i32>} : memref<8x128xi32, #tpu.memory_space<vmem>>, vector<1x16xi32>,
      %get3A_870 = vector.shape_cast %get3A_869 : vector<1x16xi32> to vector<16xi32>
      %eq3A_871 = arith.constant 1 : i32
      %eq3A_872 = vector.broadcast %eq3A_871 : i32 to vector<16xi32>
      %eq3A_873 = arith.cmpi eq, %get3A_870, %eq3A_872 : vector<16xi32>
      %jit3A_874 = arith.constant 1.000000e+00 : f32
      %jit3A_875 = arith.constant 0.000000e+00 : f32
      %broadcast_in_dim3A_876 = vector.broadcast %jit3A_874 : f32 to vector<16xf32>
      %broadcast_in_dim3A_877 = vector.broadcast %jit3A_875 : f32 to vector<16xf32>
      %select_n3A_878 = arith.select %eq3A_873, %broadcast_in_dim3A_876, %broadcast_in_dim3A_877 : vector<16xi1>, vector<16xf32>
      %swap3A_879 = arith.constant 96 : index
      %swap3A_880 = tpu.vector_load %arg10[%swap3A_879] {strides = array<i32>} : memref<128xf32, #tpu.memory_space<vmem>>, vector<16xf32>,
      %swap3A_881 = vector.shape_cast %swap3A_880 : vector<16xf32> to vector<16xf32>
      %swap3A_882 = vector.shape_cast %select_n3A_878 : vector<16xf32> to vector<16xf32>
      tpu.vector_store %arg10[%swap3A_879], %swap3A_882 {strides = array<i32>} : memref<128xf32, #tpu.memory_space<vmem>>, vector<16xf32>,
      %get3A_883 = arith.constant 5 : i32
      %get3A_884 = arith.index_cast %get3A_883 : i32 to index
      %get3A_885 = arith.constant 112 : index
      %get3A_886 = tpu.vector_load %arg8[%get3A_884, %get3A_885] {strides = array<i32>} : memref<8x128xi32, #tpu.memory_space<vmem>>, vector<1x16xi32>,
      %get3A_887 = vector.shape_cast %get3A_886 : vector<1x16xi32> to vector<16xi32>
      %eq3A_888 = arith.constant 1 : i32
      %eq3A_889 = vector.broadcast %eq3A_888 : i32 to vector<16xi32>
      %eq3A_890 = arith.cmpi eq, %get3A_887, %eq3A_889 : vector<16xi32>
      %jit3A_891 = arith.constant 1.000000e+00 : f32
      %jit3A_892 = arith.constant 0.000000e+00 : f32
      %broadcast_in_dim3A_893 = vector.broadcast %jit3A_891 : f32 to vector<16xf32>
      %broadcast_in_dim3A_894 = vector.broadcast %jit3A_892 : f32 to vector<16xf32>
      %select_n3A_895 = arith.select %eq3A_890, %broadcast_in_dim3A_893, %broadcast_in_dim3A_894 : vector<16xi1>, vector<16xf32>
      %swap3A_896 = arith.constant 112 : index
      %swap3A_897 = tpu.vector_load %arg10[%swap3A_896] {strides = array<i32>} : memref<128xf32, #tpu.memory_space<vmem>>, vector<16xf32>,
      %swap3A_898 = vector.shape_cast %swap3A_897 : vector<16xf32> to vector<16xf32>
      %swap3A_899 = vector.shape_cast %select_n3A_895 : vector<16xf32> to vector<16xf32>
      tpu.vector_store %arg10[%swap3A_896], %swap3A_899 {strides = array<i32>} : memref<128xf32, #tpu.memory_space<vmem>>, vector<16xf32>,
      %run_scoped3A_900 = arith.constant 5 : i32
      "tpu.region"() ({
        %run_scoped3A_1179 = tpu.sem_alloc : memref<!tpu.dma_semaphore, #tpu.memory_space<semaphore_mem>>
        %dma_start3A = arith.constant 0 : i32
        %dma_start3A_1180 = tpu.memref_slice %arg7[%run_scoped3A_900, %dma_start3A] : memref<8x128xi32, #tpu.memory_space<vmem>> -> memref<1x128xi32, #tpu.memory_space<vmem>>
        %dma_start3A_1181 = tpu.memref_squeeze %dma_start3A_1180 : memref<1x128xi32, #tpu.memory_space<vmem>> -> memref<128xi32, #tpu.memory_space<vmem>>
        %dma_start3A_1182 = arith.constant 0 : i32
        %dma_start3A_1183 = tpu.memref_slice %arg14[%dma_start3A_1182] : memref<100352xf32, #tpu.memory_space<vmem_shared>> -> memref<100352xf32, #tpu.memory_space<vmem_shared>>
        tpu.enqueue_indirect_dma source(%arg10 : memref<128xf32, #tpu.memory_space<vmem>>) target(%dma_start3A_1183 : memref<100352xf32, #tpu.memory_space<vmem_shared>>) offsets(%dma_start3A_1181 : memref<128xi32, #tpu.memory_space<vmem>>) semaphore(%run_scoped3A_1179 : memref<!tpu.dma_semaphore, #tpu.memory_space<semaphore_mem>>) {add = true}
        %dma_wait3A = arith.constant 0 : i32
        %dma_wait3A_1184 = tpu.memref_slice %arg7[%run_scoped3A_900, %dma_wait3A] : memref<8x128xi32, #tpu.memory_space<vmem>> -> memref<1x128xi32, #tpu.memory_space<vmem>>
        %dma_wait3A_1185 = tpu.memref_squeeze %dma_wait3A_1184 : memref<1x128xi32, #tpu.memory_space<vmem>> -> memref<128xi32, #tpu.memory_space<vmem>>
        %dma_wait3A_1186 = arith.constant 0 : i32
        %dma_wait3A_1187 = tpu.memref_slice %arg14[%dma_wait3A_1186] : memref<100352xf32, #tpu.memory_space<vmem_shared>> -> memref<100352xf32, #tpu.memory_space<vmem_shared>>
        tpu.wait_indirect_dma semaphore(%run_scoped3A_1179 : memref<!tpu.dma_semaphore, #tpu.memory_space<semaphore_mem>>) src(%arg10 : memref<128xf32, #tpu.memory_space<vmem>>) dst(%dma_wait3A_1187 : memref<100352xf32, #tpu.memory_space<vmem_shared>>)
        tpu.yield
      }) : () -> ()
      %run_scoped3A_901 = arith.constant 6 : i32
      "tpu.region"() ({
        %run_scoped3A_1179 = tpu.sem_alloc : memref<!tpu.dma_semaphore, #tpu.memory_space<semaphore_mem>>
        %dma_start3A = arith.constant 0 : i32
        %dma_start3A_1180 = tpu.memref_slice %arg7[%run_scoped3A_901, %dma_start3A] : memref<8x128xi32, #tpu.memory_space<vmem>> -> memref<1x128xi32, #tpu.memory_space<vmem>>
        %dma_start3A_1181 = tpu.memref_squeeze %dma_start3A_1180 : memref<1x128xi32, #tpu.memory_space<vmem>> -> memref<128xi32, #tpu.memory_space<vmem>>
        %dma_start3A_1182 = arith.constant 0 : i32
        %dma_start3A_1183 = tpu.memref_slice %arg12[%dma_start3A_1182] : memref<100352xf32, #tpu.memory_space<vmem_shared>> -> memref<100352xf32, #tpu.memory_space<vmem_shared>>
        tpu.enqueue_indirect_dma source(%arg9 : memref<128xf32, #tpu.memory_space<vmem>>) target(%dma_start3A_1183 : memref<100352xf32, #tpu.memory_space<vmem_shared>>) offsets(%dma_start3A_1181 : memref<128xi32, #tpu.memory_space<vmem>>) semaphore(%run_scoped3A_1179 : memref<!tpu.dma_semaphore, #tpu.memory_space<semaphore_mem>>) {add = true}
        %dma_wait3A = arith.constant 0 : i32
        %dma_wait3A_1184 = tpu.memref_slice %arg7[%run_scoped3A_901, %dma_wait3A] : memref<8x128xi32, #tpu.memory_space<vmem>> -> memref<1x128xi32, #tpu.memory_space<vmem>>
        %dma_wait3A_1185 = tpu.memref_squeeze %dma_wait3A_1184 : memref<1x128xi32, #tpu.memory_space<vmem>> -> memref<128xi32, #tpu.memory_space<vmem>>
        %dma_wait3A_1186 = arith.constant 0 : i32
        %dma_wait3A_1187 = tpu.memref_slice %arg12[%dma_wait3A_1186] : memref<100352xf32, #tpu.memory_space<vmem_shared>> -> memref<100352xf32, #tpu.memory_space<vmem_shared>>
        tpu.wait_indirect_dma semaphore(%run_scoped3A_1179 : memref<!tpu.dma_semaphore, #tpu.memory_space<semaphore_mem>>) src(%arg9 : memref<128xf32, #tpu.memory_space<vmem>>) dst(%dma_wait3A_1187 : memref<100352xf32, #tpu.memory_space<vmem_shared>>)
        tpu.yield
      }) : () -> ()
      %run_scoped3A_902 = arith.constant 6 : i32
      "tpu.region"() ({
        %run_scoped3A_1179 = tpu.sem_alloc : memref<!tpu.dma_semaphore, #tpu.memory_space<semaphore_mem>>
        %dma_start3A = arith.constant 0 : i32
        %dma_start3A_1180 = tpu.memref_slice %arg8[%run_scoped3A_902, %dma_start3A] : memref<8x128xi32, #tpu.memory_space<vmem>> -> memref<1x128xi32, #tpu.memory_space<vmem>>
        %dma_start3A_1181 = tpu.memref_squeeze %dma_start3A_1180 : memref<1x128xi32, #tpu.memory_space<vmem>> -> memref<128xi32, #tpu.memory_space<vmem>>
        %dma_start3A_1182 = arith.constant 0 : i32
        %dma_start3A_1183 = tpu.memref_slice %arg13[%dma_start3A_1182] : memref<100352xf32, #tpu.memory_space<vmem_shared>> -> memref<100352xf32, #tpu.memory_space<vmem_shared>>
        tpu.enqueue_indirect_dma source(%arg9 : memref<128xf32, #tpu.memory_space<vmem>>) target(%dma_start3A_1183 : memref<100352xf32, #tpu.memory_space<vmem_shared>>) offsets(%dma_start3A_1181 : memref<128xi32, #tpu.memory_space<vmem>>) semaphore(%run_scoped3A_1179 : memref<!tpu.dma_semaphore, #tpu.memory_space<semaphore_mem>>) {add = true}
        %dma_wait3A = arith.constant 0 : i32
        %dma_wait3A_1184 = tpu.memref_slice %arg8[%run_scoped3A_902, %dma_wait3A] : memref<8x128xi32, #tpu.memory_space<vmem>> -> memref<1x128xi32, #tpu.memory_space<vmem>>
        %dma_wait3A_1185 = tpu.memref_squeeze %dma_wait3A_1184 : memref<1x128xi32, #tpu.memory_space<vmem>> -> memref<128xi32, #tpu.memory_space<vmem>>
        %dma_wait3A_1186 = arith.constant 0 : i32
        %dma_wait3A_1187 = tpu.memref_slice %arg13[%dma_wait3A_1186] : memref<100352xf32, #tpu.memory_space<vmem_shared>> -> memref<100352xf32, #tpu.memory_space<vmem_shared>>
        tpu.wait_indirect_dma semaphore(%run_scoped3A_1179 : memref<!tpu.dma_semaphore, #tpu.memory_space<semaphore_mem>>) src(%arg9 : memref<128xf32, #tpu.memory_space<vmem>>) dst(%dma_wait3A_1187 : memref<100352xf32, #tpu.memory_space<vmem_shared>>)
        tpu.yield
      }) : () -> ()
      %get3A_903 = arith.constant 6 : i32
      %get3A_904 = arith.index_cast %get3A_903 : i32 to index
      %get3A_905 = arith.constant 0 : index
      %get3A_906 = tpu.vector_load %arg8[%get3A_904, %get3A_905] {strides = array<i32>} : memref<8x128xi32, #tpu.memory_space<vmem>>, vector<1x16xi32>,
      %get3A_907 = vector.shape_cast %get3A_906 : vector<1x16xi32> to vector<16xi32>
      %eq3A_908 = arith.constant 1 : i32
      %eq3A_909 = vector.broadcast %eq3A_908 : i32 to vector<16xi32>
      %eq3A_910 = arith.cmpi eq, %get3A_907, %eq3A_909 : vector<16xi32>
      %jit3A_911 = arith.constant 1.000000e+00 : f32
      %jit3A_912 = arith.constant 0.000000e+00 : f32
      %broadcast_in_dim3A_913 = vector.broadcast %jit3A_911 : f32 to vector<16xf32>
      %broadcast_in_dim3A_914 = vector.broadcast %jit3A_912 : f32 to vector<16xf32>
      %select_n3A_915 = arith.select %eq3A_910, %broadcast_in_dim3A_913, %broadcast_in_dim3A_914 : vector<16xi1>, vector<16xf32>
      %swap3A_916 = arith.constant 0 : index
      %swap3A_917 = tpu.vector_load %arg10[%swap3A_916] {strides = array<i32>} : memref<128xf32, #tpu.memory_space<vmem>>, vector<16xf32>,
      %swap3A_918 = vector.shape_cast %swap3A_917 : vector<16xf32> to vector<16xf32>
      %swap3A_919 = vector.shape_cast %select_n3A_915 : vector<16xf32> to vector<16xf32>
      tpu.vector_store %arg10[%swap3A_916], %swap3A_919 {strides = array<i32>} : memref<128xf32, #tpu.memory_space<vmem>>, vector<16xf32>,
      %get3A_920 = arith.constant 6 : i32
      %get3A_921 = arith.index_cast %get3A_920 : i32 to index
      %get3A_922 = arith.constant 16 : index
      %get3A_923 = tpu.vector_load %arg8[%get3A_921, %get3A_922] {strides = array<i32>} : memref<8x128xi32, #tpu.memory_space<vmem>>, vector<1x16xi32>,
      %get3A_924 = vector.shape_cast %get3A_923 : vector<1x16xi32> to vector<16xi32>
      %eq3A_925 = arith.constant 1 : i32
      %eq3A_926 = vector.broadcast %eq3A_925 : i32 to vector<16xi32>
      %eq3A_927 = arith.cmpi eq, %get3A_924, %eq3A_926 : vector<16xi32>
      %jit3A_928 = arith.constant 1.000000e+00 : f32
      %jit3A_929 = arith.constant 0.000000e+00 : f32
      %broadcast_in_dim3A_930 = vector.broadcast %jit3A_928 : f32 to vector<16xf32>
      %broadcast_in_dim3A_931 = vector.broadcast %jit3A_929 : f32 to vector<16xf32>
      %select_n3A_932 = arith.select %eq3A_927, %broadcast_in_dim3A_930, %broadcast_in_dim3A_931 : vector<16xi1>, vector<16xf32>
      %swap3A_933 = arith.constant 16 : index
      %swap3A_934 = tpu.vector_load %arg10[%swap3A_933] {strides = array<i32>} : memref<128xf32, #tpu.memory_space<vmem>>, vector<16xf32>,
      %swap3A_935 = vector.shape_cast %swap3A_934 : vector<16xf32> to vector<16xf32>
      %swap3A_936 = vector.shape_cast %select_n3A_932 : vector<16xf32> to vector<16xf32>
      tpu.vector_store %arg10[%swap3A_933], %swap3A_936 {strides = array<i32>} : memref<128xf32, #tpu.memory_space<vmem>>, vector<16xf32>,
      %get3A_937 = arith.constant 6 : i32
      %get3A_938 = arith.index_cast %get3A_937 : i32 to index
      %get3A_939 = arith.constant 32 : index
      %get3A_940 = tpu.vector_load %arg8[%get3A_938, %get3A_939] {strides = array<i32>} : memref<8x128xi32, #tpu.memory_space<vmem>>, vector<1x16xi32>,
      %get3A_941 = vector.shape_cast %get3A_940 : vector<1x16xi32> to vector<16xi32>
      %eq3A_942 = arith.constant 1 : i32
      %eq3A_943 = vector.broadcast %eq3A_942 : i32 to vector<16xi32>
      %eq3A_944 = arith.cmpi eq, %get3A_941, %eq3A_943 : vector<16xi32>
      %jit3A_945 = arith.constant 1.000000e+00 : f32
      %jit3A_946 = arith.constant 0.000000e+00 : f32
      %broadcast_in_dim3A_947 = vector.broadcast %jit3A_945 : f32 to vector<16xf32>
      %broadcast_in_dim3A_948 = vector.broadcast %jit3A_946 : f32 to vector<16xf32>
      %select_n3A_949 = arith.select %eq3A_944, %broadcast_in_dim3A_947, %broadcast_in_dim3A_948 : vector<16xi1>, vector<16xf32>
      %swap3A_950 = arith.constant 32 : index
      %swap3A_951 = tpu.vector_load %arg10[%swap3A_950] {strides = array<i32>} : memref<128xf32, #tpu.memory_space<vmem>>, vector<16xf32>,
      %swap3A_952 = vector.shape_cast %swap3A_951 : vector<16xf32> to vector<16xf32>
      %swap3A_953 = vector.shape_cast %select_n3A_949 : vector<16xf32> to vector<16xf32>
      tpu.vector_store %arg10[%swap3A_950], %swap3A_953 {strides = array<i32>} : memref<128xf32, #tpu.memory_space<vmem>>, vector<16xf32>,
      %get3A_954 = arith.constant 6 : i32
      %get3A_955 = arith.index_cast %get3A_954 : i32 to index
      %get3A_956 = arith.constant 48 : index
      %get3A_957 = tpu.vector_load %arg8[%get3A_955, %get3A_956] {strides = array<i32>} : memref<8x128xi32, #tpu.memory_space<vmem>>, vector<1x16xi32>,
      %get3A_958 = vector.shape_cast %get3A_957 : vector<1x16xi32> to vector<16xi32>
      %eq3A_959 = arith.constant 1 : i32
      %eq3A_960 = vector.broadcast %eq3A_959 : i32 to vector<16xi32>
      %eq3A_961 = arith.cmpi eq, %get3A_958, %eq3A_960 : vector<16xi32>
      %jit3A_962 = arith.constant 1.000000e+00 : f32
      %jit3A_963 = arith.constant 0.000000e+00 : f32
      %broadcast_in_dim3A_964 = vector.broadcast %jit3A_962 : f32 to vector<16xf32>
      %broadcast_in_dim3A_965 = vector.broadcast %jit3A_963 : f32 to vector<16xf32>
      %select_n3A_966 = arith.select %eq3A_961, %broadcast_in_dim3A_964, %broadcast_in_dim3A_965 : vector<16xi1>, vector<16xf32>
      %swap3A_967 = arith.constant 48 : index
      %swap3A_968 = tpu.vector_load %arg10[%swap3A_967] {strides = array<i32>} : memref<128xf32, #tpu.memory_space<vmem>>, vector<16xf32>,
      %swap3A_969 = vector.shape_cast %swap3A_968 : vector<16xf32> to vector<16xf32>
      %swap3A_970 = vector.shape_cast %select_n3A_966 : vector<16xf32> to vector<16xf32>
      tpu.vector_store %arg10[%swap3A_967], %swap3A_970 {strides = array<i32>} : memref<128xf32, #tpu.memory_space<vmem>>, vector<16xf32>,
      %get3A_971 = arith.constant 6 : i32
      %get3A_972 = arith.index_cast %get3A_971 : i32 to index
      %get3A_973 = arith.constant 64 : index
      %get3A_974 = tpu.vector_load %arg8[%get3A_972, %get3A_973] {strides = array<i32>} : memref<8x128xi32, #tpu.memory_space<vmem>>, vector<1x16xi32>,
      %get3A_975 = vector.shape_cast %get3A_974 : vector<1x16xi32> to vector<16xi32>
      %eq3A_976 = arith.constant 1 : i32
      %eq3A_977 = vector.broadcast %eq3A_976 : i32 to vector<16xi32>
      %eq3A_978 = arith.cmpi eq, %get3A_975, %eq3A_977 : vector<16xi32>
      %jit3A_979 = arith.constant 1.000000e+00 : f32
      %jit3A_980 = arith.constant 0.000000e+00 : f32
      %broadcast_in_dim3A_981 = vector.broadcast %jit3A_979 : f32 to vector<16xf32>
      %broadcast_in_dim3A_982 = vector.broadcast %jit3A_980 : f32 to vector<16xf32>
      %select_n3A_983 = arith.select %eq3A_978, %broadcast_in_dim3A_981, %broadcast_in_dim3A_982 : vector<16xi1>, vector<16xf32>
      %swap3A_984 = arith.constant 64 : index
      %swap3A_985 = tpu.vector_load %arg10[%swap3A_984] {strides = array<i32>} : memref<128xf32, #tpu.memory_space<vmem>>, vector<16xf32>,
      %swap3A_986 = vector.shape_cast %swap3A_985 : vector<16xf32> to vector<16xf32>
      %swap3A_987 = vector.shape_cast %select_n3A_983 : vector<16xf32> to vector<16xf32>
      tpu.vector_store %arg10[%swap3A_984], %swap3A_987 {strides = array<i32>} : memref<128xf32, #tpu.memory_space<vmem>>, vector<16xf32>,
      %get3A_988 = arith.constant 6 : i32
      %get3A_989 = arith.index_cast %get3A_988 : i32 to index
      %get3A_990 = arith.constant 80 : index
      %get3A_991 = tpu.vector_load %arg8[%get3A_989, %get3A_990] {strides = array<i32>} : memref<8x128xi32, #tpu.memory_space<vmem>>, vector<1x16xi32>,
      %get3A_992 = vector.shape_cast %get3A_991 : vector<1x16xi32> to vector<16xi32>
      %eq3A_993 = arith.constant 1 : i32
      %eq3A_994 = vector.broadcast %eq3A_993 : i32 to vector<16xi32>
      %eq3A_995 = arith.cmpi eq, %get3A_992, %eq3A_994 : vector<16xi32>
      %jit3A_996 = arith.constant 1.000000e+00 : f32
      %jit3A_997 = arith.constant 0.000000e+00 : f32
      %broadcast_in_dim3A_998 = vector.broadcast %jit3A_996 : f32 to vector<16xf32>
      %broadcast_in_dim3A_999 = vector.broadcast %jit3A_997 : f32 to vector<16xf32>
      %select_n3A_1000 = arith.select %eq3A_995, %broadcast_in_dim3A_998, %broadcast_in_dim3A_999 : vector<16xi1>, vector<16xf32>
      %swap3A_1001 = arith.constant 80 : index
      %swap3A_1002 = tpu.vector_load %arg10[%swap3A_1001] {strides = array<i32>} : memref<128xf32, #tpu.memory_space<vmem>>, vector<16xf32>,
      %swap3A_1003 = vector.shape_cast %swap3A_1002 : vector<16xf32> to vector<16xf32>
      %swap3A_1004 = vector.shape_cast %select_n3A_1000 : vector<16xf32> to vector<16xf32>
      tpu.vector_store %arg10[%swap3A_1001], %swap3A_1004 {strides = array<i32>} : memref<128xf32, #tpu.memory_space<vmem>>, vector<16xf32>,
      %get3A_1005 = arith.constant 6 : i32
      %get3A_1006 = arith.index_cast %get3A_1005 : i32 to index
      %get3A_1007 = arith.constant 96 : index
      %get3A_1008 = tpu.vector_load %arg8[%get3A_1006, %get3A_1007] {strides = array<i32>} : memref<8x128xi32, #tpu.memory_space<vmem>>, vector<1x16xi32>,
      %get3A_1009 = vector.shape_cast %get3A_1008 : vector<1x16xi32> to vector<16xi32>
      %eq3A_1010 = arith.constant 1 : i32
      %eq3A_1011 = vector.broadcast %eq3A_1010 : i32 to vector<16xi32>
      %eq3A_1012 = arith.cmpi eq, %get3A_1009, %eq3A_1011 : vector<16xi32>
      %jit3A_1013 = arith.constant 1.000000e+00 : f32
      %jit3A_1014 = arith.constant 0.000000e+00 : f32
      %broadcast_in_dim3A_1015 = vector.broadcast %jit3A_1013 : f32 to vector<16xf32>
      %broadcast_in_dim3A_1016 = vector.broadcast %jit3A_1014 : f32 to vector<16xf32>
      %select_n3A_1017 = arith.select %eq3A_1012, %broadcast_in_dim3A_1015, %broadcast_in_dim3A_1016 : vector<16xi1>, vector<16xf32>
      %swap3A_1018 = arith.constant 96 : index
      %swap3A_1019 = tpu.vector_load %arg10[%swap3A_1018] {strides = array<i32>} : memref<128xf32, #tpu.memory_space<vmem>>, vector<16xf32>,
      %swap3A_1020 = vector.shape_cast %swap3A_1019 : vector<16xf32> to vector<16xf32>
      %swap3A_1021 = vector.shape_cast %select_n3A_1017 : vector<16xf32> to vector<16xf32>
      tpu.vector_store %arg10[%swap3A_1018], %swap3A_1021 {strides = array<i32>} : memref<128xf32, #tpu.memory_space<vmem>>, vector<16xf32>,
      %get3A_1022 = arith.constant 6 : i32
      %get3A_1023 = arith.index_cast %get3A_1022 : i32 to index
      %get3A_1024 = arith.constant 112 : index
      %get3A_1025 = tpu.vector_load %arg8[%get3A_1023, %get3A_1024] {strides = array<i32>} : memref<8x128xi32, #tpu.memory_space<vmem>>, vector<1x16xi32>,
      %get3A_1026 = vector.shape_cast %get3A_1025 : vector<1x16xi32> to vector<16xi32>
      %eq3A_1027 = arith.constant 1 : i32
      %eq3A_1028 = vector.broadcast %eq3A_1027 : i32 to vector<16xi32>
      %eq3A_1029 = arith.cmpi eq, %get3A_1026, %eq3A_1028 : vector<16xi32>
      %jit3A_1030 = arith.constant 1.000000e+00 : f32
      %jit3A_1031 = arith.constant 0.000000e+00 : f32
      %broadcast_in_dim3A_1032 = vector.broadcast %jit3A_1030 : f32 to vector<16xf32>
      %broadcast_in_dim3A_1033 = vector.broadcast %jit3A_1031 : f32 to vector<16xf32>
      %select_n3A_1034 = arith.select %eq3A_1029, %broadcast_in_dim3A_1032, %broadcast_in_dim3A_1033 : vector<16xi1>, vector<16xf32>
      %swap3A_1035 = arith.constant 112 : index
      %swap3A_1036 = tpu.vector_load %arg10[%swap3A_1035] {strides = array<i32>} : memref<128xf32, #tpu.memory_space<vmem>>, vector<16xf32>,
      %swap3A_1037 = vector.shape_cast %swap3A_1036 : vector<16xf32> to vector<16xf32>
      %swap3A_1038 = vector.shape_cast %select_n3A_1034 : vector<16xf32> to vector<16xf32>
      tpu.vector_store %arg10[%swap3A_1035], %swap3A_1038 {strides = array<i32>} : memref<128xf32, #tpu.memory_space<vmem>>, vector<16xf32>,
      %run_scoped3A_1039 = arith.constant 6 : i32
      "tpu.region"() ({
        %run_scoped3A_1179 = tpu.sem_alloc : memref<!tpu.dma_semaphore, #tpu.memory_space<semaphore_mem>>
        %dma_start3A = arith.constant 0 : i32
        %dma_start3A_1180 = tpu.memref_slice %arg7[%run_scoped3A_1039, %dma_start3A] : memref<8x128xi32, #tpu.memory_space<vmem>> -> memref<1x128xi32, #tpu.memory_space<vmem>>
        %dma_start3A_1181 = tpu.memref_squeeze %dma_start3A_1180 : memref<1x128xi32, #tpu.memory_space<vmem>> -> memref<128xi32, #tpu.memory_space<vmem>>
        %dma_start3A_1182 = arith.constant 0 : i32
        %dma_start3A_1183 = tpu.memref_slice %arg14[%dma_start3A_1182] : memref<100352xf32, #tpu.memory_space<vmem_shared>> -> memref<100352xf32, #tpu.memory_space<vmem_shared>>
        tpu.enqueue_indirect_dma source(%arg10 : memref<128xf32, #tpu.memory_space<vmem>>) target(%dma_start3A_1183 : memref<100352xf32, #tpu.memory_space<vmem_shared>>) offsets(%dma_start3A_1181 : memref<128xi32, #tpu.memory_space<vmem>>) semaphore(%run_scoped3A_1179 : memref<!tpu.dma_semaphore, #tpu.memory_space<semaphore_mem>>) {add = true}
        %dma_wait3A = arith.constant 0 : i32
        %dma_wait3A_1184 = tpu.memref_slice %arg7[%run_scoped3A_1039, %dma_wait3A] : memref<8x128xi32, #tpu.memory_space<vmem>> -> memref<1x128xi32, #tpu.memory_space<vmem>>
        %dma_wait3A_1185 = tpu.memref_squeeze %dma_wait3A_1184 : memref<1x128xi32, #tpu.memory_space<vmem>> -> memref<128xi32, #tpu.memory_space<vmem>>
        %dma_wait3A_1186 = arith.constant 0 : i32
        %dma_wait3A_1187 = tpu.memref_slice %arg14[%dma_wait3A_1186] : memref<100352xf32, #tpu.memory_space<vmem_shared>> -> memref<100352xf32, #tpu.memory_space<vmem_shared>>
        tpu.wait_indirect_dma semaphore(%run_scoped3A_1179 : memref<!tpu.dma_semaphore, #tpu.memory_space<semaphore_mem>>) src(%arg10 : memref<128xf32, #tpu.memory_space<vmem>>) dst(%dma_wait3A_1187 : memref<100352xf32, #tpu.memory_space<vmem_shared>>)
        tpu.yield
      }) : () -> ()
      %run_scoped3A_1040 = arith.constant 7 : i32
      "tpu.region"() ({
        %run_scoped3A_1179 = tpu.sem_alloc : memref<!tpu.dma_semaphore, #tpu.memory_space<semaphore_mem>>
        %dma_start3A = arith.constant 0 : i32
        %dma_start3A_1180 = tpu.memref_slice %arg7[%run_scoped3A_1040, %dma_start3A] : memref<8x128xi32, #tpu.memory_space<vmem>> -> memref<1x128xi32, #tpu.memory_space<vmem>>
        %dma_start3A_1181 = tpu.memref_squeeze %dma_start3A_1180 : memref<1x128xi32, #tpu.memory_space<vmem>> -> memref<128xi32, #tpu.memory_space<vmem>>
        %dma_start3A_1182 = arith.constant 0 : i32
        %dma_start3A_1183 = tpu.memref_slice %arg12[%dma_start3A_1182] : memref<100352xf32, #tpu.memory_space<vmem_shared>> -> memref<100352xf32, #tpu.memory_space<vmem_shared>>
        tpu.enqueue_indirect_dma source(%arg9 : memref<128xf32, #tpu.memory_space<vmem>>) target(%dma_start3A_1183 : memref<100352xf32, #tpu.memory_space<vmem_shared>>) offsets(%dma_start3A_1181 : memref<128xi32, #tpu.memory_space<vmem>>) semaphore(%run_scoped3A_1179 : memref<!tpu.dma_semaphore, #tpu.memory_space<semaphore_mem>>) {add = true}
        %dma_wait3A = arith.constant 0 : i32
        %dma_wait3A_1184 = tpu.memref_slice %arg7[%run_scoped3A_1040, %dma_wait3A] : memref<8x128xi32, #tpu.memory_space<vmem>> -> memref<1x128xi32, #tpu.memory_space<vmem>>
        %dma_wait3A_1185 = tpu.memref_squeeze %dma_wait3A_1184 : memref<1x128xi32, #tpu.memory_space<vmem>> -> memref<128xi32, #tpu.memory_space<vmem>>
        %dma_wait3A_1186 = arith.constant 0 : i32
        %dma_wait3A_1187 = tpu.memref_slice %arg12[%dma_wait3A_1186] : memref<100352xf32, #tpu.memory_space<vmem_shared>> -> memref<100352xf32, #tpu.memory_space<vmem_shared>>
        tpu.wait_indirect_dma semaphore(%run_scoped3A_1179 : memref<!tpu.dma_semaphore, #tpu.memory_space<semaphore_mem>>) src(%arg9 : memref<128xf32, #tpu.memory_space<vmem>>) dst(%dma_wait3A_1187 : memref<100352xf32, #tpu.memory_space<vmem_shared>>)
        tpu.yield
      }) : () -> ()
      %run_scoped3A_1041 = arith.constant 7 : i32
      "tpu.region"() ({
        %run_scoped3A_1179 = tpu.sem_alloc : memref<!tpu.dma_semaphore, #tpu.memory_space<semaphore_mem>>
        %dma_start3A = arith.constant 0 : i32
        %dma_start3A_1180 = tpu.memref_slice %arg8[%run_scoped3A_1041, %dma_start3A] : memref<8x128xi32, #tpu.memory_space<vmem>> -> memref<1x128xi32, #tpu.memory_space<vmem>>
        %dma_start3A_1181 = tpu.memref_squeeze %dma_start3A_1180 : memref<1x128xi32, #tpu.memory_space<vmem>> -> memref<128xi32, #tpu.memory_space<vmem>>
        %dma_start3A_1182 = arith.constant 0 : i32
        %dma_start3A_1183 = tpu.memref_slice %arg13[%dma_start3A_1182] : memref<100352xf32, #tpu.memory_space<vmem_shared>> -> memref<100352xf32, #tpu.memory_space<vmem_shared>>
        tpu.enqueue_indirect_dma source(%arg9 : memref<128xf32, #tpu.memory_space<vmem>>) target(%dma_start3A_1183 : memref<100352xf32, #tpu.memory_space<vmem_shared>>) offsets(%dma_start3A_1181 : memref<128xi32, #tpu.memory_space<vmem>>) semaphore(%run_scoped3A_1179 : memref<!tpu.dma_semaphore, #tpu.memory_space<semaphore_mem>>) {add = true}
        %dma_wait3A = arith.constant 0 : i32
        %dma_wait3A_1184 = tpu.memref_slice %arg8[%run_scoped3A_1041, %dma_wait3A] : memref<8x128xi32, #tpu.memory_space<vmem>> -> memref<1x128xi32, #tpu.memory_space<vmem>>
        %dma_wait3A_1185 = tpu.memref_squeeze %dma_wait3A_1184 : memref<1x128xi32, #tpu.memory_space<vmem>> -> memref<128xi32, #tpu.memory_space<vmem>>
        %dma_wait3A_1186 = arith.constant 0 : i32
        %dma_wait3A_1187 = tpu.memref_slice %arg13[%dma_wait3A_1186] : memref<100352xf32, #tpu.memory_space<vmem_shared>> -> memref<100352xf32, #tpu.memory_space<vmem_shared>>
        tpu.wait_indirect_dma semaphore(%run_scoped3A_1179 : memref<!tpu.dma_semaphore, #tpu.memory_space<semaphore_mem>>) src(%arg9 : memref<128xf32, #tpu.memory_space<vmem>>) dst(%dma_wait3A_1187 : memref<100352xf32, #tpu.memory_space<vmem_shared>>)
        tpu.yield
      }) : () -> ()
      %get3A_1042 = arith.constant 7 : i32
      %get3A_1043 = arith.index_cast %get3A_1042 : i32 to index
      %get3A_1044 = arith.constant 0 : index
      %get3A_1045 = tpu.vector_load %arg8[%get3A_1043, %get3A_1044] {strides = array<i32>} : memref<8x128xi32, #tpu.memory_space<vmem>>, vector<1x16xi32>,
      %get3A_1046 = vector.shape_cast %get3A_1045 : vector<1x16xi32> to vector<16xi32>
      %eq3A_1047 = arith.constant 1 : i32
      %eq3A_1048 = vector.broadcast %eq3A_1047 : i32 to vector<16xi32>
      %eq3A_1049 = arith.cmpi eq, %get3A_1046, %eq3A_1048 : vector<16xi32>
      %jit3A_1050 = arith.constant 1.000000e+00 : f32
      %jit3A_1051 = arith.constant 0.000000e+00 : f32
      %broadcast_in_dim3A_1052 = vector.broadcast %jit3A_1050 : f32 to vector<16xf32>
      %broadcast_in_dim3A_1053 = vector.broadcast %jit3A_1051 : f32 to vector<16xf32>
      %select_n3A_1054 = arith.select %eq3A_1049, %broadcast_in_dim3A_1052, %broadcast_in_dim3A_1053 : vector<16xi1>, vector<16xf32>
      %swap3A_1055 = arith.constant 0 : index
      %swap3A_1056 = tpu.vector_load %arg10[%swap3A_1055] {strides = array<i32>} : memref<128xf32, #tpu.memory_space<vmem>>, vector<16xf32>,
      %swap3A_1057 = vector.shape_cast %swap3A_1056 : vector<16xf32> to vector<16xf32>
      %swap3A_1058 = vector.shape_cast %select_n3A_1054 : vector<16xf32> to vector<16xf32>
      tpu.vector_store %arg10[%swap3A_1055], %swap3A_1058 {strides = array<i32>} : memref<128xf32, #tpu.memory_space<vmem>>, vector<16xf32>,
      %get3A_1059 = arith.constant 7 : i32
      %get3A_1060 = arith.index_cast %get3A_1059 : i32 to index
      %get3A_1061 = arith.constant 16 : index
      %get3A_1062 = tpu.vector_load %arg8[%get3A_1060, %get3A_1061] {strides = array<i32>} : memref<8x128xi32, #tpu.memory_space<vmem>>, vector<1x16xi32>,
      %get3A_1063 = vector.shape_cast %get3A_1062 : vector<1x16xi32> to vector<16xi32>
      %eq3A_1064 = arith.constant 1 : i32
      %eq3A_1065 = vector.broadcast %eq3A_1064 : i32 to vector<16xi32>
      %eq3A_1066 = arith.cmpi eq, %get3A_1063, %eq3A_1065 : vector<16xi32>
      %jit3A_1067 = arith.constant 1.000000e+00 : f32
      %jit3A_1068 = arith.constant 0.000000e+00 : f32
      %broadcast_in_dim3A_1069 = vector.broadcast %jit3A_1067 : f32 to vector<16xf32>
      %broadcast_in_dim3A_1070 = vector.broadcast %jit3A_1068 : f32 to vector<16xf32>
      %select_n3A_1071 = arith.select %eq3A_1066, %broadcast_in_dim3A_1069, %broadcast_in_dim3A_1070 : vector<16xi1>, vector<16xf32>
      %swap3A_1072 = arith.constant 16 : index
      %swap3A_1073 = tpu.vector_load %arg10[%swap3A_1072] {strides = array<i32>} : memref<128xf32, #tpu.memory_space<vmem>>, vector<16xf32>,
      %swap3A_1074 = vector.shape_cast %swap3A_1073 : vector<16xf32> to vector<16xf32>
      %swap3A_1075 = vector.shape_cast %select_n3A_1071 : vector<16xf32> to vector<16xf32>
      tpu.vector_store %arg10[%swap3A_1072], %swap3A_1075 {strides = array<i32>} : memref<128xf32, #tpu.memory_space<vmem>>, vector<16xf32>,
      %get3A_1076 = arith.constant 7 : i32
      %get3A_1077 = arith.index_cast %get3A_1076 : i32 to index
      %get3A_1078 = arith.constant 32 : index
      %get3A_1079 = tpu.vector_load %arg8[%get3A_1077, %get3A_1078] {strides = array<i32>} : memref<8x128xi32, #tpu.memory_space<vmem>>, vector<1x16xi32>,
      %get3A_1080 = vector.shape_cast %get3A_1079 : vector<1x16xi32> to vector<16xi32>
      %eq3A_1081 = arith.constant 1 : i32
      %eq3A_1082 = vector.broadcast %eq3A_1081 : i32 to vector<16xi32>
      %eq3A_1083 = arith.cmpi eq, %get3A_1080, %eq3A_1082 : vector<16xi32>
      %jit3A_1084 = arith.constant 1.000000e+00 : f32
      %jit3A_1085 = arith.constant 0.000000e+00 : f32
      %broadcast_in_dim3A_1086 = vector.broadcast %jit3A_1084 : f32 to vector<16xf32>
      %broadcast_in_dim3A_1087 = vector.broadcast %jit3A_1085 : f32 to vector<16xf32>
      %select_n3A_1088 = arith.select %eq3A_1083, %broadcast_in_dim3A_1086, %broadcast_in_dim3A_1087 : vector<16xi1>, vector<16xf32>
      %swap3A_1089 = arith.constant 32 : index
      %swap3A_1090 = tpu.vector_load %arg10[%swap3A_1089] {strides = array<i32>} : memref<128xf32, #tpu.memory_space<vmem>>, vector<16xf32>,
      %swap3A_1091 = vector.shape_cast %swap3A_1090 : vector<16xf32> to vector<16xf32>
      %swap3A_1092 = vector.shape_cast %select_n3A_1088 : vector<16xf32> to vector<16xf32>
      tpu.vector_store %arg10[%swap3A_1089], %swap3A_1092 {strides = array<i32>} : memref<128xf32, #tpu.memory_space<vmem>>, vector<16xf32>,
      %get3A_1093 = arith.constant 7 : i32
      %get3A_1094 = arith.index_cast %get3A_1093 : i32 to index
      %get3A_1095 = arith.constant 48 : index
      %get3A_1096 = tpu.vector_load %arg8[%get3A_1094, %get3A_1095] {strides = array<i32>} : memref<8x128xi32, #tpu.memory_space<vmem>>, vector<1x16xi32>,
      %get3A_1097 = vector.shape_cast %get3A_1096 : vector<1x16xi32> to vector<16xi32>
      %eq3A_1098 = arith.constant 1 : i32
      %eq3A_1099 = vector.broadcast %eq3A_1098 : i32 to vector<16xi32>
      %eq3A_1100 = arith.cmpi eq, %get3A_1097, %eq3A_1099 : vector<16xi32>
      %jit3A_1101 = arith.constant 1.000000e+00 : f32
      %jit3A_1102 = arith.constant 0.000000e+00 : f32
      %broadcast_in_dim3A_1103 = vector.broadcast %jit3A_1101 : f32 to vector<16xf32>
      %broadcast_in_dim3A_1104 = vector.broadcast %jit3A_1102 : f32 to vector<16xf32>
      %select_n3A_1105 = arith.select %eq3A_1100, %broadcast_in_dim3A_1103, %broadcast_in_dim3A_1104 : vector<16xi1>, vector<16xf32>
      %swap3A_1106 = arith.constant 48 : index
      %swap3A_1107 = tpu.vector_load %arg10[%swap3A_1106] {strides = array<i32>} : memref<128xf32, #tpu.memory_space<vmem>>, vector<16xf32>,
      %swap3A_1108 = vector.shape_cast %swap3A_1107 : vector<16xf32> to vector<16xf32>
      %swap3A_1109 = vector.shape_cast %select_n3A_1105 : vector<16xf32> to vector<16xf32>
      tpu.vector_store %arg10[%swap3A_1106], %swap3A_1109 {strides = array<i32>} : memref<128xf32, #tpu.memory_space<vmem>>, vector<16xf32>,
      %get3A_1110 = arith.constant 7 : i32
      %get3A_1111 = arith.index_cast %get3A_1110 : i32 to index
      %get3A_1112 = arith.constant 64 : index
      %get3A_1113 = tpu.vector_load %arg8[%get3A_1111, %get3A_1112] {strides = array<i32>} : memref<8x128xi32, #tpu.memory_space<vmem>>, vector<1x16xi32>,
      %get3A_1114 = vector.shape_cast %get3A_1113 : vector<1x16xi32> to vector<16xi32>
      %eq3A_1115 = arith.constant 1 : i32
      %eq3A_1116 = vector.broadcast %eq3A_1115 : i32 to vector<16xi32>
      %eq3A_1117 = arith.cmpi eq, %get3A_1114, %eq3A_1116 : vector<16xi32>
      %jit3A_1118 = arith.constant 1.000000e+00 : f32
      %jit3A_1119 = arith.constant 0.000000e+00 : f32
      %broadcast_in_dim3A_1120 = vector.broadcast %jit3A_1118 : f32 to vector<16xf32>
      %broadcast_in_dim3A_1121 = vector.broadcast %jit3A_1119 : f32 to vector<16xf32>
      %select_n3A_1122 = arith.select %eq3A_1117, %broadcast_in_dim3A_1120, %broadcast_in_dim3A_1121 : vector<16xi1>, vector<16xf32>
      %swap3A_1123 = arith.constant 64 : index
      %swap3A_1124 = tpu.vector_load %arg10[%swap3A_1123] {strides = array<i32>} : memref<128xf32, #tpu.memory_space<vmem>>, vector<16xf32>,
      %swap3A_1125 = vector.shape_cast %swap3A_1124 : vector<16xf32> to vector<16xf32>
      %swap3A_1126 = vector.shape_cast %select_n3A_1122 : vector<16xf32> to vector<16xf32>
      tpu.vector_store %arg10[%swap3A_1123], %swap3A_1126 {strides = array<i32>} : memref<128xf32, #tpu.memory_space<vmem>>, vector<16xf32>,
      %get3A_1127 = arith.constant 7 : i32
      %get3A_1128 = arith.index_cast %get3A_1127 : i32 to index
      %get3A_1129 = arith.constant 80 : index
      %get3A_1130 = tpu.vector_load %arg8[%get3A_1128, %get3A_1129] {strides = array<i32>} : memref<8x128xi32, #tpu.memory_space<vmem>>, vector<1x16xi32>,
      %get3A_1131 = vector.shape_cast %get3A_1130 : vector<1x16xi32> to vector<16xi32>
      %eq3A_1132 = arith.constant 1 : i32
      %eq3A_1133 = vector.broadcast %eq3A_1132 : i32 to vector<16xi32>
      %eq3A_1134 = arith.cmpi eq, %get3A_1131, %eq3A_1133 : vector<16xi32>
      %jit3A_1135 = arith.constant 1.000000e+00 : f32
      %jit3A_1136 = arith.constant 0.000000e+00 : f32
      %broadcast_in_dim3A_1137 = vector.broadcast %jit3A_1135 : f32 to vector<16xf32>
      %broadcast_in_dim3A_1138 = vector.broadcast %jit3A_1136 : f32 to vector<16xf32>
      %select_n3A_1139 = arith.select %eq3A_1134, %broadcast_in_dim3A_1137, %broadcast_in_dim3A_1138 : vector<16xi1>, vector<16xf32>
      %swap3A_1140 = arith.constant 80 : index
      %swap3A_1141 = tpu.vector_load %arg10[%swap3A_1140] {strides = array<i32>} : memref<128xf32, #tpu.memory_space<vmem>>, vector<16xf32>,
      %swap3A_1142 = vector.shape_cast %swap3A_1141 : vector<16xf32> to vector<16xf32>
      %swap3A_1143 = vector.shape_cast %select_n3A_1139 : vector<16xf32> to vector<16xf32>
      tpu.vector_store %arg10[%swap3A_1140], %swap3A_1143 {strides = array<i32>} : memref<128xf32, #tpu.memory_space<vmem>>, vector<16xf32>,
      %get3A_1144 = arith.constant 7 : i32
      %get3A_1145 = arith.index_cast %get3A_1144 : i32 to index
      %get3A_1146 = arith.constant 96 : index
      %get3A_1147 = tpu.vector_load %arg8[%get3A_1145, %get3A_1146] {strides = array<i32>} : memref<8x128xi32, #tpu.memory_space<vmem>>, vector<1x16xi32>,
      %get3A_1148 = vector.shape_cast %get3A_1147 : vector<1x16xi32> to vector<16xi32>
      %eq3A_1149 = arith.constant 1 : i32
      %eq3A_1150 = vector.broadcast %eq3A_1149 : i32 to vector<16xi32>
      %eq3A_1151 = arith.cmpi eq, %get3A_1148, %eq3A_1150 : vector<16xi32>
      %jit3A_1152 = arith.constant 1.000000e+00 : f32
      %jit3A_1153 = arith.constant 0.000000e+00 : f32
      %broadcast_in_dim3A_1154 = vector.broadcast %jit3A_1152 : f32 to vector<16xf32>
      %broadcast_in_dim3A_1155 = vector.broadcast %jit3A_1153 : f32 to vector<16xf32>
      %select_n3A_1156 = arith.select %eq3A_1151, %broadcast_in_dim3A_1154, %broadcast_in_dim3A_1155 : vector<16xi1>, vector<16xf32>
      %swap3A_1157 = arith.constant 96 : index
      %swap3A_1158 = tpu.vector_load %arg10[%swap3A_1157] {strides = array<i32>} : memref<128xf32, #tpu.memory_space<vmem>>, vector<16xf32>,
      %swap3A_1159 = vector.shape_cast %swap3A_1158 : vector<16xf32> to vector<16xf32>
      %swap3A_1160 = vector.shape_cast %select_n3A_1156 : vector<16xf32> to vector<16xf32>
      tpu.vector_store %arg10[%swap3A_1157], %swap3A_1160 {strides = array<i32>} : memref<128xf32, #tpu.memory_space<vmem>>, vector<16xf32>,
      %get3A_1161 = arith.constant 7 : i32
      %get3A_1162 = arith.index_cast %get3A_1161 : i32 to index
      %get3A_1163 = arith.constant 112 : index
      %get3A_1164 = tpu.vector_load %arg8[%get3A_1162, %get3A_1163] {strides = array<i32>} : memref<8x128xi32, #tpu.memory_space<vmem>>, vector<1x16xi32>,
      %get3A_1165 = vector.shape_cast %get3A_1164 : vector<1x16xi32> to vector<16xi32>
      %eq3A_1166 = arith.constant 1 : i32
      %eq3A_1167 = vector.broadcast %eq3A_1166 : i32 to vector<16xi32>
      %eq3A_1168 = arith.cmpi eq, %get3A_1165, %eq3A_1167 : vector<16xi32>
      %jit3A_1169 = arith.constant 1.000000e+00 : f32
      %jit3A_1170 = arith.constant 0.000000e+00 : f32
      %broadcast_in_dim3A_1171 = vector.broadcast %jit3A_1169 : f32 to vector<16xf32>
      %broadcast_in_dim3A_1172 = vector.broadcast %jit3A_1170 : f32 to vector<16xf32>
      %select_n3A_1173 = arith.select %eq3A_1168, %broadcast_in_dim3A_1171, %broadcast_in_dim3A_1172 : vector<16xi1>, vector<16xf32>
      %swap3A_1174 = arith.constant 112 : index
      %swap3A_1175 = tpu.vector_load %arg10[%swap3A_1174] {strides = array<i32>} : memref<128xf32, #tpu.memory_space<vmem>>, vector<16xf32>,
      %swap3A_1176 = vector.shape_cast %swap3A_1175 : vector<16xf32> to vector<16xf32>
      %swap3A_1177 = vector.shape_cast %select_n3A_1173 : vector<16xf32> to vector<16xf32>
      tpu.vector_store %arg10[%swap3A_1174], %swap3A_1177 {strides = array<i32>} : memref<128xf32, #tpu.memory_space<vmem>>, vector<16xf32>,
      %run_scoped3A_1178 = arith.constant 7 : i32
      "tpu.region"() ({
        %run_scoped3A_1179 = tpu.sem_alloc : memref<!tpu.dma_semaphore, #tpu.memory_space<semaphore_mem>>
        %dma_start3A = arith.constant 0 : i32
        %dma_start3A_1180 = tpu.memref_slice %arg7[%run_scoped3A_1178, %dma_start3A] : memref<8x128xi32, #tpu.memory_space<vmem>> -> memref<1x128xi32, #tpu.memory_space<vmem>>
        %dma_start3A_1181 = tpu.memref_squeeze %dma_start3A_1180 : memref<1x128xi32, #tpu.memory_space<vmem>> -> memref<128xi32, #tpu.memory_space<vmem>>
        %dma_start3A_1182 = arith.constant 0 : i32
        %dma_start3A_1183 = tpu.memref_slice %arg14[%dma_start3A_1182] : memref<100352xf32, #tpu.memory_space<vmem_shared>> -> memref<100352xf32, #tpu.memory_space<vmem_shared>>
        tpu.enqueue_indirect_dma source(%arg10 : memref<128xf32, #tpu.memory_space<vmem>>) target(%dma_start3A_1183 : memref<100352xf32, #tpu.memory_space<vmem_shared>>) offsets(%dma_start3A_1181 : memref<128xi32, #tpu.memory_space<vmem>>) semaphore(%run_scoped3A_1179 : memref<!tpu.dma_semaphore, #tpu.memory_space<semaphore_mem>>) {add = true}
        %dma_wait3A = arith.constant 0 : i32
        %dma_wait3A_1184 = tpu.memref_slice %arg7[%run_scoped3A_1178, %dma_wait3A] : memref<8x128xi32, #tpu.memory_space<vmem>> -> memref<1x128xi32, #tpu.memory_space<vmem>>
        %dma_wait3A_1185 = tpu.memref_squeeze %dma_wait3A_1184 : memref<1x128xi32, #tpu.memory_space<vmem>> -> memref<128xi32, #tpu.memory_space<vmem>>
        %dma_wait3A_1186 = arith.constant 0 : i32
        %dma_wait3A_1187 = tpu.memref_slice %arg14[%dma_wait3A_1186] : memref<100352xf32, #tpu.memory_space<vmem_shared>> -> memref<100352xf32, #tpu.memory_space<vmem_shared>>
        tpu.wait_indirect_dma semaphore(%run_scoped3A_1179 : memref<!tpu.dma_semaphore, #tpu.memory_space<semaphore_mem>>) src(%arg10 : memref<128xf32, #tpu.memory_space<vmem>>) dst(%dma_wait3A_1187 : memref<100352xf32, #tpu.memory_space<vmem_shared>>)
        tpu.yield
      }) : () -> ()
    }
    %scan3A_61 = arith.constant 49 : i32
    %barrier3A_62 = arith.constant 0 : index
    tpu.barrier barrier_id(%barrier3A_62)
    %mul3A_63 = arith.constant 100352 : i32
    %mul3A_64 = arith.muli %arg0, %mul3A_63 : i32
    %add3A_65 = arith.addi %mul3A_64, %multiple_of3A : i32
    %multiple_of3A_66 = tpu.assume_multiple %add3A_65, 128 : i32
    "tpu.region"() ({
      %run_scoped3A = tpu.sem_alloc : memref<!tpu.dma_semaphore, #tpu.memory_space<semaphore_mem>>
      %dma_start3A = tpu.memref_slice %arg12[%multiple_of3A] : memref<100352xf32, #tpu.memory_space<vmem_shared>> -> memref<6272xf32, #tpu.memory_space<vmem_shared>>
      %dma_start3A_67 = tpu.memref_slice %arg12[%multiple_of3A] : memref<100352xf32, #tpu.memory_space<vmem_shared>> -> memref<6272xf32, #tpu.memory_space<vmem_shared>>
      tpu.enqueue_dma source(%dma_start3A_67 : memref<6272xf32, #tpu.memory_space<vmem_shared>>) target(%arg11 : memref<6272xf32, #tpu.memory_space<vmem>>) target_semaphore(%run_scoped3A : memref<!tpu.dma_semaphore, #tpu.memory_space<semaphore_mem>>)
      %dma_wait3A = tpu.memref_slice %arg12[%multiple_of3A] : memref<100352xf32, #tpu.memory_space<vmem_shared>> -> memref<6272xf32, #tpu.memory_space<vmem_shared>>
      %dma_wait3A_68 = tpu.memref_slice %arg12[%multiple_of3A] : memref<100352xf32, #tpu.memory_space<vmem_shared>> -> memref<6272xf32, #tpu.memory_space<vmem_shared>>
      tpu.wait_dma2 semaphore(%run_scoped3A : memref<!tpu.dma_semaphore, #tpu.memory_space<semaphore_mem>>) src(%dma_wait3A_68 : memref<6272xf32, #tpu.memory_space<vmem_shared>>) dst(%arg11 : memref<6272xf32, #tpu.memory_space<vmem>>)
      tpu.yield
    }) : () -> ()
    "tpu.region"() ({
      %run_scoped3A = tpu.sem_alloc : memref<!tpu.dma_semaphore, #tpu.memory_space<semaphore_mem>>
      %dma_start3A = tpu.memref_slice %arg4[%multiple_of3A_66] : memref<200704xf32, #tpu.memory_space<hbm>> -> memref<6272xf32, #tpu.memory_space<hbm>>
      %dma_start3A_67 = tpu.memref_slice %arg4[%multiple_of3A_66] : memref<200704xf32, #tpu.memory_space<hbm>> -> memref<6272xf32, #tpu.memory_space<hbm>>
      tpu.enqueue_dma source(%arg11 : memref<6272xf32, #tpu.memory_space<vmem>>) target(%dma_start3A_67 : memref<6272xf32, #tpu.memory_space<hbm>>) target_semaphore(%run_scoped3A : memref<!tpu.dma_semaphore, #tpu.memory_space<semaphore_mem>>)
      %dma_wait3A = tpu.memref_slice %arg4[%multiple_of3A_66] : memref<200704xf32, #tpu.memory_space<hbm>> -> memref<6272xf32, #tpu.memory_space<hbm>>
      %dma_wait3A_68 = tpu.memref_slice %arg4[%multiple_of3A_66] : memref<200704xf32, #tpu.memory_space<hbm>> -> memref<6272xf32, #tpu.memory_space<hbm>>
      tpu.wait_dma2 semaphore(%run_scoped3A : memref<!tpu.dma_semaphore, #tpu.memory_space<semaphore_mem>>) src(%arg11 : memref<6272xf32, #tpu.memory_space<vmem>>) dst(%dma_wait3A_68 : memref<6272xf32, #tpu.memory_space<hbm>>)
      tpu.yield
    }) : () -> ()
    "tpu.region"() ({
      %run_scoped3A = tpu.sem_alloc : memref<!tpu.dma_semaphore, #tpu.memory_space<semaphore_mem>>
      %dma_start3A = tpu.memref_slice %arg13[%multiple_of3A] : memref<100352xf32, #tpu.memory_space<vmem_shared>> -> memref<6272xf32, #tpu.memory_space<vmem_shared>>
      %dma_start3A_67 = tpu.memref_slice %arg13[%multiple_of3A] : memref<100352xf32, #tpu.memory_space<vmem_shared>> -> memref<6272xf32, #tpu.memory_space<vmem_shared>>
      tpu.enqueue_dma source(%dma_start3A_67 : memref<6272xf32, #tpu.memory_space<vmem_shared>>) target(%arg11 : memref<6272xf32, #tpu.memory_space<vmem>>) target_semaphore(%run_scoped3A : memref<!tpu.dma_semaphore, #tpu.memory_space<semaphore_mem>>)
      %dma_wait3A = tpu.memref_slice %arg13[%multiple_of3A] : memref<100352xf32, #tpu.memory_space<vmem_shared>> -> memref<6272xf32, #tpu.memory_space<vmem_shared>>
      %dma_wait3A_68 = tpu.memref_slice %arg13[%multiple_of3A] : memref<100352xf32, #tpu.memory_space<vmem_shared>> -> memref<6272xf32, #tpu.memory_space<vmem_shared>>
      tpu.wait_dma2 semaphore(%run_scoped3A : memref<!tpu.dma_semaphore, #tpu.memory_space<semaphore_mem>>) src(%dma_wait3A_68 : memref<6272xf32, #tpu.memory_space<vmem_shared>>) dst(%arg11 : memref<6272xf32, #tpu.memory_space<vmem>>)
      tpu.yield
    }) : () -> ()
    "tpu.region"() ({
      %run_scoped3A = tpu.sem_alloc : memref<!tpu.dma_semaphore, #tpu.memory_space<semaphore_mem>>
      %dma_start3A = tpu.memref_slice %arg5[%multiple_of3A_66] : memref<200704xf32, #tpu.memory_space<hbm>> -> memref<6272xf32, #tpu.memory_space<hbm>>
      %dma_start3A_67 = tpu.memref_slice %arg5[%multiple_of3A_66] : memref<200704xf32, #tpu.memory_space<hbm>> -> memref<6272xf32, #tpu.memory_space<hbm>>
      tpu.enqueue_dma source(%arg11 : memref<6272xf32, #tpu.memory_space<vmem>>) target(%dma_start3A_67 : memref<6272xf32, #tpu.memory_space<hbm>>) target_semaphore(%run_scoped3A : memref<!tpu.dma_semaphore, #tpu.memory_space<semaphore_mem>>)
      %dma_wait3A = tpu.memref_slice %arg5[%multiple_of3A_66] : memref<200704xf32, #tpu.memory_space<hbm>> -> memref<6272xf32, #tpu.memory_space<hbm>>
      %dma_wait3A_68 = tpu.memref_slice %arg5[%multiple_of3A_66] : memref<200704xf32, #tpu.memory_space<hbm>> -> memref<6272xf32, #tpu.memory_space<hbm>>
      tpu.wait_dma2 semaphore(%run_scoped3A : memref<!tpu.dma_semaphore, #tpu.memory_space<semaphore_mem>>) src(%arg11 : memref<6272xf32, #tpu.memory_space<vmem>>) dst(%dma_wait3A_68 : memref<6272xf32, #tpu.memory_space<hbm>>)
      tpu.yield
    }) : () -> ()
    "tpu.region"() ({
      %run_scoped3A = tpu.sem_alloc : memref<!tpu.dma_semaphore, #tpu.memory_space<semaphore_mem>>
      %dma_start3A = tpu.memref_slice %arg14[%multiple_of3A] : memref<100352xf32, #tpu.memory_space<vmem_shared>> -> memref<6272xf32, #tpu.memory_space<vmem_shared>>
      %dma_start3A_67 = tpu.memref_slice %arg14[%multiple_of3A] : memref<100352xf32, #tpu.memory_space<vmem_shared>> -> memref<6272xf32, #tpu.memory_space<vmem_shared>>
      tpu.enqueue_dma source(%dma_start3A_67 : memref<6272xf32, #tpu.memory_space<vmem_shared>>) target(%arg11 : memref<6272xf32, #tpu.memory_space<vmem>>) target_semaphore(%run_scoped3A : memref<!tpu.dma_semaphore, #tpu.memory_space<semaphore_mem>>)
      %dma_wait3A = tpu.memref_slice %arg14[%multiple_of3A] : memref<100352xf32, #tpu.memory_space<vmem_shared>> -> memref<6272xf32, #tpu.memory_space<vmem_shared>>
      %dma_wait3A_68 = tpu.memref_slice %arg14[%multiple_of3A] : memref<100352xf32, #tpu.memory_space<vmem_shared>> -> memref<6272xf32, #tpu.memory_space<vmem_shared>>
      tpu.wait_dma2 semaphore(%run_scoped3A : memref<!tpu.dma_semaphore, #tpu.memory_space<semaphore_mem>>) src(%dma_wait3A_68 : memref<6272xf32, #tpu.memory_space<vmem_shared>>) dst(%arg11 : memref<6272xf32, #tpu.memory_space<vmem>>)
      tpu.yield
    }) : () -> ()
    "tpu.region"() ({
      %run_scoped3A = tpu.sem_alloc : memref<!tpu.dma_semaphore, #tpu.memory_space<semaphore_mem>>
      %dma_start3A = tpu.memref_slice %arg6[%multiple_of3A_66] : memref<200704xf32, #tpu.memory_space<hbm>> -> memref<6272xf32, #tpu.memory_space<hbm>>
      %dma_start3A_67 = tpu.memref_slice %arg6[%multiple_of3A_66] : memref<200704xf32, #tpu.memory_space<hbm>> -> memref<6272xf32, #tpu.memory_space<hbm>>
      tpu.enqueue_dma source(%arg11 : memref<6272xf32, #tpu.memory_space<vmem>>) target(%dma_start3A_67 : memref<6272xf32, #tpu.memory_space<hbm>>) target_semaphore(%run_scoped3A : memref<!tpu.dma_semaphore, #tpu.memory_space<semaphore_mem>>)
      %dma_wait3A = tpu.memref_slice %arg6[%multiple_of3A_66] : memref<200704xf32, #tpu.memory_space<hbm>> -> memref<6272xf32, #tpu.memory_space<hbm>>
      %dma_wait3A_68 = tpu.memref_slice %arg6[%multiple_of3A_66] : memref<200704xf32, #tpu.memory_space<hbm>> -> memref<6272xf32, #tpu.memory_space<hbm>>
      tpu.wait_dma2 semaphore(%run_scoped3A : memref<!tpu.dma_semaphore, #tpu.memory_space<semaphore_mem>>) src(%arg11 : memref<6272xf32, #tpu.memory_space<vmem>>) dst(%dma_wait3A_68 : memref<6272xf32, #tpu.memory_space<hbm>>)
      tpu.yield
    }) : () -> ()
    return
  }
}

#map = affine_map<(d0, d1) -> (0, 0)>
#map1 = affine_map<(d0, d1) -> (0)>
module attributes {stable_mosaic.version = 14 : i64} {
  func.func @_segsum_body(%arg0: i32, %arg1: i32, %arg2: memref<12544x128xi32, #tpu.memory_space<hbm>>, %arg3: memref<12544x128xi32, #tpu.memory_space<hbm>>, %arg4: memref<100352xf32, #tpu.memory_space<hbm>>, %arg5: memref<200704xf32, #tpu.memory_space<hbm>>, %arg6: memref<8x128xi32, #tpu.memory_space<vmem>>, %arg7: memref<8x128xi32, #tpu.memory_space<vmem>>, %arg8: memref<8x128xf32, #tpu.memory_space<vmem>>, %arg9: memref<6272xf32, #tpu.memory_space<vmem>>, %arg10: memref<100352xf32, #tpu.memory_space<vmem_shared>>, %arg11: memref<!tpu.dma_semaphore, #tpu.memory_space<semaphore_mem>>) attributes {dimension_semantics = [#tpu.dimension_semantics<core_parallel>, #tpu.dimension_semantics<subcore_parallel>], iteration_bounds = array<i64: 2, 16>, scalar_prefetch = 0 : i64, scratch_operands = 6 : i64, tpu.core_type = #tpu.core_type<sc_vector_subcore>, window_params = [{transform_indices = #map}, {transform_indices = #map}, {transform_indices = #map1}, {transform_indices = #map1}]} {
    %mul3A = arith.constant 2 : i32
    %mul3A_0 = arith.muli %arg1, %mul3A : i32
    %add3A = arith.addi %mul3A_0, %arg0 : i32
    %scan3A = arith.constant 0 : i32
    %scan3A_1 = arith.constant 0 : i32
    %scan3A_2 = arith.constant 392 : i32
    %scan3A_3 = arith.addi %scan3A_1, %scan3A_2 : i32
    %scan3A_4 = arith.constant 1 : i32
    scf.for %scan3A_21 = %scan3A_1 to %scan3A_3 step %scan3A_4  : i32 {
      %broadcast_in_dim3A = arith.constant 0.000000e+00 : f32
      %broadcast_in_dim3A_22 = vector.broadcast %broadcast_in_dim3A : f32 to vector<16xf32>
      %mul3A_23 = arith.constant 16 : i32
      %mul3A_24 = arith.muli %scan3A_21, %mul3A_23 : i32
      %swap3A = arith.index_cast %mul3A_24 : i32 to index
      %swap3A_25 = tpu.vector_load %arg9[%swap3A] {strides = array<i32>} : memref<6272xf32, #tpu.memory_space<vmem>>, vector<16xf32>,
      %swap3A_26 = vector.shape_cast %swap3A_25 : vector<16xf32> to vector<16xf32>
      %swap3A_27 = vector.shape_cast %broadcast_in_dim3A_22 : vector<16xf32> to vector<16xf32>
      tpu.vector_store %arg9[%swap3A], %swap3A_27 {strides = array<i32>} : memref<6272xf32, #tpu.memory_space<vmem>>, vector<16xf32>,
    }
    %scan3A_5 = arith.constant 392 : i32
    %mul3A_6 = arith.constant 6272 : i32
    %mul3A_7 = arith.muli %arg1, %mul3A_6 : i32
    %multiple_of3A = tpu.assume_multiple %mul3A_7, 128 : i32
    "tpu.region"() ({
      %run_scoped3A = tpu.sem_alloc : memref<!tpu.dma_semaphore, #tpu.memory_space<semaphore_mem>>
      %dma_start3A = tpu.memref_slice %arg10[%multiple_of3A] : memref<100352xf32, #tpu.memory_space<vmem_shared>> -> memref<6272xf32, #tpu.memory_space<vmem_shared>>
      %dma_start3A_21 = tpu.memref_slice %arg10[%multiple_of3A] : memref<100352xf32, #tpu.memory_space<vmem_shared>> -> memref<6272xf32, #tpu.memory_space<vmem_shared>>
      tpu.enqueue_dma source(%arg9 : memref<6272xf32, #tpu.memory_space<vmem>>) target(%dma_start3A_21 : memref<6272xf32, #tpu.memory_space<vmem_shared>>) target_semaphore(%run_scoped3A : memref<!tpu.dma_semaphore, #tpu.memory_space<semaphore_mem>>)
      %dma_wait3A = tpu.memref_slice %arg10[%multiple_of3A] : memref<100352xf32, #tpu.memory_space<vmem_shared>> -> memref<6272xf32, #tpu.memory_space<vmem_shared>>
      %dma_wait3A_22 = tpu.memref_slice %arg10[%multiple_of3A] : memref<100352xf32, #tpu.memory_space<vmem_shared>> -> memref<6272xf32, #tpu.memory_space<vmem_shared>>
      tpu.wait_dma2 semaphore(%run_scoped3A : memref<!tpu.dma_semaphore, #tpu.memory_space<semaphore_mem>>) src(%arg9 : memref<6272xf32, #tpu.memory_space<vmem>>) dst(%dma_wait3A_22 : memref<6272xf32, #tpu.memory_space<vmem_shared>>)
      tpu.yield
    }) : () -> ()
    %barrier3A = arith.constant 0 : index
    tpu.barrier barrier_id(%barrier3A)
    %mul3A_8 = arith.constant 392 : i32
    %mul3A_9 = arith.muli %add3A, %mul3A_8 : i32
    %scan3A_10 = arith.constant 0 : i32
    %scan3A_11 = arith.constant 0 : i32
    %scan3A_12 = arith.constant 49 : i32
    %scan3A_13 = arith.addi %scan3A_11, %scan3A_12 : i32
    %scan3A_14 = arith.constant 1 : i32
    scf.for %scan3A_21 = %scan3A_11 to %scan3A_13 step %scan3A_14  : i32 {
      %mul3A_22 = arith.constant 8 : i32
      %mul3A_23 = arith.muli %scan3A_21, %mul3A_22 : i32
      %add3A_24 = arith.addi %mul3A_9, %mul3A_23 : i32
      %multiple_of3A_25 = tpu.assume_multiple %add3A_24, 8 : i32
      "tpu.region"() ({
        %run_scoped3A_199 = tpu.sem_alloc : memref<!tpu.dma_semaphore, #tpu.memory_space<semaphore_mem>>
        %dma_start3A_200 = arith.constant 0 : i32
        %dma_start3A_201 = tpu.memref_slice %arg2[%multiple_of3A_25, %dma_start3A_200] : memref<12544x128xi32, #tpu.memory_space<hbm>> -> memref<8x128xi32, #tpu.memory_space<hbm>>
        %dma_start3A_202 = arith.constant 0 : i32
        %dma_start3A_203 = tpu.memref_slice %arg2[%multiple_of3A_25, %dma_start3A_202] : memref<12544x128xi32, #tpu.memory_space<hbm>> -> memref<8x128xi32, #tpu.memory_space<hbm>>
        tpu.enqueue_dma source(%dma_start3A_203 : memref<8x128xi32, #tpu.memory_space<hbm>>) target(%arg6 : memref<8x128xi32, #tpu.memory_space<vmem>>) target_semaphore(%run_scoped3A_199 : memref<!tpu.dma_semaphore, #tpu.memory_space<semaphore_mem>>)
        %dma_wait3A_204 = arith.constant 0 : i32
        %dma_wait3A_205 = tpu.memref_slice %arg2[%multiple_of3A_25, %dma_wait3A_204] : memref<12544x128xi32, #tpu.memory_space<hbm>> -> memref<8x128xi32, #tpu.memory_space<hbm>>
        %dma_wait3A_206 = arith.constant 0 : i32
        %dma_wait3A_207 = tpu.memref_slice %arg2[%multiple_of3A_25, %dma_wait3A_206] : memref<12544x128xi32, #tpu.memory_space<hbm>> -> memref<8x128xi32, #tpu.memory_space<hbm>>
        tpu.wait_dma2 semaphore(%run_scoped3A_199 : memref<!tpu.dma_semaphore, #tpu.memory_space<semaphore_mem>>) src(%dma_wait3A_207 : memref<8x128xi32, #tpu.memory_space<hbm>>) dst(%arg6 : memref<8x128xi32, #tpu.memory_space<vmem>>)
        tpu.yield
      }) : () -> ()
      "tpu.region"() ({
        %run_scoped3A_199 = tpu.sem_alloc : memref<!tpu.dma_semaphore, #tpu.memory_space<semaphore_mem>>
        %dma_start3A_200 = arith.constant 0 : i32
        %dma_start3A_201 = tpu.memref_slice %arg3[%multiple_of3A_25, %dma_start3A_200] : memref<12544x128xi32, #tpu.memory_space<hbm>> -> memref<8x128xi32, #tpu.memory_space<hbm>>
        %dma_start3A_202 = arith.constant 0 : i32
        %dma_start3A_203 = tpu.memref_slice %arg3[%multiple_of3A_25, %dma_start3A_202] : memref<12544x128xi32, #tpu.memory_space<hbm>> -> memref<8x128xi32, #tpu.memory_space<hbm>>
        tpu.enqueue_dma source(%dma_start3A_203 : memref<8x128xi32, #tpu.memory_space<hbm>>) target(%arg7 : memref<8x128xi32, #tpu.memory_space<vmem>>) target_semaphore(%run_scoped3A_199 : memref<!tpu.dma_semaphore, #tpu.memory_space<semaphore_mem>>)
        %dma_wait3A_204 = arith.constant 0 : i32
        %dma_wait3A_205 = tpu.memref_slice %arg3[%multiple_of3A_25, %dma_wait3A_204] : memref<12544x128xi32, #tpu.memory_space<hbm>> -> memref<8x128xi32, #tpu.memory_space<hbm>>
        %dma_wait3A_206 = arith.constant 0 : i32
        %dma_wait3A_207 = tpu.memref_slice %arg3[%multiple_of3A_25, %dma_wait3A_206] : memref<12544x128xi32, #tpu.memory_space<hbm>> -> memref<8x128xi32, #tpu.memory_space<hbm>>
        tpu.wait_dma2 semaphore(%run_scoped3A_199 : memref<!tpu.dma_semaphore, #tpu.memory_space<semaphore_mem>>) src(%dma_wait3A_207 : memref<8x128xi32, #tpu.memory_space<hbm>>) dst(%arg7 : memref<8x128xi32, #tpu.memory_space<vmem>>)
        tpu.yield
      }) : () -> ()
      %dma_start3A = arith.constant 0 : i32
      %dma_start3A_26 = arith.constant 0 : i32
      %dma_start3A_27 = arith.constant 0 : i32
      %dma_start3A_28 = tpu.memref_slice %arg8[%dma_start3A_26, %dma_start3A_27] : memref<8x128xf32, #tpu.memory_space<vmem>> -> memref<1x128xf32, #tpu.memory_space<vmem>>
      %dma_start3A_29 = tpu.memref_squeeze %dma_start3A_28 : memref<1x128xf32, #tpu.memory_space<vmem>> -> memref<128xf32, #tpu.memory_space<vmem>>
      %dma_start3A_30 = arith.constant 0 : i32
      %dma_start3A_31 = tpu.memref_slice %arg6[%dma_start3A, %dma_start3A_30] : memref<8x128xi32, #tpu.memory_space<vmem>> -> memref<1x128xi32, #tpu.memory_space<vmem>>
      %dma_start3A_32 = tpu.memref_squeeze %dma_start3A_31 : memref<1x128xi32, #tpu.memory_space<vmem>> -> memref<128xi32, #tpu.memory_space<vmem>>
      %dma_start3A_33 = arith.constant 0 : i32
      %dma_start3A_34 = tpu.memref_slice %arg4[%dma_start3A_33] : memref<100352xf32, #tpu.memory_space<hbm>> -> memref<100352xf32, #tpu.memory_space<hbm>>
      tpu.enqueue_indirect_dma source(%dma_start3A_34 : memref<100352xf32, #tpu.memory_space<hbm>>) target(%dma_start3A_29 : memref<128xf32, #tpu.memory_space<vmem>>) offsets(%dma_start3A_32 : memref<128xi32, #tpu.memory_space<vmem>>) semaphore(%arg11 : memref<!tpu.dma_semaphore, #tpu.memory_space<semaphore_mem>>)
      %dma_start3A_35 = arith.constant 1 : i32
      %dma_start3A_36 = arith.constant 1 : i32
      %dma_start3A_37 = arith.constant 0 : i32
      %dma_start3A_38 = tpu.memref_slice %arg8[%dma_start3A_36, %dma_start3A_37] : memref<8x128xf32, #tpu.memory_space<vmem>> -> memref<1x128xf32, #tpu.memory_space<vmem>>
      %dma_start3A_39 = tpu.memref_squeeze %dma_start3A_38 : memref<1x128xf32, #tpu.memory_space<vmem>> -> memref<128xf32, #tpu.memory_space<vmem>>
      %dma_start3A_40 = arith.constant 0 : i32
      %dma_start3A_41 = tpu.memref_slice %arg6[%dma_start3A_35, %dma_start3A_40] : memref<8x128xi32, #tpu.memory_space<vmem>> -> memref<1x128xi32, #tpu.memory_space<vmem>>
      %dma_start3A_42 = tpu.memref_squeeze %dma_start3A_41 : memref<1x128xi32, #tpu.memory_space<vmem>> -> memref<128xi32, #tpu.memory_space<vmem>>
      %dma_start3A_43 = arith.constant 0 : i32
      %dma_start3A_44 = tpu.memref_slice %arg4[%dma_start3A_43] : memref<100352xf32, #tpu.memory_space<hbm>> -> memref<100352xf32, #tpu.memory_space<hbm>>
      tpu.enqueue_indirect_dma source(%dma_start3A_44 : memref<100352xf32, #tpu.memory_space<hbm>>) target(%dma_start3A_39 : memref<128xf32, #tpu.memory_space<vmem>>) offsets(%dma_start3A_42 : memref<128xi32, #tpu.memory_space<vmem>>) semaphore(%arg11 : memref<!tpu.dma_semaphore, #tpu.memory_space<semaphore_mem>>)
      %dma_start3A_45 = arith.constant 2 : i32
      %dma_start3A_46 = arith.constant 2 : i32
      %dma_start3A_47 = arith.constant 0 : i32
      %dma_start3A_48 = tpu.memref_slice %arg8[%dma_start3A_46, %dma_start3A_47] : memref<8x128xf32, #tpu.memory_space<vmem>> -> memref<1x128xf32, #tpu.memory_space<vmem>>
      %dma_start3A_49 = tpu.memref_squeeze %dma_start3A_48 : memref<1x128xf32, #tpu.memory_space<vmem>> -> memref<128xf32, #tpu.memory_space<vmem>>
      %dma_start3A_50 = arith.constant 0 : i32
      %dma_start3A_51 = tpu.memref_slice %arg6[%dma_start3A_45, %dma_start3A_50] : memref<8x128xi32, #tpu.memory_space<vmem>> -> memref<1x128xi32, #tpu.memory_space<vmem>>
      %dma_start3A_52 = tpu.memref_squeeze %dma_start3A_51 : memref<1x128xi32, #tpu.memory_space<vmem>> -> memref<128xi32, #tpu.memory_space<vmem>>
      %dma_start3A_53 = arith.constant 0 : i32
      %dma_start3A_54 = tpu.memref_slice %arg4[%dma_start3A_53] : memref<100352xf32, #tpu.memory_space<hbm>> -> memref<100352xf32, #tpu.memory_space<hbm>>
      tpu.enqueue_indirect_dma source(%dma_start3A_54 : memref<100352xf32, #tpu.memory_space<hbm>>) target(%dma_start3A_49 : memref<128xf32, #tpu.memory_space<vmem>>) offsets(%dma_start3A_52 : memref<128xi32, #tpu.memory_space<vmem>>) semaphore(%arg11 : memref<!tpu.dma_semaphore, #tpu.memory_space<semaphore_mem>>)
      %dma_start3A_55 = arith.constant 3 : i32
      %dma_start3A_56 = arith.constant 3 : i32
      %dma_start3A_57 = arith.constant 0 : i32
      %dma_start3A_58 = tpu.memref_slice %arg8[%dma_start3A_56, %dma_start3A_57] : memref<8x128xf32, #tpu.memory_space<vmem>> -> memref<1x128xf32, #tpu.memory_space<vmem>>
      %dma_start3A_59 = tpu.memref_squeeze %dma_start3A_58 : memref<1x128xf32, #tpu.memory_space<vmem>> -> memref<128xf32, #tpu.memory_space<vmem>>
      %dma_start3A_60 = arith.constant 0 : i32
      %dma_start3A_61 = tpu.memref_slice %arg6[%dma_start3A_55, %dma_start3A_60] : memref<8x128xi32, #tpu.memory_space<vmem>> -> memref<1x128xi32, #tpu.memory_space<vmem>>
      %dma_start3A_62 = tpu.memref_squeeze %dma_start3A_61 : memref<1x128xi32, #tpu.memory_space<vmem>> -> memref<128xi32, #tpu.memory_space<vmem>>
      %dma_start3A_63 = arith.constant 0 : i32
      %dma_start3A_64 = tpu.memref_slice %arg4[%dma_start3A_63] : memref<100352xf32, #tpu.memory_space<hbm>> -> memref<100352xf32, #tpu.memory_space<hbm>>
      tpu.enqueue_indirect_dma source(%dma_start3A_64 : memref<100352xf32, #tpu.memory_space<hbm>>) target(%dma_start3A_59 : memref<128xf32, #tpu.memory_space<vmem>>) offsets(%dma_start3A_62 : memref<128xi32, #tpu.memory_space<vmem>>) semaphore(%arg11 : memref<!tpu.dma_semaphore, #tpu.memory_space<semaphore_mem>>)
      %dma_start3A_65 = arith.constant 4 : i32
      %dma_start3A_66 = arith.constant 4 : i32
      %dma_start3A_67 = arith.constant 0 : i32
      %dma_start3A_68 = tpu.memref_slice %arg8[%dma_start3A_66, %dma_start3A_67] : memref<8x128xf32, #tpu.memory_space<vmem>> -> memref<1x128xf32, #tpu.memory_space<vmem>>
      %dma_start3A_69 = tpu.memref_squeeze %dma_start3A_68 : memref<1x128xf32, #tpu.memory_space<vmem>> -> memref<128xf32, #tpu.memory_space<vmem>>
      %dma_start3A_70 = arith.constant 0 : i32
      %dma_start3A_71 = tpu.memref_slice %arg6[%dma_start3A_65, %dma_start3A_70] : memref<8x128xi32, #tpu.memory_space<vmem>> -> memref<1x128xi32, #tpu.memory_space<vmem>>
      %dma_start3A_72 = tpu.memref_squeeze %dma_start3A_71 : memref<1x128xi32, #tpu.memory_space<vmem>> -> memref<128xi32, #tpu.memory_space<vmem>>
      %dma_start3A_73 = arith.constant 0 : i32
      %dma_start3A_74 = tpu.memref_slice %arg4[%dma_start3A_73] : memref<100352xf32, #tpu.memory_space<hbm>> -> memref<100352xf32, #tpu.memory_space<hbm>>
      tpu.enqueue_indirect_dma source(%dma_start3A_74 : memref<100352xf32, #tpu.memory_space<hbm>>) target(%dma_start3A_69 : memref<128xf32, #tpu.memory_space<vmem>>) offsets(%dma_start3A_72 : memref<128xi32, #tpu.memory_space<vmem>>) semaphore(%arg11 : memref<!tpu.dma_semaphore, #tpu.memory_space<semaphore_mem>>)
      %dma_start3A_75 = arith.constant 5 : i32
      %dma_start3A_76 = arith.constant 5 : i32
      %dma_start3A_77 = arith.constant 0 : i32
      %dma_start3A_78 = tpu.memref_slice %arg8[%dma_start3A_76, %dma_start3A_77] : memref<8x128xf32, #tpu.memory_space<vmem>> -> memref<1x128xf32, #tpu.memory_space<vmem>>
      %dma_start3A_79 = tpu.memref_squeeze %dma_start3A_78 : memref<1x128xf32, #tpu.memory_space<vmem>> -> memref<128xf32, #tpu.memory_space<vmem>>
      %dma_start3A_80 = arith.constant 0 : i32
      %dma_start3A_81 = tpu.memref_slice %arg6[%dma_start3A_75, %dma_start3A_80] : memref<8x128xi32, #tpu.memory_space<vmem>> -> memref<1x128xi32, #tpu.memory_space<vmem>>
      %dma_start3A_82 = tpu.memref_squeeze %dma_start3A_81 : memref<1x128xi32, #tpu.memory_space<vmem>> -> memref<128xi32, #tpu.memory_space<vmem>>
      %dma_start3A_83 = arith.constant 0 : i32
      %dma_start3A_84 = tpu.memref_slice %arg4[%dma_start3A_83] : memref<100352xf32, #tpu.memory_space<hbm>> -> memref<100352xf32, #tpu.memory_space<hbm>>
      tpu.enqueue_indirect_dma source(%dma_start3A_84 : memref<100352xf32, #tpu.memory_space<hbm>>) target(%dma_start3A_79 : memref<128xf32, #tpu.memory_space<vmem>>) offsets(%dma_start3A_82 : memref<128xi32, #tpu.memory_space<vmem>>) semaphore(%arg11 : memref<!tpu.dma_semaphore, #tpu.memory_space<semaphore_mem>>)
      %dma_start3A_85 = arith.constant 6 : i32
      %dma_start3A_86 = arith.constant 6 : i32
      %dma_start3A_87 = arith.constant 0 : i32
      %dma_start3A_88 = tpu.memref_slice %arg8[%dma_start3A_86, %dma_start3A_87] : memref<8x128xf32, #tpu.memory_space<vmem>> -> memref<1x128xf32, #tpu.memory_space<vmem>>
      %dma_start3A_89 = tpu.memref_squeeze %dma_start3A_88 : memref<1x128xf32, #tpu.memory_space<vmem>> -> memref<128xf32, #tpu.memory_space<vmem>>
      %dma_start3A_90 = arith.constant 0 : i32
      %dma_start3A_91 = tpu.memref_slice %arg6[%dma_start3A_85, %dma_start3A_90] : memref<8x128xi32, #tpu.memory_space<vmem>> -> memref<1x128xi32, #tpu.memory_space<vmem>>
      %dma_start3A_92 = tpu.memref_squeeze %dma_start3A_91 : memref<1x128xi32, #tpu.memory_space<vmem>> -> memref<128xi32, #tpu.memory_space<vmem>>
      %dma_start3A_93 = arith.constant 0 : i32
      %dma_start3A_94 = tpu.memref_slice %arg4[%dma_start3A_93] : memref<100352xf32, #tpu.memory_space<hbm>> -> memref<100352xf32, #tpu.memory_space<hbm>>
      tpu.enqueue_indirect_dma source(%dma_start3A_94 : memref<100352xf32, #tpu.memory_space<hbm>>) target(%dma_start3A_89 : memref<128xf32, #tpu.memory_space<vmem>>) offsets(%dma_start3A_92 : memref<128xi32, #tpu.memory_space<vmem>>) semaphore(%arg11 : memref<!tpu.dma_semaphore, #tpu.memory_space<semaphore_mem>>)
      %dma_start3A_95 = arith.constant 7 : i32
      %dma_start3A_96 = arith.constant 7 : i32
      %dma_start3A_97 = arith.constant 0 : i32
      %dma_start3A_98 = tpu.memref_slice %arg8[%dma_start3A_96, %dma_start3A_97] : memref<8x128xf32, #tpu.memory_space<vmem>> -> memref<1x128xf32, #tpu.memory_space<vmem>>
      %dma_start3A_99 = tpu.memref_squeeze %dma_start3A_98 : memref<1x128xf32, #tpu.memory_space<vmem>> -> memref<128xf32, #tpu.memory_space<vmem>>
      %dma_start3A_100 = arith.constant 0 : i32
      %dma_start3A_101 = tpu.memref_slice %arg6[%dma_start3A_95, %dma_start3A_100] : memref<8x128xi32, #tpu.memory_space<vmem>> -> memref<1x128xi32, #tpu.memory_space<vmem>>
      %dma_start3A_102 = tpu.memref_squeeze %dma_start3A_101 : memref<1x128xi32, #tpu.memory_space<vmem>> -> memref<128xi32, #tpu.memory_space<vmem>>
      %dma_start3A_103 = arith.constant 0 : i32
      %dma_start3A_104 = tpu.memref_slice %arg4[%dma_start3A_103] : memref<100352xf32, #tpu.memory_space<hbm>> -> memref<100352xf32, #tpu.memory_space<hbm>>
      tpu.enqueue_indirect_dma source(%dma_start3A_104 : memref<100352xf32, #tpu.memory_space<hbm>>) target(%dma_start3A_99 : memref<128xf32, #tpu.memory_space<vmem>>) offsets(%dma_start3A_102 : memref<128xi32, #tpu.memory_space<vmem>>) semaphore(%arg11 : memref<!tpu.dma_semaphore, #tpu.memory_space<semaphore_mem>>)
      %dma_wait3A = arith.constant 0 : i32
      %dma_wait3A_105 = arith.constant 0 : i32
      %dma_wait3A_106 = arith.constant 0 : i32
      %dma_wait3A_107 = tpu.memref_slice %arg8[%dma_wait3A_105, %dma_wait3A_106] : memref<8x128xf32, #tpu.memory_space<vmem>> -> memref<1x128xf32, #tpu.memory_space<vmem>>
      %dma_wait3A_108 = tpu.memref_squeeze %dma_wait3A_107 : memref<1x128xf32, #tpu.memory_space<vmem>> -> memref<128xf32, #tpu.memory_space<vmem>>
      %dma_wait3A_109 = arith.constant 0 : i32
      %dma_wait3A_110 = tpu.memref_slice %arg6[%dma_wait3A, %dma_wait3A_109] : memref<8x128xi32, #tpu.memory_space<vmem>> -> memref<1x128xi32, #tpu.memory_space<vmem>>
      %dma_wait3A_111 = tpu.memref_squeeze %dma_wait3A_110 : memref<1x128xi32, #tpu.memory_space<vmem>> -> memref<128xi32, #tpu.memory_space<vmem>>
      %dma_wait3A_112 = arith.constant 0 : i32
      %dma_wait3A_113 = tpu.memref_slice %arg4[%dma_wait3A_112] : memref<100352xf32, #tpu.memory_space<hbm>> -> memref<100352xf32, #tpu.memory_space<hbm>>
      tpu.wait_indirect_dma semaphore(%arg11 : memref<!tpu.dma_semaphore, #tpu.memory_space<semaphore_mem>>) src(%dma_wait3A_113 : memref<100352xf32, #tpu.memory_space<hbm>>) dst(%dma_wait3A_108 : memref<128xf32, #tpu.memory_space<vmem>>)
      %dma_wait3A_114 = arith.constant 1 : i32
      %dma_wait3A_115 = arith.constant 1 : i32
      %dma_wait3A_116 = arith.constant 0 : i32
      %dma_wait3A_117 = tpu.memref_slice %arg8[%dma_wait3A_115, %dma_wait3A_116] : memref<8x128xf32, #tpu.memory_space<vmem>> -> memref<1x128xf32, #tpu.memory_space<vmem>>
      %dma_wait3A_118 = tpu.memref_squeeze %dma_wait3A_117 : memref<1x128xf32, #tpu.memory_space<vmem>> -> memref<128xf32, #tpu.memory_space<vmem>>
      %dma_wait3A_119 = arith.constant 0 : i32
      %dma_wait3A_120 = tpu.memref_slice %arg6[%dma_wait3A_114, %dma_wait3A_119] : memref<8x128xi32, #tpu.memory_space<vmem>> -> memref<1x128xi32, #tpu.memory_space<vmem>>
      %dma_wait3A_121 = tpu.memref_squeeze %dma_wait3A_120 : memref<1x128xi32, #tpu.memory_space<vmem>> -> memref<128xi32, #tpu.memory_space<vmem>>
      %dma_wait3A_122 = arith.constant 0 : i32
      %dma_wait3A_123 = tpu.memref_slice %arg4[%dma_wait3A_122] : memref<100352xf32, #tpu.memory_space<hbm>> -> memref<100352xf32, #tpu.memory_space<hbm>>
      tpu.wait_indirect_dma semaphore(%arg11 : memref<!tpu.dma_semaphore, #tpu.memory_space<semaphore_mem>>) src(%dma_wait3A_123 : memref<100352xf32, #tpu.memory_space<hbm>>) dst(%dma_wait3A_118 : memref<128xf32, #tpu.memory_space<vmem>>)
      %dma_wait3A_124 = arith.constant 2 : i32
      %dma_wait3A_125 = arith.constant 2 : i32
      %dma_wait3A_126 = arith.constant 0 : i32
      %dma_wait3A_127 = tpu.memref_slice %arg8[%dma_wait3A_125, %dma_wait3A_126] : memref<8x128xf32, #tpu.memory_space<vmem>> -> memref<1x128xf32, #tpu.memory_space<vmem>>
      %dma_wait3A_128 = tpu.memref_squeeze %dma_wait3A_127 : memref<1x128xf32, #tpu.memory_space<vmem>> -> memref<128xf32, #tpu.memory_space<vmem>>
      %dma_wait3A_129 = arith.constant 0 : i32
      %dma_wait3A_130 = tpu.memref_slice %arg6[%dma_wait3A_124, %dma_wait3A_129] : memref<8x128xi32, #tpu.memory_space<vmem>> -> memref<1x128xi32, #tpu.memory_space<vmem>>
      %dma_wait3A_131 = tpu.memref_squeeze %dma_wait3A_130 : memref<1x128xi32, #tpu.memory_space<vmem>> -> memref<128xi32, #tpu.memory_space<vmem>>
      %dma_wait3A_132 = arith.constant 0 : i32
      %dma_wait3A_133 = tpu.memref_slice %arg4[%dma_wait3A_132] : memref<100352xf32, #tpu.memory_space<hbm>> -> memref<100352xf32, #tpu.memory_space<hbm>>
      tpu.wait_indirect_dma semaphore(%arg11 : memref<!tpu.dma_semaphore, #tpu.memory_space<semaphore_mem>>) src(%dma_wait3A_133 : memref<100352xf32, #tpu.memory_space<hbm>>) dst(%dma_wait3A_128 : memref<128xf32, #tpu.memory_space<vmem>>)
      %dma_wait3A_134 = arith.constant 3 : i32
      %dma_wait3A_135 = arith.constant 3 : i32
      %dma_wait3A_136 = arith.constant 0 : i32
      %dma_wait3A_137 = tpu.memref_slice %arg8[%dma_wait3A_135, %dma_wait3A_136] : memref<8x128xf32, #tpu.memory_space<vmem>> -> memref<1x128xf32, #tpu.memory_space<vmem>>
      %dma_wait3A_138 = tpu.memref_squeeze %dma_wait3A_137 : memref<1x128xf32, #tpu.memory_space<vmem>> -> memref<128xf32, #tpu.memory_space<vmem>>
      %dma_wait3A_139 = arith.constant 0 : i32
      %dma_wait3A_140 = tpu.memref_slice %arg6[%dma_wait3A_134, %dma_wait3A_139] : memref<8x128xi32, #tpu.memory_space<vmem>> -> memref<1x128xi32, #tpu.memory_space<vmem>>
      %dma_wait3A_141 = tpu.memref_squeeze %dma_wait3A_140 : memref<1x128xi32, #tpu.memory_space<vmem>> -> memref<128xi32, #tpu.memory_space<vmem>>
      %dma_wait3A_142 = arith.constant 0 : i32
      %dma_wait3A_143 = tpu.memref_slice %arg4[%dma_wait3A_142] : memref<100352xf32, #tpu.memory_space<hbm>> -> memref<100352xf32, #tpu.memory_space<hbm>>
      tpu.wait_indirect_dma semaphore(%arg11 : memref<!tpu.dma_semaphore, #tpu.memory_space<semaphore_mem>>) src(%dma_wait3A_143 : memref<100352xf32, #tpu.memory_space<hbm>>) dst(%dma_wait3A_138 : memref<128xf32, #tpu.memory_space<vmem>>)
      %dma_wait3A_144 = arith.constant 4 : i32
      %dma_wait3A_145 = arith.constant 4 : i32
      %dma_wait3A_146 = arith.constant 0 : i32
      %dma_wait3A_147 = tpu.memref_slice %arg8[%dma_wait3A_145, %dma_wait3A_146] : memref<8x128xf32, #tpu.memory_space<vmem>> -> memref<1x128xf32, #tpu.memory_space<vmem>>
      %dma_wait3A_148 = tpu.memref_squeeze %dma_wait3A_147 : memref<1x128xf32, #tpu.memory_space<vmem>> -> memref<128xf32, #tpu.memory_space<vmem>>
      %dma_wait3A_149 = arith.constant 0 : i32
      %dma_wait3A_150 = tpu.memref_slice %arg6[%dma_wait3A_144, %dma_wait3A_149] : memref<8x128xi32, #tpu.memory_space<vmem>> -> memref<1x128xi32, #tpu.memory_space<vmem>>
      %dma_wait3A_151 = tpu.memref_squeeze %dma_wait3A_150 : memref<1x128xi32, #tpu.memory_space<vmem>> -> memref<128xi32, #tpu.memory_space<vmem>>
      %dma_wait3A_152 = arith.constant 0 : i32
      %dma_wait3A_153 = tpu.memref_slice %arg4[%dma_wait3A_152] : memref<100352xf32, #tpu.memory_space<hbm>> -> memref<100352xf32, #tpu.memory_space<hbm>>
      tpu.wait_indirect_dma semaphore(%arg11 : memref<!tpu.dma_semaphore, #tpu.memory_space<semaphore_mem>>) src(%dma_wait3A_153 : memref<100352xf32, #tpu.memory_space<hbm>>) dst(%dma_wait3A_148 : memref<128xf32, #tpu.memory_space<vmem>>)
      %dma_wait3A_154 = arith.constant 5 : i32
      %dma_wait3A_155 = arith.constant 5 : i32
      %dma_wait3A_156 = arith.constant 0 : i32
      %dma_wait3A_157 = tpu.memref_slice %arg8[%dma_wait3A_155, %dma_wait3A_156] : memref<8x128xf32, #tpu.memory_space<vmem>> -> memref<1x128xf32, #tpu.memory_space<vmem>>
      %dma_wait3A_158 = tpu.memref_squeeze %dma_wait3A_157 : memref<1x128xf32, #tpu.memory_space<vmem>> -> memref<128xf32, #tpu.memory_space<vmem>>
      %dma_wait3A_159 = arith.constant 0 : i32
      %dma_wait3A_160 = tpu.memref_slice %arg6[%dma_wait3A_154, %dma_wait3A_159] : memref<8x128xi32, #tpu.memory_space<vmem>> -> memref<1x128xi32, #tpu.memory_space<vmem>>
      %dma_wait3A_161 = tpu.memref_squeeze %dma_wait3A_160 : memref<1x128xi32, #tpu.memory_space<vmem>> -> memref<128xi32, #tpu.memory_space<vmem>>
      %dma_wait3A_162 = arith.constant 0 : i32
      %dma_wait3A_163 = tpu.memref_slice %arg4[%dma_wait3A_162] : memref<100352xf32, #tpu.memory_space<hbm>> -> memref<100352xf32, #tpu.memory_space<hbm>>
      tpu.wait_indirect_dma semaphore(%arg11 : memref<!tpu.dma_semaphore, #tpu.memory_space<semaphore_mem>>) src(%dma_wait3A_163 : memref<100352xf32, #tpu.memory_space<hbm>>) dst(%dma_wait3A_158 : memref<128xf32, #tpu.memory_space<vmem>>)
      %dma_wait3A_164 = arith.constant 6 : i32
      %dma_wait3A_165 = arith.constant 6 : i32
      %dma_wait3A_166 = arith.constant 0 : i32
      %dma_wait3A_167 = tpu.memref_slice %arg8[%dma_wait3A_165, %dma_wait3A_166] : memref<8x128xf32, #tpu.memory_space<vmem>> -> memref<1x128xf32, #tpu.memory_space<vmem>>
      %dma_wait3A_168 = tpu.memref_squeeze %dma_wait3A_167 : memref<1x128xf32, #tpu.memory_space<vmem>> -> memref<128xf32, #tpu.memory_space<vmem>>
      %dma_wait3A_169 = arith.constant 0 : i32
      %dma_wait3A_170 = tpu.memref_slice %arg6[%dma_wait3A_164, %dma_wait3A_169] : memref<8x128xi32, #tpu.memory_space<vmem>> -> memref<1x128xi32, #tpu.memory_space<vmem>>
      %dma_wait3A_171 = tpu.memref_squeeze %dma_wait3A_170 : memref<1x128xi32, #tpu.memory_space<vmem>> -> memref<128xi32, #tpu.memory_space<vmem>>
      %dma_wait3A_172 = arith.constant 0 : i32
      %dma_wait3A_173 = tpu.memref_slice %arg4[%dma_wait3A_172] : memref<100352xf32, #tpu.memory_space<hbm>> -> memref<100352xf32, #tpu.memory_space<hbm>>
      tpu.wait_indirect_dma semaphore(%arg11 : memref<!tpu.dma_semaphore, #tpu.memory_space<semaphore_mem>>) src(%dma_wait3A_173 : memref<100352xf32, #tpu.memory_space<hbm>>) dst(%dma_wait3A_168 : memref<128xf32, #tpu.memory_space<vmem>>)
      %dma_wait3A_174 = arith.constant 7 : i32
      %dma_wait3A_175 = arith.constant 7 : i32
      %dma_wait3A_176 = arith.constant 0 : i32
      %dma_wait3A_177 = tpu.memref_slice %arg8[%dma_wait3A_175, %dma_wait3A_176] : memref<8x128xf32, #tpu.memory_space<vmem>> -> memref<1x128xf32, #tpu.memory_space<vmem>>
      %dma_wait3A_178 = tpu.memref_squeeze %dma_wait3A_177 : memref<1x128xf32, #tpu.memory_space<vmem>> -> memref<128xf32, #tpu.memory_space<vmem>>
      %dma_wait3A_179 = arith.constant 0 : i32
      %dma_wait3A_180 = tpu.memref_slice %arg6[%dma_wait3A_174, %dma_wait3A_179] : memref<8x128xi32, #tpu.memory_space<vmem>> -> memref<1x128xi32, #tpu.memory_space<vmem>>
      %dma_wait3A_181 = tpu.memref_squeeze %dma_wait3A_180 : memref<1x128xi32, #tpu.memory_space<vmem>> -> memref<128xi32, #tpu.memory_space<vmem>>
      %dma_wait3A_182 = arith.constant 0 : i32
      %dma_wait3A_183 = tpu.memref_slice %arg4[%dma_wait3A_182] : memref<100352xf32, #tpu.memory_space<hbm>> -> memref<100352xf32, #tpu.memory_space<hbm>>
      tpu.wait_indirect_dma semaphore(%arg11 : memref<!tpu.dma_semaphore, #tpu.memory_space<semaphore_mem>>) src(%dma_wait3A_183 : memref<100352xf32, #tpu.memory_space<hbm>>) dst(%dma_wait3A_178 : memref<128xf32, #tpu.memory_space<vmem>>)
      %run_scoped3A = arith.constant 0 : i32
      %run_scoped3A_184 = arith.constant 0 : i32
      "tpu.region"() ({
        %run_scoped3A_199 = tpu.sem_alloc : memref<!tpu.dma_semaphore, #tpu.memory_space<semaphore_mem>>
        %dma_start3A_200 = arith.constant 0 : i32
        %dma_start3A_201 = tpu.memref_slice %arg8[%run_scoped3A, %dma_start3A_200] : memref<8x128xf32, #tpu.memory_space<vmem>> -> memref<1x128xf32, #tpu.memory_space<vmem>>
        %dma_start3A_202 = tpu.memref_squeeze %dma_start3A_201 : memref<1x128xf32, #tpu.memory_space<vmem>> -> memref<128xf32, #tpu.memory_space<vmem>>
        %dma_start3A_203 = arith.constant 0 : i32
        %dma_start3A_204 = tpu.memref_slice %arg7[%run_scoped3A_184, %dma_start3A_203] : memref<8x128xi32, #tpu.memory_space<vmem>> -> memref<1x128xi32, #tpu.memory_space<vmem>>
        %dma_start3A_205 = tpu.memref_squeeze %dma_start3A_204 : memref<1x128xi32, #tpu.memory_space<vmem>> -> memref<128xi32, #tpu.memory_space<vmem>>
        %dma_start3A_206 = arith.constant 0 : i32
        %dma_start3A_207 = tpu.memref_slice %arg10[%dma_start3A_206] : memref<100352xf32, #tpu.memory_space<vmem_shared>> -> memref<100352xf32, #tpu.memory_space<vmem_shared>>
        tpu.enqueue_indirect_dma source(%dma_start3A_202 : memref<128xf32, #tpu.memory_space<vmem>>) target(%dma_start3A_207 : memref<100352xf32, #tpu.memory_space<vmem_shared>>) offsets(%dma_start3A_205 : memref<128xi32, #tpu.memory_space<vmem>>) semaphore(%run_scoped3A_199 : memref<!tpu.dma_semaphore, #tpu.memory_space<semaphore_mem>>) {add = true}
        %dma_wait3A_208 = arith.constant 0 : i32
        %dma_wait3A_209 = tpu.memref_slice %arg8[%run_scoped3A, %dma_wait3A_208] : memref<8x128xf32, #tpu.memory_space<vmem>> -> memref<1x128xf32, #tpu.memory_space<vmem>>
        %dma_wait3A_210 = tpu.memref_squeeze %dma_wait3A_209 : memref<1x128xf32, #tpu.memory_space<vmem>> -> memref<128xf32, #tpu.memory_space<vmem>>
        %dma_wait3A_211 = arith.constant 0 : i32
        %dma_wait3A_212 = tpu.memref_slice %arg7[%run_scoped3A_184, %dma_wait3A_211] : memref<8x128xi32, #tpu.memory_space<vmem>> -> memref<1x128xi32, #tpu.memory_space<vmem>>
        %dma_wait3A_213 = tpu.memref_squeeze %dma_wait3A_212 : memref<1x128xi32, #tpu.memory_space<vmem>> -> memref<128xi32, #tpu.memory_space<vmem>>
        %dma_wait3A_214 = arith.constant 0 : i32
        %dma_wait3A_215 = tpu.memref_slice %arg10[%dma_wait3A_214] : memref<100352xf32, #tpu.memory_space<vmem_shared>> -> memref<100352xf32, #tpu.memory_space<vmem_shared>>
        tpu.wait_indirect_dma semaphore(%run_scoped3A_199 : memref<!tpu.dma_semaphore, #tpu.memory_space<semaphore_mem>>) src(%dma_wait3A_210 : memref<128xf32, #tpu.memory_space<vmem>>) dst(%dma_wait3A_215 : memref<100352xf32, #tpu.memory_space<vmem_shared>>)
        tpu.yield
      }) : () -> ()
      %run_scoped3A_185 = arith.constant 1 : i32
      %run_scoped3A_186 = arith.constant 1 : i32
      "tpu.region"() ({
        %run_scoped3A_199 = tpu.sem_alloc : memref<!tpu.dma_semaphore, #tpu.memory_space<semaphore_mem>>
        %dma_start3A_200 = arith.constant 0 : i32
        %dma_start3A_201 = tpu.memref_slice %arg8[%run_scoped3A_185, %dma_start3A_200] : memref<8x128xf32, #tpu.memory_space<vmem>> -> memref<1x128xf32, #tpu.memory_space<vmem>>
        %dma_start3A_202 = tpu.memref_squeeze %dma_start3A_201 : memref<1x128xf32, #tpu.memory_space<vmem>> -> memref<128xf32, #tpu.memory_space<vmem>>
        %dma_start3A_203 = arith.constant 0 : i32
        %dma_start3A_204 = tpu.memref_slice %arg7[%run_scoped3A_186, %dma_start3A_203] : memref<8x128xi32, #tpu.memory_space<vmem>> -> memref<1x128xi32, #tpu.memory_space<vmem>>
        %dma_start3A_205 = tpu.memref_squeeze %dma_start3A_204 : memref<1x128xi32, #tpu.memory_space<vmem>> -> memref<128xi32, #tpu.memory_space<vmem>>
        %dma_start3A_206 = arith.constant 0 : i32
        %dma_start3A_207 = tpu.memref_slice %arg10[%dma_start3A_206] : memref<100352xf32, #tpu.memory_space<vmem_shared>> -> memref<100352xf32, #tpu.memory_space<vmem_shared>>
        tpu.enqueue_indirect_dma source(%dma_start3A_202 : memref<128xf32, #tpu.memory_space<vmem>>) target(%dma_start3A_207 : memref<100352xf32, #tpu.memory_space<vmem_shared>>) offsets(%dma_start3A_205 : memref<128xi32, #tpu.memory_space<vmem>>) semaphore(%run_scoped3A_199 : memref<!tpu.dma_semaphore, #tpu.memory_space<semaphore_mem>>) {add = true}
        %dma_wait3A_208 = arith.constant 0 : i32
        %dma_wait3A_209 = tpu.memref_slice %arg8[%run_scoped3A_185, %dma_wait3A_208] : memref<8x128xf32, #tpu.memory_space<vmem>> -> memref<1x128xf32, #tpu.memory_space<vmem>>
        %dma_wait3A_210 = tpu.memref_squeeze %dma_wait3A_209 : memref<1x128xf32, #tpu.memory_space<vmem>> -> memref<128xf32, #tpu.memory_space<vmem>>
        %dma_wait3A_211 = arith.constant 0 : i32
        %dma_wait3A_212 = tpu.memref_slice %arg7[%run_scoped3A_186, %dma_wait3A_211] : memref<8x128xi32, #tpu.memory_space<vmem>> -> memref<1x128xi32, #tpu.memory_space<vmem>>
        %dma_wait3A_213 = tpu.memref_squeeze %dma_wait3A_212 : memref<1x128xi32, #tpu.memory_space<vmem>> -> memref<128xi32, #tpu.memory_space<vmem>>
        %dma_wait3A_214 = arith.constant 0 : i32
        %dma_wait3A_215 = tpu.memref_slice %arg10[%dma_wait3A_214] : memref<100352xf32, #tpu.memory_space<vmem_shared>> -> memref<100352xf32, #tpu.memory_space<vmem_shared>>
        tpu.wait_indirect_dma semaphore(%run_scoped3A_199 : memref<!tpu.dma_semaphore, #tpu.memory_space<semaphore_mem>>) src(%dma_wait3A_210 : memref<128xf32, #tpu.memory_space<vmem>>) dst(%dma_wait3A_215 : memref<100352xf32, #tpu.memory_space<vmem_shared>>)
        tpu.yield
      }) : () -> ()
      %run_scoped3A_187 = arith.constant 2 : i32
      %run_scoped3A_188 = arith.constant 2 : i32
      "tpu.region"() ({
        %run_scoped3A_199 = tpu.sem_alloc : memref<!tpu.dma_semaphore, #tpu.memory_space<semaphore_mem>>
        %dma_start3A_200 = arith.constant 0 : i32
        %dma_start3A_201 = tpu.memref_slice %arg8[%run_scoped3A_187, %dma_start3A_200] : memref<8x128xf32, #tpu.memory_space<vmem>> -> memref<1x128xf32, #tpu.memory_space<vmem>>
        %dma_start3A_202 = tpu.memref_squeeze %dma_start3A_201 : memref<1x128xf32, #tpu.memory_space<vmem>> -> memref<128xf32, #tpu.memory_space<vmem>>
        %dma_start3A_203 = arith.constant 0 : i32
        %dma_start3A_204 = tpu.memref_slice %arg7[%run_scoped3A_188, %dma_start3A_203] : memref<8x128xi32, #tpu.memory_space<vmem>> -> memref<1x128xi32, #tpu.memory_space<vmem>>
        %dma_start3A_205 = tpu.memref_squeeze %dma_start3A_204 : memref<1x128xi32, #tpu.memory_space<vmem>> -> memref<128xi32, #tpu.memory_space<vmem>>
        %dma_start3A_206 = arith.constant 0 : i32
        %dma_start3A_207 = tpu.memref_slice %arg10[%dma_start3A_206] : memref<100352xf32, #tpu.memory_space<vmem_shared>> -> memref<100352xf32, #tpu.memory_space<vmem_shared>>
        tpu.enqueue_indirect_dma source(%dma_start3A_202 : memref<128xf32, #tpu.memory_space<vmem>>) target(%dma_start3A_207 : memref<100352xf32, #tpu.memory_space<vmem_shared>>) offsets(%dma_start3A_205 : memref<128xi32, #tpu.memory_space<vmem>>) semaphore(%run_scoped3A_199 : memref<!tpu.dma_semaphore, #tpu.memory_space<semaphore_mem>>) {add = true}
        %dma_wait3A_208 = arith.constant 0 : i32
        %dma_wait3A_209 = tpu.memref_slice %arg8[%run_scoped3A_187, %dma_wait3A_208] : memref<8x128xf32, #tpu.memory_space<vmem>> -> memref<1x128xf32, #tpu.memory_space<vmem>>
        %dma_wait3A_210 = tpu.memref_squeeze %dma_wait3A_209 : memref<1x128xf32, #tpu.memory_space<vmem>> -> memref<128xf32, #tpu.memory_space<vmem>>
        %dma_wait3A_211 = arith.constant 0 : i32
        %dma_wait3A_212 = tpu.memref_slice %arg7[%run_scoped3A_188, %dma_wait3A_211] : memref<8x128xi32, #tpu.memory_space<vmem>> -> memref<1x128xi32, #tpu.memory_space<vmem>>
        %dma_wait3A_213 = tpu.memref_squeeze %dma_wait3A_212 : memref<1x128xi32, #tpu.memory_space<vmem>> -> memref<128xi32, #tpu.memory_space<vmem>>
        %dma_wait3A_214 = arith.constant 0 : i32
        %dma_wait3A_215 = tpu.memref_slice %arg10[%dma_wait3A_214] : memref<100352xf32, #tpu.memory_space<vmem_shared>> -> memref<100352xf32, #tpu.memory_space<vmem_shared>>
        tpu.wait_indirect_dma semaphore(%run_scoped3A_199 : memref<!tpu.dma_semaphore, #tpu.memory_space<semaphore_mem>>) src(%dma_wait3A_210 : memref<128xf32, #tpu.memory_space<vmem>>) dst(%dma_wait3A_215 : memref<100352xf32, #tpu.memory_space<vmem_shared>>)
        tpu.yield
      }) : () -> ()
      %run_scoped3A_189 = arith.constant 3 : i32
      %run_scoped3A_190 = arith.constant 3 : i32
      "tpu.region"() ({
        %run_scoped3A_199 = tpu.sem_alloc : memref<!tpu.dma_semaphore, #tpu.memory_space<semaphore_mem>>
        %dma_start3A_200 = arith.constant 0 : i32
        %dma_start3A_201 = tpu.memref_slice %arg8[%run_scoped3A_189, %dma_start3A_200] : memref<8x128xf32, #tpu.memory_space<vmem>> -> memref<1x128xf32, #tpu.memory_space<vmem>>
        %dma_start3A_202 = tpu.memref_squeeze %dma_start3A_201 : memref<1x128xf32, #tpu.memory_space<vmem>> -> memref<128xf32, #tpu.memory_space<vmem>>
        %dma_start3A_203 = arith.constant 0 : i32
        %dma_start3A_204 = tpu.memref_slice %arg7[%run_scoped3A_190, %dma_start3A_203] : memref<8x128xi32, #tpu.memory_space<vmem>> -> memref<1x128xi32, #tpu.memory_space<vmem>>
        %dma_start3A_205 = tpu.memref_squeeze %dma_start3A_204 : memref<1x128xi32, #tpu.memory_space<vmem>> -> memref<128xi32, #tpu.memory_space<vmem>>
        %dma_start3A_206 = arith.constant 0 : i32
        %dma_start3A_207 = tpu.memref_slice %arg10[%dma_start3A_206] : memref<100352xf32, #tpu.memory_space<vmem_shared>> -> memref<100352xf32, #tpu.memory_space<vmem_shared>>
        tpu.enqueue_indirect_dma source(%dma_start3A_202 : memref<128xf32, #tpu.memory_space<vmem>>) target(%dma_start3A_207 : memref<100352xf32, #tpu.memory_space<vmem_shared>>) offsets(%dma_start3A_205 : memref<128xi32, #tpu.memory_space<vmem>>) semaphore(%run_scoped3A_199 : memref<!tpu.dma_semaphore, #tpu.memory_space<semaphore_mem>>) {add = true}
        %dma_wait3A_208 = arith.constant 0 : i32
        %dma_wait3A_209 = tpu.memref_slice %arg8[%run_scoped3A_189, %dma_wait3A_208] : memref<8x128xf32, #tpu.memory_space<vmem>> -> memref<1x128xf32, #tpu.memory_space<vmem>>
        %dma_wait3A_210 = tpu.memref_squeeze %dma_wait3A_209 : memref<1x128xf32, #tpu.memory_space<vmem>> -> memref<128xf32, #tpu.memory_space<vmem>>
        %dma_wait3A_211 = arith.constant 0 : i32
        %dma_wait3A_212 = tpu.memref_slice %arg7[%run_scoped3A_190, %dma_wait3A_211] : memref<8x128xi32, #tpu.memory_space<vmem>> -> memref<1x128xi32, #tpu.memory_space<vmem>>
        %dma_wait3A_213 = tpu.memref_squeeze %dma_wait3A_212 : memref<1x128xi32, #tpu.memory_space<vmem>> -> memref<128xi32, #tpu.memory_space<vmem>>
        %dma_wait3A_214 = arith.constant 0 : i32
        %dma_wait3A_215 = tpu.memref_slice %arg10[%dma_wait3A_214] : memref<100352xf32, #tpu.memory_space<vmem_shared>> -> memref<100352xf32, #tpu.memory_space<vmem_shared>>
        tpu.wait_indirect_dma semaphore(%run_scoped3A_199 : memref<!tpu.dma_semaphore, #tpu.memory_space<semaphore_mem>>) src(%dma_wait3A_210 : memref<128xf32, #tpu.memory_space<vmem>>) dst(%dma_wait3A_215 : memref<100352xf32, #tpu.memory_space<vmem_shared>>)
        tpu.yield
      }) : () -> ()
      %run_scoped3A_191 = arith.constant 4 : i32
      %run_scoped3A_192 = arith.constant 4 : i32
      "tpu.region"() ({
        %run_scoped3A_199 = tpu.sem_alloc : memref<!tpu.dma_semaphore, #tpu.memory_space<semaphore_mem>>
        %dma_start3A_200 = arith.constant 0 : i32
        %dma_start3A_201 = tpu.memref_slice %arg8[%run_scoped3A_191, %dma_start3A_200] : memref<8x128xf32, #tpu.memory_space<vmem>> -> memref<1x128xf32, #tpu.memory_space<vmem>>
        %dma_start3A_202 = tpu.memref_squeeze %dma_start3A_201 : memref<1x128xf32, #tpu.memory_space<vmem>> -> memref<128xf32, #tpu.memory_space<vmem>>
        %dma_start3A_203 = arith.constant 0 : i32
        %dma_start3A_204 = tpu.memref_slice %arg7[%run_scoped3A_192, %dma_start3A_203] : memref<8x128xi32, #tpu.memory_space<vmem>> -> memref<1x128xi32, #tpu.memory_space<vmem>>
        %dma_start3A_205 = tpu.memref_squeeze %dma_start3A_204 : memref<1x128xi32, #tpu.memory_space<vmem>> -> memref<128xi32, #tpu.memory_space<vmem>>
        %dma_start3A_206 = arith.constant 0 : i32
        %dma_start3A_207 = tpu.memref_slice %arg10[%dma_start3A_206] : memref<100352xf32, #tpu.memory_space<vmem_shared>> -> memref<100352xf32, #tpu.memory_space<vmem_shared>>
        tpu.enqueue_indirect_dma source(%dma_start3A_202 : memref<128xf32, #tpu.memory_space<vmem>>) target(%dma_start3A_207 : memref<100352xf32, #tpu.memory_space<vmem_shared>>) offsets(%dma_start3A_205 : memref<128xi32, #tpu.memory_space<vmem>>) semaphore(%run_scoped3A_199 : memref<!tpu.dma_semaphore, #tpu.memory_space<semaphore_mem>>) {add = true}
        %dma_wait3A_208 = arith.constant 0 : i32
        %dma_wait3A_209 = tpu.memref_slice %arg8[%run_scoped3A_191, %dma_wait3A_208] : memref<8x128xf32, #tpu.memory_space<vmem>> -> memref<1x128xf32, #tpu.memory_space<vmem>>
        %dma_wait3A_210 = tpu.memref_squeeze %dma_wait3A_209 : memref<1x128xf32, #tpu.memory_space<vmem>> -> memref<128xf32, #tpu.memory_space<vmem>>
        %dma_wait3A_211 = arith.constant 0 : i32
        %dma_wait3A_212 = tpu.memref_slice %arg7[%run_scoped3A_192, %dma_wait3A_211] : memref<8x128xi32, #tpu.memory_space<vmem>> -> memref<1x128xi32, #tpu.memory_space<vmem>>
        %dma_wait3A_213 = tpu.memref_squeeze %dma_wait3A_212 : memref<1x128xi32, #tpu.memory_space<vmem>> -> memref<128xi32, #tpu.memory_space<vmem>>
        %dma_wait3A_214 = arith.constant 0 : i32
        %dma_wait3A_215 = tpu.memref_slice %arg10[%dma_wait3A_214] : memref<100352xf32, #tpu.memory_space<vmem_shared>> -> memref<100352xf32, #tpu.memory_space<vmem_shared>>
        tpu.wait_indirect_dma semaphore(%run_scoped3A_199 : memref<!tpu.dma_semaphore, #tpu.memory_space<semaphore_mem>>) src(%dma_wait3A_210 : memref<128xf32, #tpu.memory_space<vmem>>) dst(%dma_wait3A_215 : memref<100352xf32, #tpu.memory_space<vmem_shared>>)
        tpu.yield
      }) : () -> ()
      %run_scoped3A_193 = arith.constant 5 : i32
      %run_scoped3A_194 = arith.constant 5 : i32
      "tpu.region"() ({
        %run_scoped3A_199 = tpu.sem_alloc : memref<!tpu.dma_semaphore, #tpu.memory_space<semaphore_mem>>
        %dma_start3A_200 = arith.constant 0 : i32
        %dma_start3A_201 = tpu.memref_slice %arg8[%run_scoped3A_193, %dma_start3A_200] : memref<8x128xf32, #tpu.memory_space<vmem>> -> memref<1x128xf32, #tpu.memory_space<vmem>>
        %dma_start3A_202 = tpu.memref_squeeze %dma_start3A_201 : memref<1x128xf32, #tpu.memory_space<vmem>> -> memref<128xf32, #tpu.memory_space<vmem>>
        %dma_start3A_203 = arith.constant 0 : i32
        %dma_start3A_204 = tpu.memref_slice %arg7[%run_scoped3A_194, %dma_start3A_203] : memref<8x128xi32, #tpu.memory_space<vmem>> -> memref<1x128xi32, #tpu.memory_space<vmem>>
        %dma_start3A_205 = tpu.memref_squeeze %dma_start3A_204 : memref<1x128xi32, #tpu.memory_space<vmem>> -> memref<128xi32, #tpu.memory_space<vmem>>
        %dma_start3A_206 = arith.constant 0 : i32
        %dma_start3A_207 = tpu.memref_slice %arg10[%dma_start3A_206] : memref<100352xf32, #tpu.memory_space<vmem_shared>> -> memref<100352xf32, #tpu.memory_space<vmem_shared>>
        tpu.enqueue_indirect_dma source(%dma_start3A_202 : memref<128xf32, #tpu.memory_space<vmem>>) target(%dma_start3A_207 : memref<100352xf32, #tpu.memory_space<vmem_shared>>) offsets(%dma_start3A_205 : memref<128xi32, #tpu.memory_space<vmem>>) semaphore(%run_scoped3A_199 : memref<!tpu.dma_semaphore, #tpu.memory_space<semaphore_mem>>) {add = true}
        %dma_wait3A_208 = arith.constant 0 : i32
        %dma_wait3A_209 = tpu.memref_slice %arg8[%run_scoped3A_193, %dma_wait3A_208] : memref<8x128xf32, #tpu.memory_space<vmem>> -> memref<1x128xf32, #tpu.memory_space<vmem>>
        %dma_wait3A_210 = tpu.memref_squeeze %dma_wait3A_209 : memref<1x128xf32, #tpu.memory_space<vmem>> -> memref<128xf32, #tpu.memory_space<vmem>>
        %dma_wait3A_211 = arith.constant 0 : i32
        %dma_wait3A_212 = tpu.memref_slice %arg7[%run_scoped3A_194, %dma_wait3A_211] : memref<8x128xi32, #tpu.memory_space<vmem>> -> memref<1x128xi32, #tpu.memory_space<vmem>>
        %dma_wait3A_213 = tpu.memref_squeeze %dma_wait3A_212 : memref<1x128xi32, #tpu.memory_space<vmem>> -> memref<128xi32, #tpu.memory_space<vmem>>
        %dma_wait3A_214 = arith.constant 0 : i32
        %dma_wait3A_215 = tpu.memref_slice %arg10[%dma_wait3A_214] : memref<100352xf32, #tpu.memory_space<vmem_shared>> -> memref<100352xf32, #tpu.memory_space<vmem_shared>>
        tpu.wait_indirect_dma semaphore(%run_scoped3A_199 : memref<!tpu.dma_semaphore, #tpu.memory_space<semaphore_mem>>) src(%dma_wait3A_210 : memref<128xf32, #tpu.memory_space<vmem>>) dst(%dma_wait3A_215 : memref<100352xf32, #tpu.memory_space<vmem_shared>>)
        tpu.yield
      }) : () -> ()
      %run_scoped3A_195 = arith.constant 6 : i32
      %run_scoped3A_196 = arith.constant 6 : i32
      "tpu.region"() ({
        %run_scoped3A_199 = tpu.sem_alloc : memref<!tpu.dma_semaphore, #tpu.memory_space<semaphore_mem>>
        %dma_start3A_200 = arith.constant 0 : i32
        %dma_start3A_201 = tpu.memref_slice %arg8[%run_scoped3A_195, %dma_start3A_200] : memref<8x128xf32, #tpu.memory_space<vmem>> -> memref<1x128xf32, #tpu.memory_space<vmem>>
        %dma_start3A_202 = tpu.memref_squeeze %dma_start3A_201 : memref<1x128xf32, #tpu.memory_space<vmem>> -> memref<128xf32, #tpu.memory_space<vmem>>
        %dma_start3A_203 = arith.constant 0 : i32
        %dma_start3A_204 = tpu.memref_slice %arg7[%run_scoped3A_196, %dma_start3A_203] : memref<8x128xi32, #tpu.memory_space<vmem>> -> memref<1x128xi32, #tpu.memory_space<vmem>>
        %dma_start3A_205 = tpu.memref_squeeze %dma_start3A_204 : memref<1x128xi32, #tpu.memory_space<vmem>> -> memref<128xi32, #tpu.memory_space<vmem>>
        %dma_start3A_206 = arith.constant 0 : i32
        %dma_start3A_207 = tpu.memref_slice %arg10[%dma_start3A_206] : memref<100352xf32, #tpu.memory_space<vmem_shared>> -> memref<100352xf32, #tpu.memory_space<vmem_shared>>
        tpu.enqueue_indirect_dma source(%dma_start3A_202 : memref<128xf32, #tpu.memory_space<vmem>>) target(%dma_start3A_207 : memref<100352xf32, #tpu.memory_space<vmem_shared>>) offsets(%dma_start3A_205 : memref<128xi32, #tpu.memory_space<vmem>>) semaphore(%run_scoped3A_199 : memref<!tpu.dma_semaphore, #tpu.memory_space<semaphore_mem>>) {add = true}
        %dma_wait3A_208 = arith.constant 0 : i32
        %dma_wait3A_209 = tpu.memref_slice %arg8[%run_scoped3A_195, %dma_wait3A_208] : memref<8x128xf32, #tpu.memory_space<vmem>> -> memref<1x128xf32, #tpu.memory_space<vmem>>
        %dma_wait3A_210 = tpu.memref_squeeze %dma_wait3A_209 : memref<1x128xf32, #tpu.memory_space<vmem>> -> memref<128xf32, #tpu.memory_space<vmem>>
        %dma_wait3A_211 = arith.constant 0 : i32
        %dma_wait3A_212 = tpu.memref_slice %arg7[%run_scoped3A_196, %dma_wait3A_211] : memref<8x128xi32, #tpu.memory_space<vmem>> -> memref<1x128xi32, #tpu.memory_space<vmem>>
        %dma_wait3A_213 = tpu.memref_squeeze %dma_wait3A_212 : memref<1x128xi32, #tpu.memory_space<vmem>> -> memref<128xi32, #tpu.memory_space<vmem>>
        %dma_wait3A_214 = arith.constant 0 : i32
        %dma_wait3A_215 = tpu.memref_slice %arg10[%dma_wait3A_214] : memref<100352xf32, #tpu.memory_space<vmem_shared>> -> memref<100352xf32, #tpu.memory_space<vmem_shared>>
        tpu.wait_indirect_dma semaphore(%run_scoped3A_199 : memref<!tpu.dma_semaphore, #tpu.memory_space<semaphore_mem>>) src(%dma_wait3A_210 : memref<128xf32, #tpu.memory_space<vmem>>) dst(%dma_wait3A_215 : memref<100352xf32, #tpu.memory_space<vmem_shared>>)
        tpu.yield
      }) : () -> ()
      %run_scoped3A_197 = arith.constant 7 : i32
      %run_scoped3A_198 = arith.constant 7 : i32
      "tpu.region"() ({
        %run_scoped3A_199 = tpu.sem_alloc : memref<!tpu.dma_semaphore, #tpu.memory_space<semaphore_mem>>
        %dma_start3A_200 = arith.constant 0 : i32
        %dma_start3A_201 = tpu.memref_slice %arg8[%run_scoped3A_197, %dma_start3A_200] : memref<8x128xf32, #tpu.memory_space<vmem>> -> memref<1x128xf32, #tpu.memory_space<vmem>>
        %dma_start3A_202 = tpu.memref_squeeze %dma_start3A_201 : memref<1x128xf32, #tpu.memory_space<vmem>> -> memref<128xf32, #tpu.memory_space<vmem>>
        %dma_start3A_203 = arith.constant 0 : i32
        %dma_start3A_204 = tpu.memref_slice %arg7[%run_scoped3A_198, %dma_start3A_203] : memref<8x128xi32, #tpu.memory_space<vmem>> -> memref<1x128xi32, #tpu.memory_space<vmem>>
        %dma_start3A_205 = tpu.memref_squeeze %dma_start3A_204 : memref<1x128xi32, #tpu.memory_space<vmem>> -> memref<128xi32, #tpu.memory_space<vmem>>
        %dma_start3A_206 = arith.constant 0 : i32
        %dma_start3A_207 = tpu.memref_slice %arg10[%dma_start3A_206] : memref<100352xf32, #tpu.memory_space<vmem_shared>> -> memref<100352xf32, #tpu.memory_space<vmem_shared>>
        tpu.enqueue_indirect_dma source(%dma_start3A_202 : memref<128xf32, #tpu.memory_space<vmem>>) target(%dma_start3A_207 : memref<100352xf32, #tpu.memory_space<vmem_shared>>) offsets(%dma_start3A_205 : memref<128xi32, #tpu.memory_space<vmem>>) semaphore(%run_scoped3A_199 : memref<!tpu.dma_semaphore, #tpu.memory_space<semaphore_mem>>) {add = true}
        %dma_wait3A_208 = arith.constant 0 : i32
        %dma_wait3A_209 = tpu.memref_slice %arg8[%run_scoped3A_197, %dma_wait3A_208] : memref<8x128xf32, #tpu.memory_space<vmem>> -> memref<1x128xf32, #tpu.memory_space<vmem>>
        %dma_wait3A_210 = tpu.memref_squeeze %dma_wait3A_209 : memref<1x128xf32, #tpu.memory_space<vmem>> -> memref<128xf32, #tpu.memory_space<vmem>>
        %dma_wait3A_211 = arith.constant 0 : i32
        %dma_wait3A_212 = tpu.memref_slice %arg7[%run_scoped3A_198, %dma_wait3A_211] : memref<8x128xi32, #tpu.memory_space<vmem>> -> memref<1x128xi32, #tpu.memory_space<vmem>>
        %dma_wait3A_213 = tpu.memref_squeeze %dma_wait3A_212 : memref<1x128xi32, #tpu.memory_space<vmem>> -> memref<128xi32, #tpu.memory_space<vmem>>
        %dma_wait3A_214 = arith.constant 0 : i32
        %dma_wait3A_215 = tpu.memref_slice %arg10[%dma_wait3A_214] : memref<100352xf32, #tpu.memory_space<vmem_shared>> -> memref<100352xf32, #tpu.memory_space<vmem_shared>>
        tpu.wait_indirect_dma semaphore(%run_scoped3A_199 : memref<!tpu.dma_semaphore, #tpu.memory_space<semaphore_mem>>) src(%dma_wait3A_210 : memref<128xf32, #tpu.memory_space<vmem>>) dst(%dma_wait3A_215 : memref<100352xf32, #tpu.memory_space<vmem_shared>>)
        tpu.yield
      }) : () -> ()
    }
    %scan3A_15 = arith.constant 49 : i32
    %barrier3A_16 = arith.constant 0 : index
    tpu.barrier barrier_id(%barrier3A_16)
    %mul3A_17 = arith.constant 100352 : i32
    %mul3A_18 = arith.muli %arg0, %mul3A_17 : i32
    %add3A_19 = arith.addi %mul3A_18, %multiple_of3A : i32
    %multiple_of3A_20 = tpu.assume_multiple %add3A_19, 128 : i32
    "tpu.region"() ({
      %run_scoped3A = tpu.sem_alloc : memref<!tpu.dma_semaphore, #tpu.memory_space<semaphore_mem>>
      %dma_start3A = tpu.memref_slice %arg10[%multiple_of3A] : memref<100352xf32, #tpu.memory_space<vmem_shared>> -> memref<6272xf32, #tpu.memory_space<vmem_shared>>
      %dma_start3A_21 = tpu.memref_slice %arg10[%multiple_of3A] : memref<100352xf32, #tpu.memory_space<vmem_shared>> -> memref<6272xf32, #tpu.memory_space<vmem_shared>>
      tpu.enqueue_dma source(%dma_start3A_21 : memref<6272xf32, #tpu.memory_space<vmem_shared>>) target(%arg9 : memref<6272xf32, #tpu.memory_space<vmem>>) target_semaphore(%run_scoped3A : memref<!tpu.dma_semaphore, #tpu.memory_space<semaphore_mem>>)
      %dma_wait3A = tpu.memref_slice %arg10[%multiple_of3A] : memref<100352xf32, #tpu.memory_space<vmem_shared>> -> memref<6272xf32, #tpu.memory_space<vmem_shared>>
      %dma_wait3A_22 = tpu.memref_slice %arg10[%multiple_of3A] : memref<100352xf32, #tpu.memory_space<vmem_shared>> -> memref<6272xf32, #tpu.memory_space<vmem_shared>>
      tpu.wait_dma2 semaphore(%run_scoped3A : memref<!tpu.dma_semaphore, #tpu.memory_space<semaphore_mem>>) src(%dma_wait3A_22 : memref<6272xf32, #tpu.memory_space<vmem_shared>>) dst(%arg9 : memref<6272xf32, #tpu.memory_space<vmem>>)
      tpu.yield
    }) : () -> ()
    "tpu.region"() ({
      %run_scoped3A = tpu.sem_alloc : memref<!tpu.dma_semaphore, #tpu.memory_space<semaphore_mem>>
      %dma_start3A = tpu.memref_slice %arg5[%multiple_of3A_20] : memref<200704xf32, #tpu.memory_space<hbm>> -> memref<6272xf32, #tpu.memory_space<hbm>>
      %dma_start3A_21 = tpu.memref_slice %arg5[%multiple_of3A_20] : memref<200704xf32, #tpu.memory_space<hbm>> -> memref<6272xf32, #tpu.memory_space<hbm>>
      tpu.enqueue_dma source(%arg9 : memref<6272xf32, #tpu.memory_space<vmem>>) target(%dma_start3A_21 : memref<6272xf32, #tpu.memory_space<hbm>>) target_semaphore(%run_scoped3A : memref<!tpu.dma_semaphore, #tpu.memory_space<semaphore_mem>>)
      %dma_wait3A = tpu.memref_slice %arg5[%multiple_of3A_20] : memref<200704xf32, #tpu.memory_space<hbm>> -> memref<6272xf32, #tpu.memory_space<hbm>>
      %dma_wait3A_22 = tpu.memref_slice %arg5[%multiple_of3A_20] : memref<200704xf32, #tpu.memory_space<hbm>> -> memref<6272xf32, #tpu.memory_space<hbm>>
      tpu.wait_dma2 semaphore(%run_scoped3A : memref<!tpu.dma_semaphore, #tpu.memory_space<semaphore_mem>>) src(%arg9 : memref<6272xf32, #tpu.memory_space<vmem>>) dst(%dma_wait3A_22 : memref<6272xf32, #tpu.memory_space<hbm>>)
      tpu.yield
    }) : () -> ()
    return
  }
}

</mosaic_0001>

<sc_bundles>
// kernel: kernel.4.cloned.1.call-start
scs
__scs_entry_jumppad:
0x0: {  	(pc) =	sbr.rel $0x88, $3  }
0x1: {  	(tag) =	ssettag $0x0;
	lr =	simm.s32 $0x1  }
0x2: {  	[smem:$0x3F9B] =	sst lr;
	_ =	strace $0xD0000000  }
0x3: {  	_ = 	snop  }
0x4: {  	_ = 	snop  }
0x5: {  	_ = 	snop  }
0x6: {  	_ = 	snop  }
0x7: {  	_ = 	snop  }
__scs_overlays_trampoline_lowered:
0x8: {  	[smem:$0x3FAA] =	sst s0  }
0x9: {  	[smem:$0x3FAB] =	sst s1  }
0xa: {  	[smem:$0x3FAC] =	sst s2  }
0xb: {  	[smem:$0x3FAD] =	sst s3  }
0xc: {  	[smem:$0x3FAE] =	sst s4  }
0xd: {  	[smem:$0x3FAF] =	sst s5  }
0xe: {  	[smem:$0x3FB0] =	sst s6  }
0xf: {  	[smem:$0x3FB1] =	sst s7  }
0x10: {  	[smem:$0x3FB2] =	sst s8  }
0x11: {  	[smem:$0x3FB3] =	sst s9;
	s0 =	simm.s32 @!p0 $0x0  }
0x12: {  	s1 =	sld [smem:$0x3F99];
	s0 =	simm.s32 @p0 $0x1  }
0x13: {  	[smem:$0x3FB4] =	sst s0;
	s0 =	simm.s32 @!p1 $0x0  }
0x14: {  	s2 =	sld [smem:$0x3F98];
	s0 =	simm.s32 @p1 $0x1  }
0x15: {  	[smem:$0x3FB5] =	sst s0;
	s0 =	simm.s32 @!p2 $0x0  }
0x16: {  	s3 =	sld [smem:$0x3FDB];
	s0 =	simm.s32 @p2 $0x1  }
0x17: {  	s4 =	simm.s32 $0x1BF5;
	[smem:$0x3FB7] =	sst s0  }
0x18: {  	s0 =	sld [smem:$0x3F9A];
	_ =	swait.ge [sflag:s4], $0x0  }
0x19: {  	s7 =	sld [smem:$0x3F9B]  }
0x1a: {  	s8 =	sadd.s32 $0xFFFFE003, lr  }
0x1b: {  	s9 =	sadd.s32 $0xFFFFFEF7, lr;
	s5 =	simm.s32 $0xFFFFFFFF;
	p2 =	slt.u32 s8, $0xFFFFF086  }
0x1c: {  	p1 =	slt.u32 s9, $0xF7A;
	s5 =	simm.s32 @!p2 $0x0  }
0x1d: {  	s5 =	simm.s32 @p1 $0x1;
	p0 =	seq.s32 s7, s2  }
0x1e: {  	s7 =	smul.u32 @!p0 $0xF7A, s2;
	p2 =	seq.s32 @!p0 s5, $0x0  }
0x1f: {  	s9 =	smul.u32 $0xF7A, s1;
	s8 =	simm.s32 @!p0 $0x1BF5;
	p2 =	por !p2, p0  }
0x20: {  	[sflag:s8] =	ssyncset.s32 @!p0 $0xFFFFF086;
	s6 =	sadd.s32 @!p0 s3, s7;
	s7 =	simm.s32 @!p0 $0x108  }
0x21: {  	s3 =	sadd.s32 s3, s9;
	s6 =	sadd.s32 @!p0 $0x88, s6;
	s7 =	simm.s32 @p2 $0x1082  }
0x22: {  	[simem:s7], [sflag:s8] =	dma.local @!p0 [hbm:s6], $0xF7A  }
0x23: {  	s9 =	sor.u32 $0xD0000000, s2;
	s6 =	simm.s32 $0x108;
	_ =	swait.ge @!p0 [sflag:s8], $0x0  }
0x24: {  	s3 =	sadd.s32 $0x88, s3;
	s6 =	simm.s32 @!p1 $0x1082;
	[sflag:s4] =	ssyncset.s32 $0xFFFFF086  }
0x25: {  	[simem:s6], [sflag:s4] =	dma.local [hbm:s3], $0xF7A  }
0x26: {  	[smem:$0x3F9B] =	sst s1;
	(tag) =	ssettag s2;
	_ =	strace s9  }
0x27: {  	s1 =	sld [smem:$0x3FAB]  }
0x28: {  	s2 =	sld [smem:$0x3FAC]  }
0x29: {  	s4 =	sld [smem:$0x3FAE]  }
0x2a: {  	p0 =	seq.s32 s5, $0x0;
	s5 =	sld [smem:$0x3FAF]  }
0x2b: {  	s6 =	sld [smem:$0x3FB0]  }
0x2c: {  	s7 =	sld [smem:$0x3FB1]  }
0x2d: {  	s3 =	simm.s32 $0x108;
	s8 =	sld [smem:$0x3FB2]  }
0x2e: {  	s3 =	simm.s32 @!p0 $0x1082;
	s9 =	sld [smem:$0x3FB3]  }
0x2f: {  	lr =	sadd.s32 s0, s3;
	s0 =	sld [smem:$0x3FAA]  }
0x30: {  	s3 =	sld [smem:$0x3FAD]  }
0x31: {  	[smem:$0x3FB6] =	sst s10  }
0x32: {  	s10 =	sld [smem:$0x3FB4];
	_ =	sdelay $0x3  }
0x33: {  	p0 =	seq.s32 s10, $0x1;
	s10 =	sld [smem:$0x3FB6];
	_ =	sdelay $0x3  }
0x34: {  	[smem:$0x3FB6] =	sst s10  }
0x35: {  	s10 =	sld [smem:$0x3FB5];
	_ =	sdelay $0x3  }
0x36: {  	p1 =	seq.s32 s10, $0x1;
	s10 =	sld [smem:$0x3FB6];
	_ =	sdelay $0x3  }
0x37: {  	[smem:$0x3FB6] =	sst s10  }
0x38: {  	s10 =	sld [smem:$0x3FB7]  }
0x39: {  	_ = 	snop;
	(pc) =	sbr.ind lr, $3  }
0x3a: {  	_ = 	snop  }
0x3b: {  	_ = 	snop  }
0x3c: {  	p2 =	seq.s32 s10, $0x1;
	s10 =	sld [smem:$0x3FB6]  }
0x3d: {  	_ =	shalt  }
0x3e: {  	_ =	shalt  }
0x3f: {  	_ =	shalt  }
0x40: {  	_ =	shalt  }
0x41: {  	_ =	shalt  }
0x42: {  	_ =	shalt  }
0x43: {  	_ =	shalt  }
0x44: {  	_ =	shalt  }
0x45: {  	_ =	shalt  }
0x46: {  	_ =	shalt  }
0x47: {  	_ =	shalt  }
0x48: {  	_ =	shalt  }
0x49: {  	_ =	shalt  }
0x4a: {  	_ =	shalt  }
0x4b: {  	_ =	shalt  }
0x4c: {  	_ =	shalt  }
0x4d: {  	_ =	shalt  }
0x4e: {  	_ =	shalt  }
0x4f: {  	_ =	shalt  }
0x50: {  	_ =	shalt  }
0x51: {  	_ =	shalt  }
0x52: {  	_ =	shalt  }
0x53: {  	_ =	shalt  }
0x54: {  	_ =	shalt  }
0x55: {  	_ =	shalt  }
0x56: {  	_ =	shalt  }
0x57: {  	_ =	shalt  }
0x58: {  	_ =	shalt  }
0x59: {  	_ =	shalt  }
0x5a: {  	_ =	shalt  }
0x5b: {  	_ =	shalt  }
0x5c: {  	_ =	shalt  }
0x5d: {  	_ =	shalt  }
0x5e: {  	_ =	shalt  }
0x5f: {  	_ =	shalt  }
0x60: {  	_ =	shalt  }
0x61: {  	_ =	shalt  }
0x62: {  	_ =	shalt  }
0x63: {  	_ =	shalt  }
0x64: {  	_ =	shalt  }
0x65: {  	_ =	shalt  }
0x66: {  	_ =	shalt  }
0x67: {  	_ =	shalt  }
0x68: {  	_ =	shalt  }
0x69: {  	_ =	shalt  }
0x6a: {  	_ =	shalt  }
0x6b: {  	_ =	shalt  }
0x6c: {  	_ =	shalt  }
0x6d: {  	_ =	shalt  }
0x6e: {  	_ =	shalt  }
0x6f: {  	_ =	shalt  }
0x70: {  	_ =	shalt  }
0x71: {  	_ =	shalt  }
0x72: {  	_ =	shalt  }
0x73: {  	_ =	shalt  }
0x74: {  	_ =	shalt  }
0x75: {  	_ =	shalt  }
0x76: {  	_ =	shalt  }
0x77: {  	_ =	shalt  }
0x78: {  	_ =	shalt  }
0x79: {  	_ =	shalt  }
0x7a: {  	_ =	shalt  }
0x7b: {  	_ =	shalt  }
0x7c: {  	_ =	shalt  }
0x7d: {  	_ =	shalt  }
0x7e: {  	_ =	shalt  }
0x7f: {  	_ =	shalt  }
0x80: {  	_ =	shalt  }
0x81: {  	_ =	shalt  }
0x82: {  	_ =	shalt  }
0x83: {  	_ =	shalt  }
0x84: {  	_ =	shalt  }
0x85: {  	_ =	shalt  }
0x86: {  	_ =	shalt  }
0x87: {  	_ =	shalt  }
.Lfunc_end0:
.L_simem_size_0:
called_computation_lowered:
.L_overlay_start_0:
0x88: {  	s2 =	sld [smem:$0x3FD9]  }
0x89: {  	s3 =	sld [smem:$0x3FFE];
	_ =	sdelay $0x1  }
0x8a: {  	s1 =	srdreg.scid  }
0x8b: {  	s0 =	sand.u32 $0x1, s1  }
0x8c: {  	s16 =	sshll.u32 s0, $0xA;
	s2 =	sadd.s32 s3, s2  }
0x8d: {  	s2 =	sadd.s32 s2, s16  }
0x8e: {  	[smem:$0x3FC2] =	sst s2  }
0x8f: {  	_ = 	snop  }
0x90: {  	(tm) =	ssettm $0x1  }
0x91: {  	s17 =	sld [smem:$0x3FFB];
	_ =	sdelay $0x3  }
0x92: {  	_ =	strace s17  }
0x93: {  	s2 =	sld [smem:$0x3FFC];
	_ =	sdelay $0x3  }
0x94: {  	_ =	strace s2  }
0x95: {  	s2 =	sld [smem:$0x3FFD];
	_ =	sdelay $0x3  }
0x96: {  	_ =	strace s2  }
0x97: {  	_ =	strace $0x8FFFFFFF  }
0x98: {  	s18 =	sld [smem:$0x3FDB];
	_ =	sdelay $0x1  }
0x99: {  	s19 =	simm.s32 $_scs_section_size  }
0x9a: {  	s4 =	simm.s32 $_size__tile_overlayer_lowered;
	s5 =	simm.s32 $_tile_overlayer_lowered  }
0x9b: {  	s22 =	simm.s32 $0x1BFF;
	s21 =	sshll.u32 s5, $0x1;
	s2 =	sadd.s32 s19, s18  }
0x9c: {  	s6 =	simm.s32 $0x0;
	s20 =	sshll.u32 s4, $0x1;
	s4 =	sadd.s32 s21, s2  }
0x9d: {  	[timem:s6], [sflag:s22] =	dma.local [hbm:s4], s20  }
0x9e: {  	_ =	swait.ge [sflag:s22], s20  }
0x9f: {  	s3 =	ssub.s32 $0x0, s20;
	[sflag:s22] =	ssyncset.done $0x0  }
0xa0: {  	[sflag:s22] =	ssyncadd.s32 s3;
	_ =	sdelay $0x1  }
0xa1: {  	s23 =	simm.s32 $0x1B8B  }
0xa2: {  	_ =	swait.ge [sflag:s23], $0x1  }
0xa3: {  	[sflag:s23] =	ssyncset.done $0x0  }
0xa4: {  	s25 =	simm.s32 $0x1B8E;
	s24 =	sld [smem:$0x3FFE];
	[sflag:s23] =	ssyncadd.s32 $0xFFFFFFFF  }
0xa5: {  	s26 =	simm.s32 $execute0_lowered;
	[smem:$0x3FD2] =	sst s25  }
0xa6: {  	s4 =	sshll.u32 s26, $0x1;
	_ =	strace $0x80000046;
	[dreg:$0x1] =	wrdreg $0xFFFFFFFF  }
0xa7: {  	s28 =	simm.s32 $_size_execute0_lowered;
	s2 =	sadd.s32 s2, s4;
	[dreg:$0x0] =	wrdreg $0x0  }
0xa8: {  	s4 =	sshll.u32 s28, $0x1;
	[dreg:$0x2] =	wrdreg s2  }
0xa9: {  	[dreg:$0x3] =	wrdreg s4  }
0xaa: {  	[dreg:$0x4] =	wrdreg $0xC0  }
0xab: {  	_ =	task [dreg:s6], $0x5FFFF  }
0xac: {  	[dreg:$0x1] =	wrdreg $0xFFFFFFFF  }
0xad: {  	[dreg:$0x0] =	wrdreg $0x60  }
0xae: {  	[dreg:$0x2] =	wrdreg s24  }
0xaf: {  	[dreg:$0x3] =	wrdreg $0x21800  }
0xb0: {  	[dreg:$0x4] =	wrdreg $0x3A000  }
0xb1: {  	[dreg:$0x5] =	wrdreg $0x52800  }
0xb2: {  	[dreg:$0x6] =	wrdreg $0x9  }
0xb3: {  	_ =	task.clear_ibuf [dreg:s6], $0x7FFFF;
	_ =	strace $0x90000046  }
0xb4: {  	s29 =	simm.s32 $0x9;
	_ =	strace $0x80000048  }
0xb5: {  	_ =	swait.ge [sflag:s29], $0x1  }
0xb6: {  	[sflag:s29] =	ssyncadd.s32 $0xFFFFFFFF  }
0xb7: {  	_ =	strace $0x90000048  }
0xb8: {  	_ =	sfence  }
0xb9: {  	s30 =	sld [smem:$0x0];
	_ =	sdelay $0x2  }
0xba: {  	s31 =	sshll.u32 s1, $0xD;
	s1 =	sshrl.u32 s1, $0x2  }
0xbb: {  	s3 =	sand.u32 $0x4000, s31;
	s1 =	sadd.s32 s1, s30  }
0xbc: {  	s0 =	sor.u32 s3, s0;
	s1 =	sshll.u32 s1, $0x11  }
0xbd: {  	s0 =	sor.u32 s1, s0  }
0xbe: {  	s0 =	sadd.s32 $0x8F2B, s0  }
0xbf: {  	[sflag:s0] =	ssyncadd.remote.s32 $0x1  }
0xc0: {  	_ =	sfence.sel $0xFFFF  }
0xc1: {  	[dreg:$0x0] =	wrdreg $0xFFFFFFFF;
	(pc) =	sbr.abs _section_cstart, $3  }
0xc2: {  	[dreg:$0x1] =	wrdreg $0xFFFFFFFF  }
0xc3: {  	_ =	task.clear_ibuf [dreg:s6], $0x2FFFF;
	_ =	strace $0x9FFFFFFF  }
0xc4: {  	(tm) =	ssettm $0x7FFFFFFF  }
0xc5: {  	_ =	shalt  }
tec
execute0_lowered:
.L_overlay_start_1:
0x0: {  	(tag) =	ssettag $0x1  }
0x1: {  	s0 =	rddreg [dreg:$0x0]  }
0x2: {  	s2 =	rddreg [dreg:$0x1]  }
0x3: {  	s1 =	srdreg.scid;
	s3 =	rddreg [dreg:$0x2]  }
0x4: {  	s11 =	stileid.u32;
	s4 =	rddreg [dreg:$0x3]  }
0x5: {  	s5 =	simm.s32 $0x0;
	s15 =	simm.s32 $0x900;
	s16 =	simm.s32 $0x1  }
0x6: {  	s17 =	simm.s32 $0x400;
	s18 =	simm.s32 $0x80;
	s19 =	simm.s32 $0x800  }
0x7: {  	s20 =	simm.s32 $0x880;
	s21 =	simm.s32 $0x480;
	s22 =	simm.s32 $0x100  }
0x8: {  	s23 =	simm.s32 $0x500;
	s28 =	simm.s32 $0x600;
	s29 =	simm.s32 $0x280  }
0x9: {  	s30 =	simm.s32 $0x680;
	s1 =	sand.u32 $0x1, s1;
	s8 =	smul.u32 $0x1880, s11  }
0xa: {  	s31 =	simm.s32 $0x300;
	[smem:$0x7FF] =	sst s5;
	s6 =	smul.u32 $0x18800, s1  }
0xb: {  	s11 =	smul.u32 $0x3100, s11;
	s7 =	ssub.s32 $0x2, s1;
	_ =	strace $0x80000047  }
0xc: {  	s1 =	smul.u32 $0x1880, s1;
	s24 =	sshrl.u32 s7, $0x1;
	s6 =	sadd.s32 s8, s6  }
0xd: {  	s10 =	ssub.s32 s7, s24;
	s7 =	sadd.s32 s8, s3;
	s24 =	simm.s32 $0x180  }
0xe: {  	s6 =	sshrl.u32 s6, $0x3;
	s26 =	smax.u32 s10, $0x1;
	s10 =	simm.s32 $0x0  }
0xf: {  	s9 =	sadd.s32 s6, s0;
	s6 =	sadd.s32 s8, s2;
	s8 =	sadd.s32 s8, s4  }
0x10: {  	s0 =	sadd.s32 s11, s0;
	[dreg:$0x8] =	wrdreg s26;
	s12 =	sadd.s32 $0x62000, s9  }
0x11: {  	s26 =	simm.s32 $0x200;
	s25 =	sadd.s32 $0x68200, s9;
	[dreg:$0x5] =	wrdreg s12  }
0x12: {  	s9 =	sadd.s32 $0x6E400, s9;
	s13 =	sadd.s32 s1, s0;
	[dreg:$0x6] =	wrdreg s25  }
0x13: {  	s1 =	simm.s32 $0x700;
	s0 =	simm.s32 $0x380;
	[dreg:$0x7] =	wrdreg s9  }
0x14: {  	v0 =	vimm.f32 $1.000000000e+00;
	v1 =	vimm.f32 $0.0e+00;
	s14 =	sadd.s32 $0x31000, s13;
	s25 =	simm.s32 $0x580;
	s9 =	simm.s32 $0x780  }
.LBB2_1:
0x15: {  	[tilespmem:$0x800] =	vst v0  }
0x16: {  	[tilespmem:$0x810] =	vst v0  }
0x17: {  	[tilespmem:$0x820] =	vst v0  }
0x18: {  	[tilespmem:$0x830] =	vst v0  }
0x19: {  	[tilespmem:$0x840] =	vst v0  }
0x1a: {  	[tilespmem:$0x850] =	vst v0  }
0x1b: {  	[tilespmem:$0x860] =	vst v0  }
0x1c: {  	[tilespmem:$0x870] =	vst v0;
	s11 =	simm.s32 $0x40;
	s12 =	simm.s32 $0x0  }
.LBB2_2:
0x1d: {  	p0 =	sne.s32 s11, $0x61C0;
	[tilespmem:s12+$0x900] =	vst v1;
	s12 =	smov.u32 s11;
	s11 =	sadd.s32 $0x40, s11  }
.Ltmp0:
0x1e: {  	(pc) =	sbr.rel @p0 .LBB2_2-.Ltmp0, $2  }
0x1f: {  	_ =	sdelay $0x2  }
0x20: {  	s12 =	sshra.s32 s12, $0x2  }
0x21: {  	[tilespmem:s12+$0x900] =	vst v1  }
0x22: {  	[spmem:s6] =	stream.linear.scatter [tilespmem:s15], [sflag:$0x1], $0x1880, $0x38;
	[tilespmem:$0x6B00] =	vst v63  }
0x23: {  	_ =	swait.ge [sflag:s16], $0x1880  }
0x24: {  	[sflag:s16] =	ssyncset.done $0x0  }
0x25: {  	[sflag:s16] =	ssyncadd.s32 $0xFFFFE780  }
0x26: {  	[spmem:s7] =	stream.linear.scatter [tilespmem:s15], [sflag:$0x1], $0x1880, $0x38;
	[tilespmem:$0x6B00] =	vst v63  }
0x27: {  	_ =	swait.ge [sflag:s16], $0x1880  }
0x28: {  	[sflag:s16] =	ssyncset.done $0x0  }
0x29: {  	[sflag:s16] =	ssyncadd.s32 $0xFFFFE780  }
0x2a: {  	[spmem:s8] =	stream.linear.scatter [tilespmem:s15], [sflag:$0x1], $0x1880, $0x38;
	[tilespmem:$0x6B00] =	vst v63  }
0x2b: {  	_ =	swait.ge [sflag:s16], $0x1880  }
0x2c: {  	[sflag:s16] =	ssyncset.done $0x0  }
0x2d: {  	[sflag:s16] =	ssyncadd.s32 $0xFFFFE780  }
0x2e: {  	s11 =	simm.s32 $0x0;
	[bflag:$0x0] =	sbarrier.arrive $0xFFFF  }
.LBB2_4:
0x2f: {  	s12 =	sadd.s32 s11, s14  }
0x30: {  	[tilespmem:s5], [sflag:$0x1] =	stream.linear.gather [hbm4b:s12+s5], $0x400, $0x38;
	[tilespmem:$0x6B00] =	vst v63  }
0x31: {  	_ =	swait.ge [sflag:s16], $0x400  }
0x32: {  	[sflag:s16] =	ssyncset.done $0x0  }
0x33: {  	s12 =	sadd.s32 s11, s13;
	[sflag:s16] =	ssyncadd.s32 $0xFFFFFC00  }
0x34: {  	[tilespmem:s17], [sflag:$0x1] =	stream.linear.gather [hbm4b:s12+s5], $0x400, $0x38;
	[tilespmem:$0x6B00] =	vst v63  }
0x35: {  	_ =	swait.ge [sflag:s16], $0x400  }
0x36: {  	[sflag:s16] =	ssyncset.done $0x0  }
0x37: {  	[sflag:s16] =	ssyncadd.s32 $0xFFFFFC00  }
0x38: {  	[spmem:s2] =	stream.indirect.scatter.add.f32 [tilespmem:s19], [sflag:$0x1], $0x1, s5, s18, $0xb8;
	[tilespmem:$0x6B00] =	vst v63  }
0x39: {  	_ =	swait.ge [sflag:s16], $0x80  }
0x3a: {  	[sflag:s16] =	ssyncset.done $0x0  }
0x3b: {  	[sflag:s16] =	ssyncadd.s32 $0xFFFFFF80  }
0x3c: {  	[spmem:s3] =	stream.indirect.scatter.add.f32 [tilespmem:s19], [sflag:$0x1], $0x1, s17, s18, $0xb8;
	[tilespmem:$0x6B00] =	vst v63  }
0x3d: {  	_ =	swait.ge [sflag:s16], $0x80  }
0x3e: {  	[sflag:s16] =	ssyncset.done $0x0  }
0x3f: {  	[sflag:s16] =	ssyncadd.s32 $0xFFFFFF80  }
0x40: {  	v2 =	vld [tilespmem:$0x400]  }
0x41: {  	v3 =	vld [tilespmem:$0x410]  }
0x42: {  	v4 =	vld [tilespmem:$0x420]  }
0x43: {  	v5 =	vld [tilespmem:$0x430]  }
0x44: {  	v6 =	vld [tilespmem:$0x440]  }
0x45: {  	vm0 =	veq.s32 v2, $0x1;
	v2 =	vld [tilespmem:$0x450]  }
0x46: {  	vm13 =	veq.s32 v3, $0x1;
	v3 =	vld [tilespmem:$0x460];
	v7 =	vsel vm0, $0x3F800000, v1  }
0x47: {  	v60 =	vld [tilespmem:$0x470];
	vm14 =	veq.s32 v4, $0x1;
	v59 =	vsel vm13, $0x3F800000, v1;
	[tilespmem:$0x880] =	vst v7  }
0x48: {  	vm15 =	veq.s32 v5, $0x1;
	v61 =	vsel vm14, $0x3F800000, v1;
	[tilespmem:$0x890] =	vst v59  }
0x49: {  	vm4 =	veq.s32 v6, $0x1;
	v5 =	vsel vm15, $0x3F800000, v1;
	[tilespmem:$0x8A0] =	vst v61  }
0x4a: {  	v62 =	vsel vm4, $0x3F800000, v1;
	[tilespmem:$0x8B0] =	vst v5;
	vm5 =	veq.s32 v2, $0x1  }
0x4b: {  	[tilespmem:$0x8C0] =	vst v62;
	vm6 =	veq.s32 v3, $0x1;
	v2 =	vsel vm5, $0x3F800000, v1  }
0x4c: {  	vm7 =	veq.s32 v60, $0x1;
	[tilespmem:$0x8D0] =	vst v2;
	v2 =	vsel vm6, $0x3F800000, v1  }
0x4d: {  	[tilespmem:$0x8E0] =	vst v2;
	v2 =	vsel vm7, $0x3F800000, v1  }
0x4e: {  	[tilespmem:$0x8F0] =	vst v2  }
0x4f: {  	[spmem:s4] =	stream.indirect.scatter.add.f32 [tilespmem:s20], [sflag:$0x1], $0x1, s5, s18, $0xb8;
	[tilespmem:$0x6B00] =	vst v63  }
0x50: {  	_ =	swait.ge [sflag:s16], $0x80  }
0x51: {  	[sflag:s16] =	ssyncset.done $0x0  }
0x52: {  	[sflag:s16] =	ssyncadd.s32 $0xFFFFFF80  }
0x53: {  	[spmem:s2] =	stream.indirect.scatter.add.f32 [tilespmem:s19], [sflag:$0x1], $0x1, s18, s18, $0xb8;
	[tilespmem:$0x6B00] =	vst v63  }
0x54: {  	_ =	swait.ge [sflag:s16], $0x80  }
0x55: {  	[sflag:s16] =	ssyncset.done $0x0  }
0x56: {  	[sflag:s16] =	ssyncadd.s32 $0xFFFFFF80  }
0x57: {  	[spmem:s3] =	stream.indirect.scatter.add.f32 [tilespmem:s19], [sflag:$0x1], $0x1, s21, s18, $0xb8;
	[tilespmem:$0x6B00] =	vst v63  }
0x58: {  	_ =	swait.ge [sflag:s16], $0x80  }
0x59: {  	[sflag:s16] =	ssyncset.done $0x0  }
0x5a: {  	[sflag:s16] =	ssyncadd.s32 $0xFFFFFF80  }
0x5b: {  	v2 =	vld [tilespmem:$0x480]  }
0x5c: {  	v3 =	vld [tilespmem:$0x490]  }
0x5d: {  	v63 =	vld [tilespmem:$0x4A0]  }
0x5e: {  	v9 =	vld [tilespmem:$0x4B0]  }
0x5f: {  	v10 =	vld [tilespmem:$0x4C0]  }
0x60: {  	vm8 =	veq.s32 v2, $0x1;
	v2 =	vld [tilespmem:$0x4D0]  }
0x61: {  	vm9 =	veq.s32 v3, $0x1;
	v3 =	vld [tilespmem:$0x4E0];
	v11 =	vsel vm8, $0x3F800000, v1  }
0x62: {  	v13 =	vld [tilespmem:$0x4F0];
	vm10 =	veq.s32 v63, $0x1;
	v12 =	vsel vm9, $0x3F800000, v1;
	[tilespmem:$0x880] =	vst v11  }
0x63: {  	vm11 =	veq.s32 v9, $0x1;
	v14 =	vsel vm10, $0x3F800000, v1;
	[tilespmem:$0x890] =	vst v12  }
0x64: {  	vm12 =	veq.s32 v10, $0x1;
	v5 =	vsel vm11, $0x3F800000, v1;
	[tilespmem:$0x8A0] =	vst v14  }
0x65: {  	v15 =	vsel vm12, $0x3F800000, v1;
	[tilespmem:$0x8B0] =	vst v5;
	vm13 =	veq.s32 v2, $0x1  }
0x66: {  	[tilespmem:$0x8C0] =	vst v15;
	vm14 =	veq.s32 v3, $0x1;
	v2 =	vsel vm13, $0x3F800000, v1  }
0x67: {  	vm15 =	veq.s32 v13, $0x1;
	[tilespmem:$0x8D0] =	vst v2;
	v2 =	vsel vm14, $0x3F800000, v1  }
0x68: {  	[tilespmem:$0x8E0] =	vst v2;
	v2 =	vsel vm15, $0x3F800000, v1  }
0x69: {  	[tilespmem:$0x8F0] =	vst v2  }
0x6a: {  	[spmem:s4] =	stream.indirect.scatter.add.f32 [tilespmem:s20], [sflag:$0x1], $0x1, s18, s18, $0xb8;
	[tilespmem:$0x6B00] =	vst v63  }
0x6b: {  	_ =	swait.ge [sflag:s16], $0x80  }
0x6c: {  	[sflag:s16] =	ssyncset.done $0x0  }
0x6d: {  	[sflag:s16] =	ssyncadd.s32 $0xFFFFFF80  }
0x6e: {  	[spmem:s2] =	stream.indirect.scatter.add.f32 [tilespmem:s19], [sflag:$0x1], $0x1, s22, s18, $0xb8;
	[tilespmem:$0x6B00] =	vst v63  }
0x6f: {  	_ =	swait.ge [sflag:s16], $0x80  }
0x70: {  	[sflag:s16] =	ssyncset.done $0x0  }
0x71: {  	[sflag:s16] =	ssyncadd.s32 $0xFFFFFF80  }
0x72: {  	[spmem:s3] =	stream.indirect.scatter.add.f32 [tilespmem:s19], [sflag:$0x1], $0x1, s23, s18, $0xb8;
	[tilespmem:$0x6B00] =	vst v63  }
0x73: {  	_ =	swait.ge [sflag:s16], $0x80  }
0x74: {  	[sflag:s16] =	ssyncset.done $0x0  }
0x75: {  	[sflag:s16] =	ssyncadd.s32 $0xFFFFFF80  }
0x76: {  	v2 =	vld [tilespmem:$0x500]  }
0x77: {  	v3 =	vld [tilespmem:$0x510]  }
0x78: {  	v16 =	vld [tilespmem:$0x520]  }
0x79: {  	v17 =	vld [tilespmem:$0x530]  }
0x7a: {  	v18 =	vld [tilespmem:$0x540]  }
0x7b: {  	vm4 =	veq.s32 v2, $0x1;
	v2 =	vld [tilespmem:$0x550]  }
0x7c: {  	vm5 =	veq.s32 v3, $0x1;
	v3 =	vld [tilespmem:$0x560];
	v19 =	vsel vm4, $0x3F800000, v1  }
0x7d: {  	v21 =	vld [tilespmem:$0x570];
	vm6 =	veq.s32 v16, $0x1;
	v20 =	vsel vm5, $0x3F800000, v1;
	[tilespmem:$0x880] =	vst v19  }
0x7e: {  	vm7 =	veq.s32 v17, $0x1;
	v22 =	vsel vm6, $0x3F800000, v1;
	[tilespmem:$0x890] =	vst v20  }
0x7f: {  	vm8 =	veq.s32 v18, $0x1;
	v5 =	vsel vm7, $0x3F800000, v1;
	[tilespmem:$0x8A0] =	vst v22  }
0x80: {  	v23 =	vsel vm8, $0x3F800000, v1;
	[tilespmem:$0x8B0] =	vst v5;
	vm9 =	veq.s32 v2, $0x1  }
0x81: {  	[tilespmem:$0x8C0] =	vst v23;
	vm10 =	veq.s32 v3, $0x1;
	v2 =	vsel vm9, $0x3F800000, v1  }
0x82: {  	vm11 =	veq.s32 v21, $0x1;
	[tilespmem:$0x8D0] =	vst v2;
	v2 =	vsel vm10, $0x3F800000, v1  }
0x83: {  	[tilespmem:$0x8E0] =	vst v2;
	v2 =	vsel vm11, $0x3F800000, v1  }
0x84: {  	[tilespmem:$0x8F0] =	vst v2  }
0x85: {  	[spmem:s4] =	stream.indirect.scatter.add.f32 [tilespmem:s20], [sflag:$0x1], $0x1, s22, s18, $0xb8;
	[tilespmem:$0x6B00] =	vst v63  }
0x86: {  	_ =	swait.ge [sflag:s16], $0x80  }
0x87: {  	[sflag:s16] =	ssyncset.done $0x0  }
0x88: {  	[sflag:s16] =	ssyncadd.s32 $0xFFFFFF80  }
0x89: {  	[spmem:s2] =	stream.indirect.scatter.add.f32 [tilespmem:s19], [sflag:$0x1], $0x1, s24, s18, $0xb8;
	[tilespmem:$0x6B00] =	vst v63  }
0x8a: {  	_ =	swait.ge [sflag:s16], $0x80  }
0x8b: {  	[sflag:s16] =	ssyncset.done $0x0  }
0x8c: {  	[sflag:s16] =	ssyncadd.s32 $0xFFFFFF80  }
0x8d: {  	[spmem:s3] =	stream.indirect.scatter.add.f32 [tilespmem:s19], [sflag:$0x1], $0x1, s25, s18, $0xb8;
	[tilespmem:$0x6B00] =	vst v63  }
0x8e: {  	_ =	swait.ge [sflag:s16], $0x80  }
0x8f: {  	[sflag:s16] =	ssyncset.done $0x0  }
0x90: {  	[sflag:s16] =	ssyncadd.s32 $0xFFFFFF80  }
0x91: {  	v2 =	vld [tilespmem:$0x580]  }
0x92: {  	v3 =	vld [tilespmem:$0x590]  }
0x93: {  	v24 =	vld [tilespmem:$0x5A0]  }
0x94: {  	v25 =	vld [tilespmem:$0x5B0]  }
0x95: {  	v26 =	vld [tilespmem:$0x5C0]  }
0x96: {  	vm12 =	veq.s32 v2, $0x1;
	v2 =	vld [tilespmem:$0x5D0]  }
0x97: {  	vm13 =	veq.s32 v3, $0x1;
	v3 =	vld [tilespmem:$0x5E0];
	v27 =	vsel vm12, $0x3F800000, v1  }
0x98: {  	v29 =	vld [tilespmem:$0x5F0];
	vm14 =	veq.s32 v24, $0x1;
	v28 =	vsel vm13, $0x3F800000, v1;
	[tilespmem:$0x880] =	vst v27  }
0x99: {  	vm15 =	veq.s32 v25, $0x1;
	v30 =	vsel vm14, $0x3F800000, v1;
	[tilespmem:$0x890] =	vst v28  }
0x9a: {  	vm4 =	veq.s32 v26, $0x1;
	v5 =	vsel vm15, $0x3F800000, v1;
	[tilespmem:$0x8A0] =	vst v30  }
0x9b: {  	v31 =	vsel vm4, $0x3F800000, v1;
	[tilespmem:$0x8B0] =	vst v5;
	vm5 =	veq.s32 v2, $0x1  }
0x9c: {  	[tilespmem:$0x8C0] =	vst v31;
	vm6 =	veq.s32 v3, $0x1;
	v2 =	vsel vm5, $0x3F800000, v1  }
0x9d: {  	vm7 =	veq.s32 v29, $0x1;
	[tilespmem:$0x8D0] =	vst v2;
	v2 =	vsel vm6, $0x3F800000, v1  }
0x9e: {  	[tilespmem:$0x8E0] =	vst v2;
	v2 =	vsel vm7, $0x3F800000, v1  }
0x9f: {  	[tilespmem:$0x8F0] =	vst v2  }
0xa0: {  	[spmem:s4] =	stream.indirect.scatter.add.f32 [tilespmem:s20], [sflag:$0x1], $0x1, s24, s18, $0xb8;
	[tilespmem:$0x6B00] =	vst v63  }
0xa1: {  	_ =	swait.ge [sflag:s16], $0x80  }
0xa2: {  	[sflag:s16] =	ssyncset.done $0x0  }
0xa3: {  	[sflag:s16] =	ssyncadd.s32 $0xFFFFFF80  }
0xa4: {  	[spmem:s2] =	stream.indirect.scatter.add.f32 [tilespmem:s19], [sflag:$0x1], $0x1, s26, s18, $0xb8;
	[tilespmem:$0x6B00] =	vst v63  }
0xa5: {  	_ =	swait.ge [sflag:s16], $0x80  }
0xa6: {  	[sflag:s16] =	ssyncset.done $0x0  }
0xa7: {  	[sflag:s16] =	ssyncadd.s32 $0xFFFFFF80  }
0xa8: {  	[spmem:s3] =	stream.indirect.scatter.add.f32 [tilespmem:s19], [sflag:$0x1], $0x1, s28, s18, $0xb8;
	[tilespmem:$0x6B00] =	vst v63  }
0xa9: {  	_ =	swait.ge [sflag:s16], $0x80  }
0xaa: {  	[sflag:s16] =	ssyncset.done $0x0  }
0xab: {  	[sflag:s16] =	ssyncadd.s32 $0xFFFFFF80  }
0xac: {  	v2 =	vld [tilespmem:$0x600]  }
0xad: {  	v3 =	vld [tilespmem:$0x610]  }
0xae: {  	v32 =	vld [tilespmem:$0x620]  }
0xaf: {  	v33 =	vld [tilespmem:$0x630]  }
0xb0: {  	v34 =	vld [tilespmem:$0x640]  }
0xb1: {  	vm8 =	veq.s32 v2, $0x1;
	v2 =	vld [tilespmem:$0x650]  }
0xb2: {  	vm9 =	veq.s32 v3, $0x1;
	v3 =	vld [tilespmem:$0x660];
	v35 =	vsel vm8, $0x3F800000, v1  }
0xb3: {  	v37 =	vld [tilespmem:$0x670];
	vm10 =	veq.s32 v32, $0x1;
	v36 =	vsel vm9, $0x3F800000, v1;
	[tilespmem:$0x880] =	vst v35  }
0xb4: {  	vm11 =	veq.s32 v33, $0x1;
	v38 =	vsel vm10, $0x3F800000, v1;
	[tilespmem:$0x890] =	vst v36  }
0xb5: {  	vm12 =	veq.s32 v34, $0x1;
	v5 =	vsel vm11, $0x3F800000, v1;
	[tilespmem:$0x8A0] =	vst v38  }
0xb6: {  	v39 =	vsel vm12, $0x3F800000, v1;
	[tilespmem:$0x8B0] =	vst v5;
	vm13 =	veq.s32 v2, $0x1  }
0xb7: {  	[tilespmem:$0x8C0] =	vst v39;
	vm14 =	veq.s32 v3, $0x1;
	v2 =	vsel vm13, $0x3F800000, v1  }
0xb8: {  	vm15 =	veq.s32 v37, $0x1;
	[tilespmem:$0x8D0] =	vst v2;
	v2 =	vsel vm14, $0x3F800000, v1  }
0xb9: {  	[tilespmem:$0x8E0] =	vst v2;
	v2 =	vsel vm15, $0x3F800000, v1  }
0xba: {  	[tilespmem:$0x8F0] =	vst v2  }
0xbb: {  	[spmem:s4] =	stream.indirect.scatter.add.f32 [tilespmem:s20], [sflag:$0x1], $0x1, s26, s18, $0xb8;
	[tilespmem:$0x6B00] =	vst v63  }
0xbc: {  	_ =	swait.ge [sflag:s16], $0x80  }
0xbd: {  	[sflag:s16] =	ssyncset.done $0x0  }
0xbe: {  	[sflag:s16] =	ssyncadd.s32 $0xFFFFFF80  }
0xbf: {  	[spmem:s2] =	stream.indirect.scatter.add.f32 [tilespmem:s19], [sflag:$0x1], $0x1, s29, s18, $0xb8;
	[tilespmem:$0x6B00] =	vst v63  }
0xc0: {  	_ =	swait.ge [sflag:s16], $0x80  }
0xc1: {  	[sflag:s16] =	ssyncset.done $0x0  }
0xc2: {  	[sflag:s16] =	ssyncadd.s32 $0xFFFFFF80  }
0xc3: {  	[spmem:s3] =	stream.indirect.scatter.add.f32 [tilespmem:s19], [sflag:$0x1], $0x1, s30, s18, $0xb8;
	[tilespmem:$0x6B00] =	vst v63  }
0xc4: {  	_ =	swait.ge [sflag:s16], $0x80  }
0xc5: {  	[sflag:s16] =	ssyncset.done $0x0  }
0xc6: {  	[sflag:s16] =	ssyncadd.s32 $0xFFFFFF80  }
0xc7: {  	v2 =	vld [tilespmem:$0x680]  }
0xc8: {  	v3 =	vld [tilespmem:$0x690]  }
0xc9: {  	v40 =	vld [tilespmem:$0x6A0]  }
0xca: {  	v41 =	vld [tilespmem:$0x6B0]  }
0xcb: {  	v42 =	vld [tilespmem:$0x6C0]  }
0xcc: {  	vm4 =	veq.s32 v2, $0x1;
	v2 =	vld [tilespmem:$0x6D0]  }
0xcd: {  	vm5 =	veq.s32 v3, $0x1;
	v3 =	vld [tilespmem:$0x6E0];
	v43 =	vsel vm4, $0x3F800000, v1  }
0xce: {  	v45 =	vld [tilespmem:$0x6F0];
	vm6 =	veq.s32 v40, $0x1;
	v44 =	vsel vm5, $0x3F800000, v1;
	[tilespmem:$0x880] =	vst v43  }
0xcf: {  	vm7 =	veq.s32 v41, $0x1;
	v46 =	vsel vm6, $0x3F800000, v1;
	[tilespmem:$0x890] =	vst v44  }
0xd0: {  	vm8 =	veq.s32 v42, $0x1;
	v5 =	vsel vm7, $0x3F800000, v1;
	[tilespmem:$0x8A0] =	vst v46  }
0xd1: {  	v47 =	vsel vm8, $0x3F800000, v1;
	[tilespmem:$0x8B0] =	vst v5;
	vm9 =	veq.s32 v2, $0x1  }
0xd2: {  	[tilespmem:$0x8C0] =	vst v47;
	vm10 =	veq.s32 v3, $0x1;
	v2 =	vsel vm9, $0x3F800000, v1  }
0xd3: {  	vm11 =	veq.s32 v45, $0x1;
	[tilespmem:$0x8D0] =	vst v2;
	v2 =	vsel vm10, $0x3F800000, v1  }
0xd4: {  	[tilespmem:$0x8E0] =	vst v2;
	v2 =	vsel vm11, $0x3F800000, v1  }
0xd5: {  	[tilespmem:$0x8F0] =	vst v2  }
0xd6: {  	[spmem:s4] =	stream.indirect.scatter.add.f32 [tilespmem:s20], [sflag:$0x1], $0x1, s29, s18, $0xb8;
	[tilespmem:$0x6B00] =	vst v63  }
0xd7: {  	_ =	swait.ge [sflag:s16], $0x80  }
0xd8: {  	[sflag:s16] =	ssyncset.done $0x0  }
0xd9: {  	[sflag:s16] =	ssyncadd.s32 $0xFFFFFF80  }
0xda: {  	[spmem:s2] =	stream.indirect.scatter.add.f32 [tilespmem:s19], [sflag:$0x1], $0x1, s31, s18, $0xb8;
	[tilespmem:$0x6B00] =	vst v63  }
0xdb: {  	_ =	swait.ge [sflag:s16], $0x80  }
0xdc: {  	[sflag:s16] =	ssyncset.done $0x0  }
0xdd: {  	[sflag:s16] =	ssyncadd.s32 $0xFFFFFF80  }
0xde: {  	[spmem:s3] =	stream.indirect.scatter.add.f32 [tilespmem:s19], [sflag:$0x1], $0x1, s1, s18, $0xb8;
	[tilespmem:$0x6B00] =	vst v63  }
0xdf: {  	_ =	swait.ge [sflag:s16], $0x80  }
0xe0: {  	[sflag:s16] =	ssyncset.done $0x0  }
0xe1: {  	[sflag:s16] =	ssyncadd.s32 $0xFFFFFF80  }
0xe2: {  	v2 =	vld [tilespmem:$0x700]  }
0xe3: {  	v3 =	vld [tilespmem:$0x710]  }
0xe4: {  	v48 =	vld [tilespmem:$0x720]  }
0xe5: {  	v49 =	vld [tilespmem:$0x730]  }
0xe6: {  	v50 =	vld [tilespmem:$0x740]  }
0xe7: {  	vm12 =	veq.s32 v2, $0x1;
	v2 =	vld [tilespmem:$0x750]  }
0xe8: {  	vm13 =	veq.s32 v3, $0x1;
	v3 =	vld [tilespmem:$0x760];
	v51 =	vsel vm12, $0x3F800000, v1  }
0xe9: {  	v53 =	vld [tilespmem:$0x770];
	vm14 =	veq.s32 v48, $0x1;
	v52 =	vsel vm13, $0x3F800000, v1;
	[tilespmem:$0x880] =	vst v51  }
0xea: {  	vm15 =	veq.s32 v49, $0x1;
	v54 =	vsel vm14, $0x3F800000, v1;
	[tilespmem:$0x890] =	vst v52  }
0xeb: {  	vm4 =	veq.s32 v50, $0x1;
	v5 =	vsel vm15, $0x3F800000, v1;
	[tilespmem:$0x8A0] =	vst v54  }
0xec: {  	v55 =	vsel vm4, $0x3F800000, v1;
	[tilespmem:$0x8B0] =	vst v5;
	vm5 =	veq.s32 v2, $0x1  }
0xed: {  	[tilespmem:$0x8C0] =	vst v55;
	vm6 =	veq.s32 v3, $0x1;
	v2 =	vsel vm5, $0x3F800000, v1  }
0xee: {  	vm7 =	veq.s32 v53, $0x1;
	[tilespmem:$0x8D0] =	vst v2;
	v2 =	vsel vm6, $0x3F800000, v1  }
0xef: {  	[tilespmem:$0x8E0] =	vst v2;
	v2 =	vsel vm7, $0x3F800000, v1  }
0xf0: {  	[tilespmem:$0x8F0] =	vst v2  }
0xf1: {  	[spmem:s4] =	stream.indirect.scatter.add.f32 [tilespmem:s20], [sflag:$0x1], $0x1, s31, s18, $0xb8;
	[tilespmem:$0x6B00] =	vst v63  }
0xf2: {  	_ =	swait.ge [sflag:s16], $0x80  }
0xf3: {  	[sflag:s16] =	ssyncset.done $0x0  }
0xf4: {  	[sflag:s16] =	ssyncadd.s32 $0xFFFFFF80  }
0xf5: {  	[spmem:s2] =	stream.indirect.scatter.add.f32 [tilespmem:s19], [sflag:$0x1], $0x1, s0, s18, $0xb8;
	[tilespmem:$0x6B00] =	vst v63  }
0xf6: {  	_ =	swait.ge [sflag:s16], $0x80  }
0xf7: {  	[sflag:s16] =	ssyncset.done $0x0  }
0xf8: {  	[sflag:s16] =	ssyncadd.s32 $0xFFFFFF80  }
0xf9: {  	[spmem:s3] =	stream.indirect.scatter.add.f32 [tilespmem:s19], [sflag:$0x1], $0x1, s9, s18, $0xb8;
	[tilespmem:$0x6B00] =	vst v63  }
0xfa: {  	_ =	swait.ge [sflag:s16], $0x80  }
0xfb: {  	[sflag:s16] =	ssyncset.done $0x0  }
0xfc: {  	[sflag:s16] =	ssyncadd.s32 $0xFFFFFF80  }
0xfd: {  	v2 =	vld [tilespmem:$0x780]  }
0xfe: {  	v3 =	vld [tilespmem:$0x790]  }
0xff: {  	v56 =	vld [tilespmem:$0x7A0]  }
0x100: {  	v57 =	vld [tilespmem:$0x7B0]  }
0x101: {  	v58 =	vld [tilespmem:$0x7C0]  }
0x102: {  	vm8 =	veq.s32 v2, $0x1;
	v2 =	vld [tilespmem:$0x7D0]  }
0x103: {  	vm9 =	veq.s32 v3, $0x1;
	v3 =	vld [tilespmem:$0x7E0];
	v59 =	vsel vm8, $0x3F800000, v1  }
0x104: {  	v61 =	vld [tilespmem:$0x7F0];
	vm10 =	veq.s32 v56, $0x1;
	v60 =	vsel vm9, $0x3F800000, v1;
	[tilespmem:$0x880] =	vst v59  }
0x105: {  	vm11 =	veq.s32 v57, $0x1;
	v62 =	vsel vm10, $0x3F800000, v1;
	[tilespmem:$0x890] =	vst v60  }
0x106: {  	vm12 =	veq.s32 v58, $0x1;
	v5 =	vsel vm11, $0x3F800000, v1;
	[tilespmem:$0x8A0] =	vst v62  }
0x107: {  	v63 =	vsel vm12, $0x3F800000, v1;
	[tilespmem:$0x8B0] =	vst v5;
	vm13 =	veq.s32 v2, $0x1  }
0x108: {  	[tilespmem:$0x8C0] =	vst v63;
	vm14 =	veq.s32 v3, $0x1;
	v2 =	vsel vm13, $0x3F800000, v1  }
0x109: {  	vm15 =	veq.s32 v61, $0x1;
	[tilespmem:$0x8D0] =	vst v2;
	v2 =	vsel vm14, $0x3F800000, v1  }
0x10a: {  	p0 =	sne.s32 s11, $0x1800;
	[tilespmem:$0x8E0] =	vst v2;
	v2 =	vsel vm15, $0x3F800000, v1  }
.Ltmp1:
0x10b: {  	[tilespmem:$0x8F0] =	vst v2;
	(pc) =	sbr.rel @p0 .LBB2_4-.Ltmp1, $4  }
0x10c: {  	[spmem:s4] =	stream.indirect.scatter.add.f32 [tilespmem:s20], [sflag:$0x1], $0x1, s0, s18, $0xb8;
	[tilespmem:$0x6B00] =	vst v63  }
0x10d: {  	_ =	swait.ge [sflag:s16], $0x80  }
0x10e: {  	[sflag:s16] =	ssyncset.done $0x0  }
0x10f: {  	s11 =	sadd.s32 $0x80, s11;
	[sflag:s16] =	ssyncadd.s32 $0xFFFFFF80  }
0x110: {  	[bflag:$0x0] =	sbarrier.arrive $0xFFFF  }
0x111: {  	[tilespmem:s15], [sflag:$0x1] =	stream.linear.gather [spmem:s6], $0x1880, $0x38;
	[tilespmem:$0x6B00] =	vst v63  }
0x112: {  	_ =	swait.ge [sflag:s16], $0x1880  }
0x113: {  	[sflag:s16] =	ssyncset.done $0x0  }
0x114: {  	s11 =	rddreg [dreg:$0x5];
	[sflag:s16] =	ssyncadd.s32 $0xFFFFE780  }
0x115: {  	[hbm4b:s11+s5] =	stream.linear.scatter [tilespmem:s15], [sflag:$0x1], $0x1880, $0x38;
	[tilespmem:$0x6B00] =	vst v63  }
0x116: {  	_ =	swait.ge [sflag:s16], $0x1880  }
0x117: {  	[sflag:s16] =	ssyncset.done $0x0  }
0x118: {  	[sflag:s16] =	ssyncadd.s32 $0xFFFFE780  }
0x119: {  	[tilespmem:s15], [sflag:$0x1] =	stream.linear.gather [spmem:s7], $0x1880, $0x38;
	[tilespmem:$0x6B00] =	vst v63  }
0x11a: {  	_ =	swait.ge [sflag:s16], $0x1880  }
0x11b: {  	[sflag:s16] =	ssyncset.done $0x0  }
0x11c: {  	s12 =	rddreg [dreg:$0x6];
	[sflag:s16] =	ssyncadd.s32 $0xFFFFE780  }
0x11d: {  	[hbm4b:s12+s5] =	stream.linear.scatter [tilespmem:s15], [sflag:$0x1], $0x1880, $0x38;
	[tilespmem:$0x6B00] =	vst v63  }
0x11e: {  	_ =	swait.ge [sflag:s16], $0x1880  }
0x11f: {  	[sflag:s16] =	ssyncset.done $0x0  }
0x120: {  	[sflag:s16] =	ssyncadd.s32 $0xFFFFE780  }
0x121: {  	[tilespmem:s15], [sflag:$0x1] =	stream.linear.gather [spmem:s8], $0x1880, $0x38;
	[tilespmem:$0x6B00] =	vst v63  }
0x122: {  	_ =	swait.ge [sflag:s16], $0x1880  }
0x123: {  	[sflag:s16] =	ssyncset.done $0x0  }
0x124: {  	s12 =	rddreg [dreg:$0x7];
	[sflag:s16] =	ssyncadd.s32 $0xFFFFE780  }
0x125: {  	[hbm4b:s12+s5] =	stream.linear.scatter [tilespmem:s15], [sflag:$0x1], $0x1880, $0x38;
	[tilespmem:$0x6B00] =	vst v63  }
0x126: {  	_ =	swait.ge [sflag:s16], $0x1880  }
0x127: {  	s10 =	sadd.s32 $0x1, s10;
	s12 =	rddreg [dreg:$0x8]  }
0x128: {  	p0 =	sne.s32 s10, s12  }
.Ltmp2:
0x129: {  	_ = 	snop;
	(pc) =	sbr.rel @p0 .LBB2_1-.Ltmp2, $3  }
0x12a: {  	_ =	sdelay $0x1  }
0x12b: {  	[sflag:s16] =	ssyncset.done $0x0  }
0x12c: {  	[sflag:s16] =	ssyncadd.s32 $0xFFFFE780  }
0x12d: {  	_ =	sfence.sel $0x180000  }
0x12e: {  	[bflag:$0x0] =	sbarrier.arrive $0xFFFF  }
0x12f: {  	_ =	strace $0x90000047  }
0x130: {  	s0 =	stileid.u32;
	[bflag:$0x2] =	sbarrier.arrive $0xFFFF  }
0x131: {  	p0 =	sne.s32 s0, $0x0;
	s0 =	rddreg [dreg:$0x4]  }
0x132: {  	s0 =	sadd.s32 @!p0 $0x100000, s0  }
0x133: {  	[sflag:s0] =	ssyncadd.tile.s32 @!p0 $0x1;
	_ =	shalt  }
.Lfunc_end2:
_tile_overlayer_lowered:
.L_overlay_start_2:
0x134: {  	(tag) =	ssettag $0x2  }
0x135: {  	s0 =	rddreg [dreg:$0x0];
	s2 =	stileid.u32  }
0x136: {  	s1 =	rddreg [dreg:$0x1];
	p0 =	sne.s32 s2, $0x0  }
0x137: {  	s3 =	rddreg [dreg:$0x2];
	[bflag:$0x3] =	sbarrier.arrive $0xFFFF;
	s2 =	simm.s32 @!p0 $0x1C01  }
0x138: {  	[timem:s3], [sflag:s2] =	dma.local @!p0 [hbm:s0], s1  }
0x139: {  	s0 =	simm.s32 @!p0 $0x1  }
0x13a: {  	_ =	swait.ge @!p0 [sflag:s0], s1  }
0x13b: {  	s1 =	ssub.s32 @!p0 $0x0, s1;
	[sflag:s0] =	ssyncset.done @!p0 $0x0  }
0x13c: {  	[sflag:s0] =	ssyncadd.s32 @!p0 s1  }
0x13d: {  	[bflag:$0x3] =	sbarrier.arrive $0xFFFF  }
0x13e: {  	_ =	shalt  }

// kernel: kernel.7.cloned.1.call-start
scs
__scs_entry_jumppad:
0x0: {  	(pc) =	sbr.rel $0x88, $3  }
0x1: {  	(tag) =	ssettag $0x0;
	lr =	simm.s32 $0x1  }
0x2: {  	[smem:$0x3F9B] =	sst lr;
	_ =	strace $0xD0000000  }
0x3: {  	_ = 	snop  }
0x4: {  	_ = 	snop  }
0x5: {  	_ = 	snop  }
0x6: {  	_ = 	snop  }
0x7: {  	_ = 	snop  }
__scs_overlays_trampoline_lowered:
0x8: {  	[smem:$0x3FAA] =	sst s0  }
0x9: {  	[smem:$0x3FAB] =	sst s1  }
0xa: {  	[smem:$0x3FAC] =	sst s2  }
0xb: {  	[smem:$0x3FAD] =	sst s3  }
0xc: {  	[smem:$0x3FAE] =	sst s4  }
0xd: {  	[smem:$0x3FAF] =	sst s5  }
0xe: {  	[smem:$0x3FB0] =	sst s6  }
0xf: {  	[smem:$0x3FB1] =	sst s7  }
0x10: {  	[smem:$0x3FB2] =	sst s8  }
0x11: {  	[smem:$0x3FB3] =	sst s9;
	s0 =	simm.s32 @!p0 $0x0  }
0x12: {  	s1 =	sld [smem:$0x3F99];
	s0 =	simm.s32 @p0 $0x1  }
0x13: {  	[smem:$0x3FB4] =	sst s0;
	s0 =	simm.s32 @!p1 $0x0  }
0x14: {  	s2 =	sld [smem:$0x3F98];
	s0 =	simm.s32 @p1 $0x1  }
0x15: {  	[smem:$0x3FB5] =	sst s0;
	s0 =	simm.s32 @!p2 $0x0  }
0x16: {  	s3 =	sld [smem:$0x3FDB];
	s0 =	simm.s32 @p2 $0x1  }
0x17: {  	s4 =	simm.s32 $0x1BF5;
	[smem:$0x3FB7] =	sst s0  }
0x18: {  	s0 =	sld [smem:$0x3F9A];
	_ =	swait.ge [sflag:s4], $0x0  }
0x19: {  	s7 =	sld [smem:$0x3F9B]  }
0x1a: {  	s8 =	sadd.s32 $0xFFFFE003, lr  }
0x1b: {  	s9 =	sadd.s32 $0xFFFFFEF7, lr;
	s5 =	simm.s32 $0xFFFFFFFF;
	p2 =	slt.u32 s8, $0xFFFFF086  }
0x1c: {  	p1 =	slt.u32 s9, $0xF7A;
	s5 =	simm.s32 @!p2 $0x0  }
0x1d: {  	s5 =	simm.s32 @p1 $0x1;
	p0 =	seq.s32 s7, s2  }
0x1e: {  	s7 =	smul.u32 @!p0 $0xF7A, s2;
	p2 =	seq.s32 @!p0 s5, $0x0  }
0x1f: {  	s9 =	smul.u32 $0xF7A, s1;
	s8 =	simm.s32 @!p0 $0x1BF5;
	p2 =	por !p2, p0  }
0x20: {  	[sflag:s8] =	ssyncset.s32 @!p0 $0xFFFFF086;
	s6 =	sadd.s32 @!p0 s3, s7;
	s7 =	simm.s32 @!p0 $0x108  }
0x21: {  	s3 =	sadd.s32 s3, s9;
	s6 =	sadd.s32 @!p0 $0x88, s6;
	s7 =	simm.s32 @p2 $0x1082  }
0x22: {  	[simem:s7], [sflag:s8] =	dma.local @!p0 [hbm:s6], $0xF7A  }
0x23: {  	s9 =	sor.u32 $0xD0000000, s2;
	s6 =	simm.s32 $0x108;
	_ =	swait.ge @!p0 [sflag:s8], $0x0  }
0x24: {  	s3 =	sadd.s32 $0x88, s3;
	s6 =	simm.s32 @!p1 $0x1082;
	[sflag:s4] =	ssyncset.s32 $0xFFFFF086  }
0x25: {  	[simem:s6], [sflag:s4] =	dma.local [hbm:s3], $0xF7A  }
0x26: {  	[smem:$0x3F9B] =	sst s1;
	(tag) =	ssettag s2;
	_ =	strace s9  }
0x27: {  	s1 =	sld [smem:$0x3FAB]  }
0x28: {  	s2 =	sld [smem:$0x3FAC]  }
0x29: {  	s4 =	sld [smem:$0x3FAE]  }
0x2a: {  	p0 =	seq.s32 s5, $0x0;
	s5 =	sld [smem:$0x3FAF]  }
0x2b: {  	s6 =	sld [smem:$0x3FB0]  }
0x2c: {  	s7 =	sld [smem:$0x3FB1]  }
0x2d: {  	s3 =	simm.s32 $0x108;
	s8 =	sld [smem:$0x3FB2]  }
0x2e: {  	s3 =	simm.s32 @!p0 $0x1082;
	s9 =	sld [smem:$0x3FB3]  }
0x2f: {  	lr =	sadd.s32 s0, s3;
	s0 =	sld [smem:$0x3FAA]  }
0x30: {  	s3 =	sld [smem:$0x3FAD]  }
0x31: {  	[smem:$0x3FB6] =	sst s10  }
0x32: {  	s10 =	sld [smem:$0x3FB4];
	_ =	sdelay $0x3  }
0x33: {  	p0 =	seq.s32 s10, $0x1;
	s10 =	sld [smem:$0x3FB6];
	_ =	sdelay $0x3  }
0x34: {  	[smem:$0x3FB6] =	sst s10  }
0x35: {  	s10 =	sld [smem:$0x3FB5];
	_ =	sdelay $0x3  }
0x36: {  	p1 =	seq.s32 s10, $0x1;
	s10 =	sld [smem:$0x3FB6];
	_ =	sdelay $0x3  }
0x37: {  	[smem:$0x3FB6] =	sst s10  }
0x38: {  	s10 =	sld [smem:$0x3FB7]  }
0x39: {  	_ = 	snop;
	(pc) =	sbr.ind lr, $3  }
0x3a: {  	_ = 	snop  }
0x3b: {  	_ = 	snop  }
0x3c: {  	p2 =	seq.s32 s10, $0x1;
	s10 =	sld [smem:$0x3FB6]  }
0x3d: {  	_ =	shalt  }
0x3e: {  	_ =	shalt  }
0x3f: {  	_ =	shalt  }
0x40: {  	_ =	shalt  }
0x41: {  	_ =	shalt  }
0x42: {  	_ =	shalt  }
0x43: {  	_ =	shalt  }
0x44: {  	_ =	shalt  }
0x45: {  	_ =	shalt  }
0x46: {  	_ =	shalt  }
0x47: {  	_ =	shalt  }
0x48: {  	_ =	shalt  }
0x49: {  	_ =	shalt  }
0x4a: {  	_ =	shalt  }
0x4b: {  	_ =	shalt  }
0x4c: {  	_ =	shalt  }
0x4d: {  	_ =	shalt  }
0x4e: {  	_ =	shalt  }
0x4f: {  	_ =	shalt  }
0x50: {  	_ =	shalt  }
0x51: {  	_ =	shalt  }
0x52: {  	_ =	shalt  }
0x53: {  	_ =	shalt  }
0x54: {  	_ =	shalt  }
0x55: {  	_ =	shalt  }
0x56: {  	_ =	shalt  }
0x57: {  	_ =	shalt  }
0x58: {  	_ =	shalt  }
0x59: {  	_ =	shalt  }
0x5a: {  	_ =	shalt  }
0x5b: {  	_ =	shalt  }
0x5c: {  	_ =	shalt  }
0x5d: {  	_ =	shalt  }
0x5e: {  	_ =	shalt  }
0x5f: {  	_ =	shalt  }
0x60: {  	_ =	shalt  }
0x61: {  	_ =	shalt  }
0x62: {  	_ =	shalt  }
0x63: {  	_ =	shalt  }
0x64: {  	_ =	shalt  }
0x65: {  	_ =	shalt  }
0x66: {  	_ =	shalt  }
0x67: {  	_ =	shalt  }
0x68: {  	_ =	shalt  }
0x69: {  	_ =	shalt  }
0x6a: {  	_ =	shalt  }
0x6b: {  	_ =	shalt  }
0x6c: {  	_ =	shalt  }
0x6d: {  	_ =	shalt  }
0x6e: {  	_ =	shalt  }
0x6f: {  	_ =	shalt  }
0x70: {  	_ =	shalt  }
0x71: {  	_ =	shalt  }
0x72: {  	_ =	shalt  }
0x73: {  	_ =	shalt  }
0x74: {  	_ =	shalt  }
0x75: {  	_ =	shalt  }
0x76: {  	_ =	shalt  }
0x77: {  	_ =	shalt  }
0x78: {  	_ =	shalt  }
0x79: {  	_ =	shalt  }
0x7a: {  	_ =	shalt  }
0x7b: {  	_ =	shalt  }
0x7c: {  	_ =	shalt  }
0x7d: {  	_ =	shalt  }
0x7e: {  	_ =	shalt  }
0x7f: {  	_ =	shalt  }
0x80: {  	_ =	shalt  }
0x81: {  	_ =	shalt  }
0x82: {  	_ =	shalt  }
0x83: {  	_ =	shalt  }
0x84: {  	_ =	shalt  }
0x85: {  	_ =	shalt  }
0x86: {  	_ =	shalt  }
0x87: {  	_ =	shalt  }
.Lfunc_end0:
.L_simem_size_0:
called_computation.1_lowered:
.L_overlay_start_0:
0x88: {  	s2 =	sld [smem:$0x3FD9]  }
0x89: {  	s3 =	sld [smem:$0x3FFE];
	_ =	sdelay $0x1  }
0x8a: {  	s1 =	srdreg.scid  }
0x8b: {  	s0 =	sand.u32 $0x1, s1  }
0x8c: {  	s16 =	sshll.u32 s0, $0xA;
	s2 =	sadd.s32 s3, s2  }
0x8d: {  	s2 =	sadd.s32 s2, s16  }
0x8e: {  	[smem:$0x3FC2] =	sst s2  }
0x8f: {  	_ = 	snop  }
0x90: {  	(tm) =	ssettm $0x1  }
0x91: {  	s17 =	sld [smem:$0x3FFB];
	_ =	sdelay $0x3  }
0x92: {  	_ =	strace s17  }
0x93: {  	s2 =	sld [smem:$0x3FFC];
	_ =	sdelay $0x3  }
0x94: {  	_ =	strace s2  }
0x95: {  	s2 =	sld [smem:$0x3FFD];
	_ =	sdelay $0x3  }
0x96: {  	_ =	strace s2  }
0x97: {  	_ =	strace $0x8FFFFFFF  }
0x98: {  	s18 =	sld [smem:$0x3FDB];
	_ =	sdelay $0x1  }
0x99: {  	s19 =	simm.s32 $_scs_section_size  }
0x9a: {  	s4 =	simm.s32 $_size__tile_overlayer_lowered;
	s5 =	simm.s32 $_tile_overlayer_lowered  }
0x9b: {  	s22 =	simm.s32 $0x1BFF;
	s21 =	sshll.u32 s5, $0x1;
	s2 =	sadd.s32 s19, s18  }
0x9c: {  	s6 =	simm.s32 $0x0;
	s20 =	sshll.u32 s4, $0x1;
	s4 =	sadd.s32 s21, s2  }
0x9d: {  	[timem:s6], [sflag:s22] =	dma.local [hbm:s4], s20  }
0x9e: {  	_ =	swait.ge [sflag:s22], s20  }
0x9f: {  	s3 =	ssub.s32 $0x0, s20;
	[sflag:s22] =	ssyncset.done $0x0  }
0xa0: {  	[sflag:s22] =	ssyncadd.s32 s3;
	_ =	sdelay $0x1  }
0xa1: {  	s23 =	simm.s32 $0x1B8B  }
0xa2: {  	_ =	swait.ge [sflag:s23], $0x1  }
0xa3: {  	[sflag:s23] =	ssyncset.done $0x0  }
0xa4: {  	s25 =	simm.s32 $0x1B8E;
	s24 =	sld [smem:$0x3FFE];
	[sflag:s23] =	ssyncadd.s32 $0xFFFFFFFF  }
0xa5: {  	s26 =	simm.s32 $execute0_lowered;
	[smem:$0x3FD2] =	sst s25  }
0xa6: {  	s4 =	sshll.u32 s26, $0x1;
	_ =	strace $0x80000049;
	[dreg:$0x1] =	wrdreg $0xFFFFFFFF  }
0xa7: {  	s28 =	simm.s32 $_size_execute0_lowered;
	s2 =	sadd.s32 s2, s4;
	[dreg:$0x0] =	wrdreg $0x0  }
0xa8: {  	s4 =	sshll.u32 s28, $0x1;
	[dreg:$0x2] =	wrdreg s2  }
0xa9: {  	[dreg:$0x3] =	wrdreg s4  }
0xaa: {  	[dreg:$0x4] =	wrdreg $0xC0  }
0xab: {  	_ =	task [dreg:s6], $0x5FFFF  }
0xac: {  	[dreg:$0x1] =	wrdreg $0xFFFFFFFF  }
0xad: {  	[dreg:$0x0] =	wrdreg $0x60  }
0xae: {  	[dreg:$0x2] =	wrdreg s24  }
0xaf: {  	[dreg:$0x3] =	wrdreg $0x24800  }
0xb0: {  	[dreg:$0x4] =	wrdreg $0x9  }
0xb1: {  	_ =	task.clear_ibuf [dreg:s6], $0x5FFFF;
	_ =	strace $0x90000049  }
0xb2: {  	s29 =	simm.s32 $0x9;
	_ =	strace $0x8000004B  }
0xb3: {  	_ =	swait.ge [sflag:s29], $0x1  }
0xb4: {  	[sflag:s29] =	ssyncadd.s32 $0xFFFFFFFF  }
0xb5: {  	_ =	strace $0x9000004B  }
0xb6: {  	_ =	sfence  }
0xb7: {  	s30 =	sld [smem:$0x0];
	_ =	sdelay $0x2  }
0xb8: {  	s31 =	sshll.u32 s1, $0xD;
	s1 =	sshrl.u32 s1, $0x2  }
0xb9: {  	s3 =	sand.u32 $0x4000, s31;
	s1 =	sadd.s32 s1, s30  }
0xba: {  	s0 =	sor.u32 s3, s0;
	s1 =	sshll.u32 s1, $0x11  }
0xbb: {  	s0 =	sor.u32 s1, s0  }
0xbc: {  	s0 =	sadd.s32 $0x8F2B, s0  }
0xbd: {  	[sflag:s0] =	ssyncadd.remote.s32 $0x1  }
0xbe: {  	_ =	sfence.sel $0xFFFF  }
0xbf: {  	[dreg:$0x0] =	wrdreg $0xFFFFFFFF;
	(pc) =	sbr.abs _section_cstart, $3  }
0xc0: {  	[dreg:$0x1] =	wrdreg $0xFFFFFFFF  }
0xc1: {  	_ =	task.clear_ibuf [dreg:s6], $0x2FFFF;
	_ =	strace $0x9FFFFFFF  }
0xc2: {  	(tm) =	ssettm $0x7FFFFFFF  }
0xc3: {  	_ =	shalt  }
tec
execute0_lowered:
.L_overlay_start_1:
0x0: {  	(tag) =	ssettag $0x1  }
0x1: {  	s0 =	rddreg [dreg:$0x0]  }
0x2: {  	s2 =	rddreg [dreg:$0x1]  }
0x3: {  	s1 =	srdreg.scid;
	s7 =	stileid.u32  }
0x4: {  	s3 =	simm.s32 $0x0;
	s10 =	simm.s32 $0x2;
	s11 =	simm.s32 $0x400  }
0x5: {  	s12 =	simm.s32 $0x80;
	s25 =	simm.s32 $0x100;
	s13 =	simm.s32 $0x800  }
0x6: {  	s26 =	simm.s32 $0x180;
	s14 =	simm.s32 $0x880;
	s15 =	simm.s32 $0x900  }
0x7: {  	s16 =	simm.s32 $0x980;
	s17 =	simm.s32 $0x200;
	s18 =	simm.s32 $0xA00  }
0x8: {  	s19 =	simm.s32 $0x280;
	s28 =	simm.s32 $0x500;
	s29 =	simm.s32 $0x580  }
0x9: {  	s30 =	simm.s32 $0x600;
	s31 =	simm.s32 $0x680;
	s5 =	smul.u32 $0x1880, s7  }
0xa: {  	s1 =	sand.u32 $0x1, s1;
	[smem:$0x7FF] =	sst s3;
	s7 =	smul.u32 $0x3100, s7  }
0xb: {  	s4 =	sadd.s32 $0x62000, s0;
	s6 =	smul.u32 $0x18800, s1;
	_ =	strace $0x8000004A  }
0xc: {  	s8 =	ssub.s32 $0x2, s1;
	s1 =	smul.u32 $0x1880, s1;
	[dreg:$0x4] =	wrdreg s25  }
0xd: {  	[dreg:$0x5] =	wrdreg s26;
	s25 =	simm.s32 $0x1;
	s20 =	sshrl.u32 s8, $0x1  }
0xe: {  	s26 =	simm.s32 $0x480;
	s6 =	sadd.s32 s5, s6;
	s21 =	ssub.s32 s8, s20  }
0xf: {  	s5 =	sadd.s32 s5, s2;
	s20 =	simm.s32 $0xA80;
	s8 =	simm.s32 $0x0  }
0x10: {  	s6 =	sshrl.u32 s6, $0x3;
	[dreg:$0x6] =	wrdreg s5;
	s23 =	smax.u32 s21, $0x1  }
0x11: {  	s21 =	simm.s32 $0x300;
	s9 =	sadd.s32 s6, s0;
	s0 =	sadd.s32 s7, s0  }
0x12: {  	[dreg:$0x8] =	wrdreg s23;
	s7 =	simm.s32 $0xC00;
	s23 =	simm.s32 $0x380  }
0x13: {  	s6 =	sadd.s32 s1, s0;
	s22 =	sadd.s32 $0x74600, s9;
	s0 =	simm.s32 $0x700  }
0x14: {  	s1 =	simm.s32 $0x780;
	[dreg:$0x7] =	wrdreg s22;
	s24 =	sadd.s32 $0x31000, s6  }
0x15: {  	v0 =	vimm.f32 $0.0e+00;
	s22 =	simm.s32 $0xB00;
	[dreg:$0x3] =	wrdreg s24;
	s24 =	simm.s32 $0xB80  }
.LBB2_1:
0x16: {  	[dreg:$0x9] =	wrdreg s8;
	s5 =	simm.s32 $0x40;
	s8 =	simm.s32 $0x0  }
.LBB2_2:
0x17: {  	p0 =	sne.s32 s5, $0x61C0;
	[tilespmem:s8+$0xC00] =	vst v0;
	s8 =	smov.u32 s5;
	s5 =	sadd.s32 $0x40, s5  }
.Ltmp0:
0x18: {  	(pc) =	sbr.rel @p0 .LBB2_2-.Ltmp0, $2  }
0x19: {  	_ =	sdelay $0x2  }
0x1a: {  	s8 =	sshra.s32 s8, $0x2  }
0x1b: {  	[tilespmem:s8+$0xC00] =	vst v0;
	s5 =	rddreg [dreg:$0x6]  }
0x1c: {  	[spmem:s5] =	stream.linear.scatter [tilespmem:s7], [sflag:$0x2], $0x1880, $0x38;
	[tilespmem:$0x3D00] =	vst v63  }
0x1d: {  	_ =	swait.ge [sflag:s10], $0x1880  }
0x1e: {  	[sflag:s10] =	ssyncset.done $0x0  }
0x1f: {  	[sflag:s10] =	ssyncadd.s32 $0xFFFFE780  }
0x20: {  	[bflag:$0x0] =	sbarrier.arrive $0xFFFF  }
0x21: {  	s9 =	rddreg [dreg:$0x3]  }
0x22: {  	s5 =	sadd.s32 $0x0, s9  }
0x23: {  	[tilespmem:s3], [sflag:$0x2] =	stream.linear.gather [hbm4b:s5+s3], $0x400, $0x38;
	[tilespmem:$0x3D00] =	vst v63  }
0x24: {  	_ =	swait.ge [sflag:s10], $0x400  }
0x25: {  	[sflag:s10] =	ssyncset.done $0x0  }
0x26: {  	s7 =	sadd.s32 $0x0, s6;
	[sflag:s10] =	ssyncadd.s32 $0xFFFFFC00  }
0x27: {  	[tilespmem:s11], [sflag:$0x2] =	stream.linear.gather [hbm4b:s7+s3], $0x400, $0x38;
	[tilespmem:$0x3D00] =	vst v63  }
0x28: {  	_ =	swait.ge [sflag:s10], $0x400  }
0x29: {  	[sflag:s10] =	ssyncset.done $0x0  }
0x2a: {  	[sflag:s10] =	ssyncadd.s32 $0xFFFFFC00  }
0x2b: {  	[tilespmem:s13], [sflag:$0x1] =	stream.indirect.gather [hbm4b:s4+s12], $0x1, s3, s12, $0xb8;
	[tilespmem:$0x3D00] =	vst v63  }
0x2c: {  	_ = 	snop  }
0x2d: {  	[tilespmem:s14], [sflag:$0x1] =	stream.indirect.gather [hbm4b:s4+s12], $0x1, s12, s12, $0xb8;
	[tilespmem:$0x3D00] =	vst v63  }
0x2e: {  	s8 =	rddreg [dreg:$0x4]  }
0x2f: {  	[tilespmem:s15], [sflag:$0x1] =	stream.indirect.gather [hbm4b:s4+s12], $0x1, s8, s12, $0xb8;
	[tilespmem:$0x3D00] =	vst v63  }
0x30: {  	s9 =	rddreg [dreg:$0x5]  }
0x31: {  	[tilespmem:s16], [sflag:$0x1] =	stream.indirect.gather [hbm4b:s4+s12], $0x1, s9, s12, $0xb8;
	[tilespmem:$0x3D00] =	vst v63  }
0x32: {  	_ = 	snop  }
0x33: {  	[tilespmem:s18], [sflag:$0x1] =	stream.indirect.gather [hbm4b:s4+s12], $0x1, s17, s12, $0xb8;
	[tilespmem:$0x3D00] =	vst v63  }
0x34: {  	_ = 	snop  }
0x35: {  	[tilespmem:s20], [sflag:$0x1] =	stream.indirect.gather [hbm4b:s4+s12], $0x1, s19, s12, $0xb8;
	[tilespmem:$0x3D00] =	vst v63  }
0x36: {  	_ = 	snop  }
0x37: {  	[tilespmem:s22], [sflag:$0x1] =	stream.indirect.gather [hbm4b:s4+s12], $0x1, s21, s12, $0xb8;
	[tilespmem:$0x3D00] =	vst v63  }
0x38: {  	_ = 	snop  }
0x39: {  	[tilespmem:s24], [sflag:$0x1] =	stream.indirect.gather [hbm4b:s4+s12], $0x1, s23, s12, $0xb8;
	[tilespmem:$0x3D00] =	vst v63  }
0x3a: {  	_ =	swait.ge [sflag:s25], $0x80  }
0x3b: {  	[sflag:s25] =	ssyncset.done $0x0  }
0x3c: {  	[sflag:s25] =	ssyncadd.s32 $0xFFFFFF80  }
0x3d: {  	_ =	swait.ge [sflag:s25], $0x80  }
0x3e: {  	[sflag:s25] =	ssyncset.done $0x0  }
0x3f: {  	[sflag:s25] =	ssyncadd.s32 $0xFFFFFF80  }
0x40: {  	_ =	swait.ge [sflag:s25], $0x80  }
0x41: {  	[sflag:s25] =	ssyncset.done $0x0  }
0x42: {  	[sflag:s25] =	ssyncadd.s32 $0xFFFFFF80  }
0x43: {  	_ =	swait.ge [sflag:s25], $0x80  }
0x44: {  	[sflag:s25] =	ssyncset.done $0x0  }
0x45: {  	[sflag:s25] =	ssyncadd.s32 $0xFFFFFF80  }
0x46: {  	_ =	swait.ge [sflag:s25], $0x80  }
0x47: {  	[sflag:s25] =	ssyncset.done $0x0  }
0x48: {  	[sflag:s25] =	ssyncadd.s32 $0xFFFFFF80  }
0x49: {  	_ =	swait.ge [sflag:s25], $0x80  }
0x4a: {  	[sflag:s25] =	ssyncset.done $0x0  }
0x4b: {  	[sflag:s25] =	ssyncadd.s32 $0xFFFFFF80  }
0x4c: {  	_ =	swait.ge [sflag:s25], $0x80  }
0x4d: {  	[sflag:s25] =	ssyncset.done $0x0  }
0x4e: {  	[sflag:s25] =	ssyncadd.s32 $0xFFFFFF80  }
0x4f: {  	_ =	swait.ge [sflag:s25], $0x80  }
0x50: {  	[sflag:s25] =	ssyncset.done $0x0  }
0x51: {  	[sflag:s25] =	ssyncadd.s32 $0xFFFFFF80  }
0x52: {  	[spmem:s2] =	stream.indirect.scatter.add.f32 [tilespmem:s13], [sflag:$0x2], $0x1, s11, s12, $0xb8;
	[tilespmem:$0x3D00] =	vst v63  }
0x53: {  	_ =	swait.ge [sflag:s10], $0x80  }
0x54: {  	[sflag:s10] =	ssyncset.done $0x0  }
0x55: {  	[sflag:s10] =	ssyncadd.s32 $0xFFFFFF80  }
0x56: {  	[spmem:s2] =	stream.indirect.scatter.add.f32 [tilespmem:s14], [sflag:$0x2], $0x1, s26, s12, $0xb8;
	[tilespmem:$0x3D00] =	vst v63  }
0x57: {  	_ =	swait.ge [sflag:s10], $0x80  }
0x58: {  	[sflag:s10] =	ssyncset.done $0x0  }
0x59: {  	[sflag:s10] =	ssyncadd.s32 $0xFFFFFF80  }
0x5a: {  	[spmem:s2] =	stream.indirect.scatter.add.f32 [tilespmem:s15], [sflag:$0x2], $0x1, s28, s12, $0xb8;
	[tilespmem:$0x3D00] =	vst v63  }
0x5b: {  	_ =	swait.ge [sflag:s10], $0x80  }
0x5c: {  	[sflag:s10] =	ssyncset.done $0x0  }
0x5d: {  	[sflag:s10] =	ssyncadd.s32 $0xFFFFFF80  }
0x5e: {  	[spmem:s2] =	stream.indirect.scatter.add.f32 [tilespmem:s16], [sflag:$0x2], $0x1, s29, s12, $0xb8;
	[tilespmem:$0x3D00] =	vst v63  }
0x5f: {  	_ =	swait.ge [sflag:s10], $0x80  }
0x60: {  	[sflag:s10] =	ssyncset.done $0x0  }
0x61: {  	[sflag:s10] =	ssyncadd.s32 $0xFFFFFF80  }
0x62: {  	[spmem:s2] =	stream.indirect.scatter.add.f32 [tilespmem:s18], [sflag:$0x2], $0x1, s30, s12, $0xb8;
	[tilespmem:$0x3D00] =	vst v63  }
0x63: {  	_ =	swait.ge [sflag:s10], $0x80  }
0x64: {  	[sflag:s10] =	ssyncset.done $0x0  }
0x65: {  	[sflag:s10] =	ssyncadd.s32 $0xFFFFFF80  }
0x66: {  	[spmem:s2] =	stream.indirect.scatter.add.f32 [tilespmem:s20], [sflag:$0x2], $0x1, s31, s12, $0xb8;
	[tilespmem:$0x3D00] =	vst v63  }
0x67: {  	_ =	swait.ge [sflag:s10], $0x80  }
0x68: {  	[sflag:s10] =	ssyncset.done $0x0  }
0x69: {  	[sflag:s10] =	ssyncadd.s32 $0xFFFFFF80  }
0x6a: {  	[spmem:s2] =	stream.indirect.scatter.add.f32 [tilespmem:s22], [sflag:$0x2], $0x1, s0, s12, $0xb8;
	[tilespmem:$0x3D00] =	vst v63  }
0x6b: {  	_ =	swait.ge [sflag:s10], $0x80  }
0x6c: {  	[sflag:s10] =	ssyncset.done $0x0  }
0x6d: {  	[sflag:s10] =	ssyncadd.s32 $0xFFFFFF80  }
0x6e: {  	[spmem:s2] =	stream.indirect.scatter.add.f32 [tilespmem:s24], [sflag:$0x2], $0x1, s1, s12, $0xb8;
	[tilespmem:$0x3D00] =	vst v63  }
0x6f: {  	s8 =	simm.s32 $0x80;
	_ =	swait.ge [sflag:s10], $0x80  }
0x70: {  	s9 =	simm.s32 $0x100;
	s5 =	rddreg [dreg:$0x3];
	[sflag:s10] =	ssyncset.done $0x0  }
.LBB2_4:
0x71: {  	[sflag:s10] =	ssyncadd.s32 $0xFFFFFF80;
	s5 =	sadd.s32 s8, s5  }
0x72: {  	[tilespmem:s3], [sflag:$0x2] =	stream.linear.gather [hbm4b:s5+s3], $0x400, $0x38;
	[tilespmem:$0x3D00] =	vst v63  }
0x73: {  	_ =	swait.ge [sflag:s10], $0x400  }
0x74: {  	[sflag:s10] =	ssyncset.done $0x0  }
0x75: {  	s5 =	sadd.s32 s8, s6;
	[sflag:s10] =	ssyncadd.s32 $0xFFFFFC00  }
0x76: {  	[tilespmem:s11], [sflag:$0x2] =	stream.linear.gather [hbm4b:s5+s3], $0x400, $0x38;
	[tilespmem:$0x3D00] =	vst v63  }
0x77: {  	_ =	swait.ge [sflag:s10], $0x400  }
0x78: {  	[sflag:s10] =	ssyncset.done $0x0  }
0x79: {  	[sflag:s10] =	ssyncadd.s32 $0xFFFFFC00  }
0x7a: {  	[tilespmem:s13], [sflag:$0x1] =	stream.indirect.gather [hbm4b:s4+s12], $0x1, s3, s12, $0xb8;
	[tilespmem:$0x3D00] =	vst v63  }
0x7b: {  	_ = 	snop  }
0x7c: {  	[tilespmem:s14], [sflag:$0x1] =	stream.indirect.gather [hbm4b:s4+s12], $0x1, s12, s12, $0xb8;
	[tilespmem:$0x3D00] =	vst v63  }
0x7d: {  	s7 =	smov.u32 s9;
	s5 =	rddreg [dreg:$0x4]  }
0x7e: {  	[tilespmem:s15], [sflag:$0x1] =	stream.indirect.gather [hbm4b:s4+s12], $0x1, s5, s12, $0xb8;
	[tilespmem:$0x3D00] =	vst v63  }
0x7f: {  	s8 =	smov.u32 s7;
	s7 =	rddreg [dreg:$0x5]  }
0x80: {  	[tilespmem:s16], [sflag:$0x1] =	stream.indirect.gather [hbm4b:s4+s12], $0x1, s7, s12, $0xb8;
	[tilespmem:$0x3D00] =	vst v63  }
0x81: {  	_ = 	snop  }
0x82: {  	[tilespmem:s18], [sflag:$0x1] =	stream.indirect.gather [hbm4b:s4+s12], $0x1, s17, s12, $0xb8;
	[tilespmem:$0x3D00] =	vst v63  }
0x83: {  	_ = 	snop  }
0x84: {  	[tilespmem:s20], [sflag:$0x1] =	stream.indirect.gather [hbm4b:s4+s12], $0x1, s19, s12, $0xb8;
	[tilespmem:$0x3D00] =	vst v63  }
0x85: {  	_ = 	snop  }
0x86: {  	[tilespmem:s22], [sflag:$0x1] =	stream.indirect.gather [hbm4b:s4+s12], $0x1, s21, s12, $0xb8;
	[tilespmem:$0x3D00] =	vst v63  }
0x87: {  	_ = 	snop  }
0x88: {  	[tilespmem:s24], [sflag:$0x1] =	stream.indirect.gather [hbm4b:s4+s12], $0x1, s23, s12, $0xb8;
	[tilespmem:$0x3D00] =	vst v63  }
0x89: {  	_ =	swait.ge [sflag:s25], $0x80  }
0x8a: {  	[sflag:s25] =	ssyncset.done $0x0  }
0x8b: {  	[sflag:s25] =	ssyncadd.s32 $0xFFFFFF80  }
0x8c: {  	_ =	swait.ge [sflag:s25], $0x80  }
0x8d: {  	[sflag:s25] =	ssyncset.done $0x0  }
0x8e: {  	[sflag:s25] =	ssyncadd.s32 $0xFFFFFF80  }
0x8f: {  	_ =	swait.ge [sflag:s25], $0x80  }
0x90: {  	[sflag:s25] =	ssyncset.done $0x0  }
0x91: {  	[sflag:s25] =	ssyncadd.s32 $0xFFFFFF80  }
0x92: {  	_ =	swait.ge [sflag:s25], $0x80  }
0x93: {  	[sflag:s25] =	ssyncset.done $0x0  }
0x94: {  	[sflag:s25] =	ssyncadd.s32 $0xFFFFFF80  }
0x95: {  	_ =	swait.ge [sflag:s25], $0x80  }
0x96: {  	[sflag:s25] =	ssyncset.done $0x0  }
0x97: {  	[sflag:s25] =	ssyncadd.s32 $0xFFFFFF80  }
0x98: {  	_ =	swait.ge [sflag:s25], $0x80  }
0x99: {  	[sflag:s25] =	ssyncset.done $0x0  }
0x9a: {  	[sflag:s25] =	ssyncadd.s32 $0xFFFFFF80  }
0x9b: {  	_ =	swait.ge [sflag:s25], $0x80  }
0x9c: {  	[sflag:s25] =	ssyncset.done $0x0  }
0x9d: {  	[sflag:s25] =	ssyncadd.s32 $0xFFFFFF80  }
0x9e: {  	_ =	swait.ge [sflag:s25], $0x80  }
0x9f: {  	[sflag:s25] =	ssyncset.done $0x0  }
0xa0: {  	[sflag:s25] =	ssyncadd.s32 $0xFFFFFF80  }
0xa1: {  	[spmem:s2] =	stream.indirect.scatter.add.f32 [tilespmem:s13], [sflag:$0x2], $0x1, s11, s12, $0xb8;
	[tilespmem:$0x3D00] =	vst v63  }
0xa2: {  	_ =	swait.ge [sflag:s10], $0x80  }
0xa3: {  	[sflag:s10] =	ssyncset.done $0x0  }
0xa4: {  	[sflag:s10] =	ssyncadd.s32 $0xFFFFFF80  }
0xa5: {  	[spmem:s2] =	stream.indirect.scatter.add.f32 [tilespmem:s14], [sflag:$0x2], $0x1, s26, s12, $0xb8;
	[tilespmem:$0x3D00] =	vst v63  }
0xa6: {  	_ =	swait.ge [sflag:s10], $0x80  }
0xa7: {  	[sflag:s10] =	ssyncset.done $0x0  }
0xa8: {  	[sflag:s10] =	ssyncadd.s32 $0xFFFFFF80  }
0xa9: {  	[spmem:s2] =	stream.indirect.scatter.add.f32 [tilespmem:s15], [sflag:$0x2], $0x1, s28, s12, $0xb8;
	[tilespmem:$0x3D00] =	vst v63  }
0xaa: {  	_ =	swait.ge [sflag:s10], $0x80  }
0xab: {  	[sflag:s10] =	ssyncset.done $0x0  }
0xac: {  	[sflag:s10] =	ssyncadd.s32 $0xFFFFFF80  }
0xad: {  	[spmem:s2] =	stream.indirect.scatter.add.f32 [tilespmem:s16], [sflag:$0x2], $0x1, s29, s12, $0xb8;
	[tilespmem:$0x3D00] =	vst v63  }
0xae: {  	_ =	swait.ge [sflag:s10], $0x80  }
0xaf: {  	[sflag:s10] =	ssyncset.done $0x0  }
0xb0: {  	[sflag:s10] =	ssyncadd.s32 $0xFFFFFF80  }
0xb1: {  	[spmem:s2] =	stream.indirect.scatter.add.f32 [tilespmem:s18], [sflag:$0x2], $0x1, s30, s12, $0xb8;
	[tilespmem:$0x3D00] =	vst v63  }
0xb2: {  	_ =	swait.ge [sflag:s10], $0x80  }
0xb3: {  	[sflag:s10] =	ssyncset.done $0x0  }
0xb4: {  	[sflag:s10] =	ssyncadd.s32 $0xFFFFFF80  }
0xb5: {  	[spmem:s2] =	stream.indirect.scatter.add.f32 [tilespmem:s20], [sflag:$0x2], $0x1, s31, s12, $0xb8;
	[tilespmem:$0x3D00] =	vst v63  }
0xb6: {  	_ =	swait.ge [sflag:s10], $0x80  }
0xb7: {  	[sflag:s10] =	ssyncset.done $0x0  }
0xb8: {  	[sflag:s10] =	ssyncadd.s32 $0xFFFFFF80  }
0xb9: {  	[spmem:s2] =	stream.indirect.scatter.add.f32 [tilespmem:s22], [sflag:$0x2], $0x1, s0, s12, $0xb8;
	[tilespmem:$0x3D00] =	vst v63  }
0xba: {  	p0 =	sne.s32 s9, $0x1800;
	_ =	swait.ge [sflag:s10], $0x80  }
.Ltmp1:
0xbb: {  	[sflag:s10] =	ssyncset.done $0x0;
	(pc) =	sbr.rel @p0 .LBB2_4-.Ltmp1, $4  }
0xbc: {  	[sflag:s10] =	ssyncadd.s32 $0xFFFFFF80  }
0xbd: {  	[spmem:s2] =	stream.indirect.scatter.add.f32 [tilespmem:s24], [sflag:$0x2], $0x1, s1, s12, $0xb8;
	[tilespmem:$0x3D00] =	vst v63  }
0xbe: {  	_ =	swait.ge [sflag:s10], $0x80  }
0xbf: {  	s9 =	sadd.s32 $0x80, s9;
	s5 =	rddreg [dreg:$0x3];
	[sflag:s10] =	ssyncset.done $0x0  }
0xc0: {  	[sflag:s10] =	ssyncadd.s32 $0xFFFFFF80;
	s5 =	sadd.s32 s8, s5  }
0xc1: {  	[tilespmem:s3], [sflag:$0x2] =	stream.linear.gather [hbm4b:s5+s3], $0x400, $0x38;
	[tilespmem:$0x3D00] =	vst v63  }
0xc2: {  	_ =	swait.ge [sflag:s10], $0x400  }
0xc3: {  	[sflag:s10] =	ssyncset.done $0x0  }
0xc4: {  	s8 =	sadd.s32 s8, s6;
	[sflag:s10] =	ssyncadd.s32 $0xFFFFFC00  }
0xc5: {  	[tilespmem:s11], [sflag:$0x2] =	stream.linear.gather [hbm4b:s8+s3], $0x400, $0x38;
	[tilespmem:$0x3D00] =	vst v63  }
0xc6: {  	_ =	swait.ge [sflag:s10], $0x400  }
0xc7: {  	[sflag:s10] =	ssyncset.done $0x0  }
0xc8: {  	[sflag:s10] =	ssyncadd.s32 $0xFFFFFC00  }
0xc9: {  	[tilespmem:s13], [sflag:$0x1] =	stream.indirect.gather [hbm4b:s4+s12], $0x1, s3, s12, $0xb8;
	[tilespmem:$0x3D00] =	vst v63  }
0xca: {  	_ = 	snop  }
0xcb: {  	[tilespmem:s14], [sflag:$0x1] =	stream.indirect.gather [hbm4b:s4+s12], $0x1, s12, s12, $0xb8;
	[tilespmem:$0x3D00] =	vst v63  }
0xcc: {  	s9 =	rddreg [dreg:$0x4]  }
0xcd: {  	[tilespmem:s15], [sflag:$0x1] =	stream.indirect.gather [hbm4b:s4+s12], $0x1, s9, s12, $0xb8;
	[tilespmem:$0x3D00] =	vst v63  }
0xce: {  	s7 =	rddreg [dreg:$0x5]  }
0xcf: {  	[tilespmem:s16], [sflag:$0x1] =	stream.indirect.gather [hbm4b:s4+s12], $0x1, s7, s12, $0xb8;
	[tilespmem:$0x3D00] =	vst v63  }
0xd0: {  	_ = 	snop  }
0xd1: {  	[tilespmem:s18], [sflag:$0x1] =	stream.indirect.gather [hbm4b:s4+s12], $0x1, s17, s12, $0xb8;
	[tilespmem:$0x3D00] =	vst v63  }
0xd2: {  	_ = 	snop  }
0xd3: {  	[tilespmem:s20], [sflag:$0x1] =	stream.indirect.gather [hbm4b:s4+s12], $0x1, s19, s12, $0xb8;
	[tilespmem:$0x3D00] =	vst v63  }
0xd4: {  	_ = 	snop  }
0xd5: {  	[tilespmem:s22], [sflag:$0x1] =	stream.indirect.gather [hbm4b:s4+s12], $0x1, s21, s12, $0xb8;
	[tilespmem:$0x3D00] =	vst v63  }
0xd6: {  	_ = 	snop  }
0xd7: {  	[tilespmem:s24], [sflag:$0x1] =	stream.indirect.gather [hbm4b:s4+s12], $0x1, s23, s12, $0xb8;
	[tilespmem:$0x3D00] =	vst v63  }
0xd8: {  	_ =	swait.ge [sflag:s25], $0x80  }
0xd9: {  	[sflag:s25] =	ssyncset.done $0x0  }
0xda: {  	[sflag:s25] =	ssyncadd.s32 $0xFFFFFF80  }
0xdb: {  	_ =	swait.ge [sflag:s25], $0x80  }
0xdc: {  	[sflag:s25] =	ssyncset.done $0x0  }
0xdd: {  	[sflag:s25] =	ssyncadd.s32 $0xFFFFFF80  }
0xde: {  	_ =	swait.ge [sflag:s25], $0x80  }
0xdf: {  	[sflag:s25] =	ssyncset.done $0x0  }
0xe0: {  	[sflag:s25] =	ssyncadd.s32 $0xFFFFFF80  }
0xe1: {  	_ =	swait.ge [sflag:s25], $0x80  }
0xe2: {  	[sflag:s25] =	ssyncset.done $0x0  }
0xe3: {  	[sflag:s25] =	ssyncadd.s32 $0xFFFFFF80  }
0xe4: {  	_ =	swait.ge [sflag:s25], $0x80  }
0xe5: {  	[sflag:s25] =	ssyncset.done $0x0  }
0xe6: {  	[sflag:s25] =	ssyncadd.s32 $0xFFFFFF80  }
0xe7: {  	_ =	swait.ge [sflag:s25], $0x80  }
0xe8: {  	[sflag:s25] =	ssyncset.done $0x0  }
0xe9: {  	[sflag:s25] =	ssyncadd.s32 $0xFFFFFF80  }
0xea: {  	_ =	swait.ge [sflag:s25], $0x80  }
0xeb: {  	[sflag:s25] =	ssyncset.done $0x0  }
0xec: {  	[sflag:s25] =	ssyncadd.s32 $0xFFFFFF80  }
0xed: {  	_ =	swait.ge [sflag:s25], $0x80  }
0xee: {  	[sflag:s25] =	ssyncset.done $0x0  }
0xef: {  	[sflag:s25] =	ssyncadd.s32 $0xFFFFFF80  }
0xf0: {  	[spmem:s2] =	stream.indirect.scatter.add.f32 [tilespmem:s13], [sflag:$0x2], $0x1, s11, s12, $0xb8;
	[tilespmem:$0x3D00] =	vst v63  }
0xf1: {  	_ =	swait.ge [sflag:s10], $0x80  }
0xf2: {  	[sflag:s10] =	ssyncset.done $0x0  }
0xf3: {  	[sflag:s10] =	ssyncadd.s32 $0xFFFFFF80  }
0xf4: {  	[spmem:s2] =	stream.indirect.scatter.add.f32 [tilespmem:s14], [sflag:$0x2], $0x1, s26, s12, $0xb8;
	[tilespmem:$0x3D00] =	vst v63  }
0xf5: {  	_ =	swait.ge [sflag:s10], $0x80  }
0xf6: {  	[sflag:s10] =	ssyncset.done $0x0  }
0xf7: {  	[sflag:s10] =	ssyncadd.s32 $0xFFFFFF80  }
0xf8: {  	[spmem:s2] =	stream.indirect.scatter.add.f32 [tilespmem:s15], [sflag:$0x2], $0x1, s28, s12, $0xb8;
	[tilespmem:$0x3D00] =	vst v63  }
0xf9: {  	_ =	swait.ge [sflag:s10], $0x80  }
0xfa: {  	[sflag:s10] =	ssyncset.done $0x0  }
0xfb: {  	[sflag:s10] =	ssyncadd.s32 $0xFFFFFF80  }
0xfc: {  	[spmem:s2] =	stream.indirect.scatter.add.f32 [tilespmem:s16], [sflag:$0x2], $0x1, s29, s12, $0xb8;
	[tilespmem:$0x3D00] =	vst v63  }
0xfd: {  	_ =	swait.ge [sflag:s10], $0x80  }
0xfe: {  	[sflag:s10] =	ssyncset.done $0x0  }
0xff: {  	[sflag:s10] =	ssyncadd.s32 $0xFFFFFF80  }
0x100: {  	[spmem:s2] =	stream.indirect.scatter.add.f32 [tilespmem:s18], [sflag:$0x2], $0x1, s30, s12, $0xb8;
	[tilespmem:$0x3D00] =	vst v63  }
0x101: {  	_ =	swait.ge [sflag:s10], $0x80  }
0x102: {  	[sflag:s10] =	ssyncset.done $0x0  }
0x103: {  	[sflag:s10] =	ssyncadd.s32 $0xFFFFFF80  }
0x104: {  	[spmem:s2] =	stream.indirect.scatter.add.f32 [tilespmem:s20], [sflag:$0x2], $0x1, s31, s12, $0xb8;
	[tilespmem:$0x3D00] =	vst v63  }
0x105: {  	_ =	swait.ge [sflag:s10], $0x80  }
0x106: {  	[sflag:s10] =	ssyncset.done $0x0  }
0x107: {  	[sflag:s10] =	ssyncadd.s32 $0xFFFFFF80  }
0x108: {  	[spmem:s2] =	stream.indirect.scatter.add.f32 [tilespmem:s22], [sflag:$0x2], $0x1, s0, s12, $0xb8;
	[tilespmem:$0x3D00] =	vst v63  }
0x109: {  	_ =	swait.ge [sflag:s10], $0x80  }
0x10a: {  	[sflag:s10] =	ssyncset.done $0x0  }
0x10b: {  	[sflag:s10] =	ssyncadd.s32 $0xFFFFFF80  }
0x10c: {  	[spmem:s2] =	stream.indirect.scatter.add.f32 [tilespmem:s24], [sflag:$0x2], $0x1, s1, s12, $0xb8;
	[tilespmem:$0x3D00] =	vst v63  }
0x10d: {  	_ =	swait.ge [sflag:s10], $0x80  }
0x10e: {  	[sflag:s10] =	ssyncset.done $0x0  }
0x10f: {  	[sflag:s10] =	ssyncadd.s32 $0xFFFFFF80  }
0x110: {  	[bflag:$0x0] =	sbarrier.arrive $0xFFFF  }
0x111: {  	s7 =	simm.s32 $0xC00;
	s8 =	rddreg [dreg:$0x6]  }
0x112: {  	[tilespmem:s7], [sflag:$0x2] =	stream.linear.gather [spmem:s8], $0x1880, $0x38;
	[tilespmem:$0x3D00] =	vst v63  }
0x113: {  	_ =	swait.ge [sflag:s10], $0x1880  }
0x114: {  	[sflag:s10] =	ssyncset.done $0x0  }
0x115: {  	s9 =	rddreg [dreg:$0x7];
	[sflag:s10] =	ssyncadd.s32 $0xFFFFE780  }
0x116: {  	[hbm4b:s9+s3] =	stream.linear.scatter [tilespmem:s7], [sflag:$0x2], $0x1880, $0x38;
	[tilespmem:$0x3D00] =	vst v63  }
0x117: {  	_ =	swait.ge [sflag:s10], $0x1880  }
0x118: {  	s5 =	rddreg [dreg:$0x9]  }
0x119: {  	s9 =	rddreg [dreg:$0x8];
	s8 =	sadd.s32 $0x1, s5  }
0x11a: {  	p0 =	sne.s32 s8, s9  }
.Ltmp2:
0x11b: {  	_ = 	snop;
	(pc) =	sbr.rel @p0 .LBB2_1-.Ltmp2, $3  }
0x11c: {  	_ =	sdelay $0x1  }
0x11d: {  	[sflag:s10] =	ssyncset.done $0x0  }
0x11e: {  	[sflag:s10] =	ssyncadd.s32 $0xFFFFE780  }
0x11f: {  	_ =	sfence.sel $0x180000  }
0x120: {  	[bflag:$0x0] =	sbarrier.arrive $0xFFFF  }
0x121: {  	_ =	strace $0x9000004A  }
0x122: {  	s0 =	stileid.u32;
	[bflag:$0x2] =	sbarrier.arrive $0xFFFF  }
0x123: {  	p0 =	sne.s32 s0, $0x0;
	s0 =	rddreg [dreg:$0x2]  }
0x124: {  	s0 =	sadd.s32 @!p0 $0x100000, s0  }
0x125: {  	[sflag:s0] =	ssyncadd.tile.s32 @!p0 $0x1;
	_ =	shalt  }
.Lfunc_end2:
_tile_overlayer_lowered:
.L_overlay_start_2:
0x126: {  	(tag) =	ssettag $0x2  }
0x127: {  	s0 =	rddreg [dreg:$0x0];
	s2 =	stileid.u32  }
0x128: {  	s1 =	rddreg [dreg:$0x1];
	p0 =	sne.s32 s2, $0x0  }
0x129: {  	s3 =	rddreg [dreg:$0x2];
	[bflag:$0x3] =	sbarrier.arrive $0xFFFF;
	s2 =	simm.s32 @!p0 $0x1C02  }
0x12a: {  	[timem:s3], [sflag:s2] =	dma.local @!p0 [hbm:s0], s1  }
0x12b: {  	s0 =	simm.s32 @!p0 $0x2  }
0x12c: {  	_ =	swait.ge @!p0 [sflag:s0], s1  }
0x12d: {  	s1 =	ssub.s32 @!p0 $0x0, s1;
	[sflag:s0] =	ssyncset.done @!p0 $0x0  }
0x12e: {  	[sflag:s0] =	ssyncadd.s32 @!p0 s1  }
0x12f: {  	[bflag:$0x3] =	sbarrier.arrive $0xFFFF  }
0x130: {  	_ =	shalt  }

</sc_bundles>
